<compile_context>
chip_gen: v7x
topology: tpu7x:2x2x1
jax: 0.10.2.dev20260603
libtpu: 0.0.44.dev20260713+nightly
codegen_flags: <defaults>
</compile_context>

<pallas_src>
import functools

import jax
import jax.numpy as jnp
from jax import lax
from jax.experimental import pallas as pl
from jax.experimental.pallas import tpu as pltpu
from jax.experimental.pallas import tpu_sc as plsc

N = 10000
D = 128
E = 320000
NC = 2
NS = 16
NW = NC * NS
CH = 128
CPT = 80
EP = NW * CPT * CH
NP = 10240
RPT = NP // NS


def _sc_mesh():
    return plsc.VectorSubcoreMesh(core_axis_name="c", subcore_axis_name="s")


def _sc_hist(dstp, zflat, ones):
    @functools.partial(
        pl.kernel,
        mesh=_sc_mesh(),
        out_type=jax.ShapeDtypeStruct((NC, NP), jnp.float32),
        scratch_types=[
            pltpu.VMEM_SHARED((NP,), jnp.float32),
            pltpu.VMEM((CPT, CH), jnp.int32),
            pltpu.VMEM((CH,), jnp.float32),
            pltpu.SemaphoreType.DMA,
        ],
    )
    def k(dst_h, zflat_h, ones_h, out_h, hsh, dv, ov, hsem):
        c = lax.axis_index("c")
        s = lax.axis_index("s")
        wid = c * NS + s
        rs = s * RPT
        pltpu.sync_copy(zflat_h, hsh.at[pl.ds(rs, RPT)])
        pltpu.sync_copy(ones_h, ov)
        pltpu.sync_copy(dst_h.at[wid], dv)
        plsc.subcore_barrier()

        W8 = 20

        def body(w, carry):
            for i in range(W8):
                pltpu.async_copy(ov, hsh.at[dv.at[w * W8 + i]], hsem, add=True)
            for i in range(W8):
                pltpu.make_async_copy(ov, hsh.at[dv.at[w * W8 + i]], hsem).wait()
            return carry

        lax.fori_loop(0, CPT // W8, body, 0)
        plsc.subcore_barrier()
        pltpu.sync_copy(hsh.at[pl.ds(rs, RPT)], out_h.at[c, pl.ds(rs, RPT)])

    return k(dstp, zflat, ones)


def _sc_agg(table, srcp, dstp):
    @functools.partial(
        pl.kernel,
        mesh=_sc_mesh(),
        out_type=jax.ShapeDtypeStruct((NC, NP, D), jnp.float32),
        scratch_types=[
            pltpu.VMEM_SHARED((NP, D), jnp.float32),
            pltpu.VMEM((CPT // 2, CH), jnp.int32),
            pltpu.VMEM((CPT // 2, CH), jnp.int32),
            pltpu.VMEM((CH, D), jnp.float32),
            pltpu.VMEM((CH, D), jnp.float32),
            pltpu.SemaphoreType.DMA,
            pltpu.SemaphoreType.DMA,
        ],
    )
    def k(table_h, src_h, dst_h, part_h, acc, sv, dvx, rows0, rows1,
          sem0, sem1):
        c = lax.axis_index("c")
        s = lax.axis_index("s")
        wid = c * NS + s
        rs = s * RPT
        H = CPT // 2

        pltpu.async_copy(src_h.at[wid, pl.ds(0, H)], sv, sem0)
        pltpu.async_copy(dst_h.at[wid, pl.ds(0, H)], dvx, sem1)

        @pl.when(c == 0)
        def _():
            pltpu.sync_copy(table_h.at[pl.ds(rs, RPT)], acc.at[pl.ds(rs, RPT)])

        @pl.when(c != 0)
        def _():
            def zbody(i, carry):
                rows0[i // 8, pl.ds((i % 8) * 16, 16)] = jnp.zeros(
                    (16,), jnp.float32)
                return carry

            lax.fori_loop(0, CH * D // 16, zbody, 0)
            for b in range(RPT // CH):
                pltpu.sync_copy(rows0, acc.at[pl.ds(rs + b * CH, CH)])

        pltpu.make_async_copy(src_h.at[wid, pl.ds(0, H)], sv, sem0).wait()
        pltpu.make_async_copy(dst_h.at[wid, pl.ds(0, H)], dvx, sem1).wait()
        plsc.subcore_barrier()

        for h in range(2):
            if h == 1:
                pltpu.sync_copy(src_h.at[wid, pl.ds(h * H, H)], sv)
                pltpu.sync_copy(dst_h.at[wid, pl.ds(h * H, H)], dvx)
            pltpu.async_copy(table_h.at[sv.at[0]], rows0, sem0)

            def body(k, carry):
                j0 = 2 * k
                j1 = j0 + 1
                pltpu.async_copy(table_h.at[sv.at[j1]], rows1, sem1)
                pltpu.make_async_copy(table_h.at[sv.at[j0]], rows0, sem0).wait()
                pltpu.sync_copy(rows0, acc.at[dvx.at[j0]], add=True)

                @pl.when(k < H // 2 - 1)
                def _():
                    pltpu.async_copy(table_h.at[sv.at[j0 + 2]], rows0, sem0)

                pltpu.make_async_copy(table_h.at[sv.at[j1]], rows1, sem1).wait()
                pltpu.sync_copy(rows1, acc.at[dvx.at[j1]], add=True)
                return carry

            lax.fori_loop(0, H // 2, body, 0)
        plsc.subcore_barrier()
        pltpu.sync_copy(acc.at[pl.ds(rs, RPT)], part_h.at[c, pl.ds(rs, RPT)])

    return k(table, srcp, dstp)


def _dinv_block(hist_blk):
    deg = hist_blk[0, :] + hist_blk[1, :] + 1.0
    return lax.rsqrt(deg)


def _tc1_body(hist_ref, x_ref, w_ref, o_ref):
    dinv = _dinv_block(hist_ref[...])
    xw = jnp.dot(x_ref[...], w_ref[...], preferred_element_type=jnp.float32)
    o_ref[...] = xw * dinv[:, None]


def _tc1(hist, xp, W1):
    return pl.pallas_call(
        _tc1_body,
        out_shape=jax.ShapeDtypeStruct((NP, D), jnp.float32),
    )(hist, xp, W1)


def _tc2_body(p_ref, hist_ref, b_ref, w_ref, o_ref):
    dinv = _dinv_block(hist_ref[...])
    ssum = p_ref[0] + p_ref[1]
    hid = jnp.maximum(ssum * dinv[:, None] + b_ref[...], 0.0)
    hw = jnp.dot(hid, w_ref[...], preferred_element_type=jnp.float32)
    o_ref[...] = hw * dinv[:, None]


def _tc2(part, hist, b1r, W2):
    return pl.pallas_call(
        _tc2_body,
        out_shape=jax.ShapeDtypeStruct((NP, D), jnp.float32),
    )(part, hist, b1r, W2)


def _tc3_body(p_ref, hist_ref, b_ref, o_ref):
    dinv = _dinv_block(hist_ref[...])
    o = (p_ref[0] + p_ref[1]) * dinv[:, None] + b_ref[...]
    m = jnp.max(o, axis=1, keepdims=True)
    z = o - m
    lse = jnp.log(jnp.sum(jnp.exp(z), axis=1, keepdims=True))
    o_ref[...] = z - lse


def _tc3(part, hist, b2r):
    return pl.pallas_call(
        _tc3_body,
        out_shape=jax.ShapeDtypeStruct((NP, D), jnp.float32),
    )(part, hist, b2r)


def kernel(x, edge_index, W1, b1, W2, b2):
    src = edge_index[0]
    dst = edge_index[1]
    pad = N + (jnp.arange(EP - E, dtype=jnp.int32) % (NP - N))
    srcp = jnp.concatenate([src, pad]).reshape(NW, CPT, CH)
    dstp = jnp.concatenate([dst, pad]).reshape(NW, CPT, CH)
    xp = jnp.pad(x, ((0, NP - N), (0, 0)))
    zflat = jnp.zeros((RPT,), jnp.float32)
    ones = jnp.ones((CH,), jnp.float32)

    hist = _sc_hist(dstp, zflat, ones)
    hp1 = _tc1(hist, xp, W1)
    p1 = _sc_agg(hp1, srcp, dstp)
    hp2 = _tc2(p1, hist, b1.reshape(1, D), W2)
    p2 = _sc_agg(hp2, srcp, dstp)
    out = _tc3(p2, hist, b2.reshape(1, D))
    return out[:N]

# --- scband reference (transcript-rebuilt; emitter-appended) ---
"""Pipeline reference for scband-graph-cnn-3882650436681 (READ-ONLY COPY).

The authoritative reference and input builder live on the scoring server;
editing this copy changes nothing except your own understanding.
"""

import jax, jax.numpy as jnp
import numpy as np

N_NODES = 10000
N_EDGES = 320000
D_IN = 128
D_HID = 128
D_OUT = 128


def _glorot(key, shape):
    fan_in, fan_out = shape[0], shape[1]
    limit = jnp.sqrt(6.0 / (fan_in + fan_out))
    return jax.random.uniform(key, shape, jnp.float32, -limit, limit)


def setup_inputs(seed: int = 0) -> dict:
    key = jax.random.key(seed)
    ks = jax.random.split(key, 6)
    x = jax.random.normal(ks[0], (N_NODES, D_IN), jnp.float32)
    edge_index = jax.random.randint(ks[1], (2, N_EDGES), 0, N_NODES, dtype=jnp.int32)
    W1 = _glorot(ks[2], (D_IN, D_HID))
    b1 = jnp.zeros((D_HID,), jnp.float32)
    W2 = _glorot(ks[3], (D_HID, D_OUT))
    b2 = jnp.zeros((D_OUT,), jnp.float32)
    return {"x": x, "edge_index": edge_index, "W1": W1, "b1": b1, "W2": W2, "b2": b2}


def _gcn_norm(edge_index, num_nodes):
    # PyG GCNConv default: add self-loops, symmetric normalization D^-1/2 A D^-1/2
    src = edge_index[0]
    dst = edge_index[1]
    loop = jnp.arange(num_nodes, dtype=edge_index.dtype)
    src = jnp.concatenate([src, loop])
    dst = jnp.concatenate([dst, loop])
    deg = jnp.zeros((num_nodes,), jnp.float32).at[dst].add(1.0)
    deg_inv_sqrt = jnp.where(deg > 0, 1.0 / jnp.sqrt(deg), 0.0)
    norm = deg_inv_sqrt[src] * deg_inv_sqrt[dst]
    return src, dst, norm


def _gcn_conv(x, src, dst, norm, W, b):
    h = x @ W
    msg = h[src] * norm[:, None]
    out = jnp.zeros((x.shape[0], W.shape[1]), dtype=h.dtype).at[dst].add(msg)
    return out + b


def reference(x, edge_index, W1, b1, W2, b2):
    n = x.shape[0]
    src, dst, norm = _gcn_norm(edge_index, n)
    hid = _gcn_conv(x, src, dst, norm, W1, b1)
    hid = jax.nn.relu(hid)
    out = _gcn_conv(hid, src, dst, norm, W2, b2)
    return jax.nn.log_softmax(out, axis=1)

if __name__ == "__main__":
    import jax
    _d = setup_inputs()
    print(jax.jit(kernel)(*tuple(_d.values())))

</pallas_src>

<mosaic_0001>
#map = affine_map<(d0, d1) -> (0, 0)>
#map1 = affine_map<(d0, d1) -> (0, 0, 0)>
module attributes {stable_mosaic.version = 14 : i64} {
  func.func @k(%arg0: i32, %arg1: i32, %arg2: memref<10240x128xf32, #tpu.memory_space<hbm>>, %arg3: memref<32x80x128xi32, #tpu.memory_space<hbm>>, %arg4: memref<32x80x128xi32, #tpu.memory_space<hbm>>, %arg5: memref<2x10240x128xf32, #tpu.memory_space<hbm>>, %arg6: memref<10240x128xf32, #tpu.memory_space<vmem_shared>>, %arg7: memref<40x128xi32, #tpu.memory_space<vmem>>, %arg8: memref<40x128xi32, #tpu.memory_space<vmem>>, %arg9: memref<128x128xf32, #tpu.memory_space<vmem>>, %arg10: memref<128x128xf32, #tpu.memory_space<vmem>>, %arg11: memref<!tpu.dma_semaphore, #tpu.memory_space<semaphore_mem>>, %arg12: memref<!tpu.dma_semaphore, #tpu.memory_space<semaphore_mem>>) attributes {dimension_semantics = [#tpu.dimension_semantics<core_parallel>, #tpu.dimension_semantics<subcore_parallel>], iteration_bounds = array<i64: 2, 16>, scalar_prefetch = 0 : i64, scratch_operands = 7 : i64, tpu.core_type = #tpu.core_type<sc_vector_subcore>, window_params = [{transform_indices = #map}, {transform_indices = #map1}, {transform_indices = #map1}, {transform_indices = #map1}]} {
    %mul3A = arith.constant 16 : i32
    %mul3A_0 = arith.muli %arg0, %mul3A : i32
    %add3A = arith.addi %mul3A_0, %arg1 : i32
    %mul3A_1 = arith.constant 640 : i32
    %mul3A_2 = arith.muli %arg1, %mul3A_1 : i32
    %dma_start3A = arith.constant 0 : i32
    %dma_start3A_3 = arith.constant 0 : i32
    %dma_start3A_4 = tpu.memref_slice %arg3[%add3A, %dma_start3A, %dma_start3A_3] : memref<32x80x128xi32, #tpu.memory_space<hbm>> -> memref<1x40x128xi32, #tpu.memory_space<hbm>>
    %dma_start3A_5 = tpu.memref_squeeze %dma_start3A_4 : memref<1x40x128xi32, #tpu.memory_space<hbm>> -> memref<40x128xi32, #tpu.memory_space<hbm>>
    %dma_start3A_6 = arith.constant 0 : i32
    %dma_start3A_7 = arith.constant 0 : i32
    %dma_start3A_8 = tpu.memref_slice %arg3[%add3A, %dma_start3A_6, %dma_start3A_7] : memref<32x80x128xi32, #tpu.memory_space<hbm>> -> memref<1x40x128xi32, #tpu.memory_space<hbm>>
    %dma_start3A_9 = tpu.memref_squeeze %dma_start3A_8 : memref<1x40x128xi32, #tpu.memory_space<hbm>> -> memref<40x128xi32, #tpu.memory_space<hbm>>
    tpu.enqueue_dma source(%dma_start3A_9 : memref<40x128xi32, #tpu.memory_space<hbm>>) target(%arg7 : memref<40x128xi32, #tpu.memory_space<vmem>>) target_semaphore(%arg11 : memref<!tpu.dma_semaphore, #tpu.memory_space<semaphore_mem>>)
    %dma_start3A_10 = arith.constant 0 : i32
    %dma_start3A_11 = arith.constant 0 : i32
    %dma_start3A_12 = tpu.memref_slice %arg4[%add3A, %dma_start3A_10, %dma_start3A_11] : memref<32x80x128xi32, #tpu.memory_space<hbm>> -> memref<1x40x128xi32, #tpu.memory_space<hbm>>
    %dma_start3A_13 = tpu.memref_squeeze %dma_start3A_12 : memref<1x40x128xi32, #tpu.memory_space<hbm>> -> memref<40x128xi32, #tpu.memory_space<hbm>>
    %dma_start3A_14 = arith.constant 0 : i32
    %dma_start3A_15 = arith.constant 0 : i32
    %dma_start3A_16 = tpu.memref_slice %arg4[%add3A, %dma_start3A_14, %dma_start3A_15] : memref<32x80x128xi32, #tpu.memory_space<hbm>> -> memref<1x40x128xi32, #tpu.memory_space<hbm>>
    %dma_start3A_17 = tpu.memref_squeeze %dma_start3A_16 : memref<1x40x128xi32, #tpu.memory_space<hbm>> -> memref<40x128xi32, #tpu.memory_space<hbm>>
    tpu.enqueue_dma source(%dma_start3A_17 : memref<40x128xi32, #tpu.memory_space<hbm>>) target(%arg8 : memref<40x128xi32, #tpu.memory_space<vmem>>) target_semaphore(%arg12 : memref<!tpu.dma_semaphore, #tpu.memory_space<semaphore_mem>>)
    %eq3A = arith.constant 0 : i32
    %eq3A_18 = arith.cmpi eq, %arg0, %eq3A : i32
    %convert_element_type3A = arith.extui %eq3A_18 : i1 to i32
    %cond3A = arith.constant 0 : i32
    %cond3A_19 = arith.cmpi ne, %convert_element_type3A, %cond3A : i32
    scf.if %cond3A_19 {
      "tpu.region"() ({
        %run_scoped3A = tpu.sem_alloc : memref<!tpu.dma_semaphore, #tpu.memory_space<semaphore_mem>>
        %dma_start3A_65 = arith.constant 0 : i32
        %dma_start3A_66 = tpu.memref_slice %arg6[%mul3A_2, %dma_start3A_65] : memref<10240x128xf32, #tpu.memory_space<vmem_shared>> -> memref<640x128xf32, #tpu.memory_space<vmem_shared>>
        %dma_start3A_67 = arith.constant 0 : i32
        %dma_start3A_68 = tpu.memref_slice %arg2[%mul3A_2, %dma_start3A_67] : memref<10240x128xf32, #tpu.memory_space<hbm>> -> memref<640x128xf32, #tpu.memory_space<hbm>>
        tpu.enqueue_dma source(%dma_start3A_68 : memref<640x128xf32, #tpu.memory_space<hbm>>) target(%dma_start3A_66 : memref<640x128xf32, #tpu.memory_space<vmem_shared>>) target_semaphore(%run_scoped3A : memref<!tpu.dma_semaphore, #tpu.memory_space<semaphore_mem>>)
        %dma_wait3A_69 = arith.constant 0 : i32
        %dma_wait3A_70 = tpu.memref_slice %arg6[%mul3A_2, %dma_wait3A_69] : memref<10240x128xf32, #tpu.memory_space<vmem_shared>> -> memref<640x128xf32, #tpu.memory_space<vmem_shared>>
        %dma_wait3A_71 = arith.constant 0 : i32
        %dma_wait3A_72 = tpu.memref_slice %arg2[%mul3A_2, %dma_wait3A_71] : memref<10240x128xf32, #tpu.memory_space<hbm>> -> memref<640x128xf32, #tpu.memory_space<hbm>>
        tpu.wait_dma2 semaphore(%run_scoped3A : memref<!tpu.dma_semaphore, #tpu.memory_space<semaphore_mem>>) src(%dma_wait3A_72 : memref<640x128xf32, #tpu.memory_space<hbm>>) dst(%dma_wait3A_70 : memref<640x128xf32, #tpu.memory_space<vmem_shared>>)
        tpu.yield
      }) : () -> ()
    } else {
    }
    %ne3A = arith.constant 0 : i32
    %ne3A_20 = arith.cmpi ne, %arg0, %ne3A : i32
    %convert_element_type3A_21 = arith.extui %ne3A_20 : i1 to i32
    %cond3A_22 = arith.constant 0 : i32
    %cond3A_23 = arith.cmpi ne, %convert_element_type3A_21, %cond3A_22 : i32
    scf.if %cond3A_23 {
      %scan3A_65 = arith.constant 0 : i32
      %scan3A_66 = arith.constant 0 : i32
      %scan3A_67 = arith.constant 1024 : i32
      %scan3A_68 = arith.addi %scan3A_66, %scan3A_67 : i32
      %scan3A_69 = arith.constant 1 : i32
      scf.for %scan3A_81 = %scan3A_66 to %scan3A_68 step %scan3A_69  : i32 {
        %broadcast_in_dim3A = arith.constant 0.000000e+00 : f32
        %broadcast_in_dim3A_82 = vector.broadcast %broadcast_in_dim3A : f32 to vector<16xf32>
        %jit3A = arith.constant 8 : i32
        %div3A = arith.divsi %scan3A_81, %jit3A : i32
        %sign3A = arith.constant 0 : i32
        %sign3A_83 = arith.cmpi sgt, %scan3A_81, %sign3A : i32
        %sign3A_84 = arith.extui %sign3A_83 : i1 to i32
        %sign3A_85 = arith.constant 0 : i32
        %sign3A_86 = arith.cmpi slt, %scan3A_81, %sign3A_85 : i32
        %sign3A_87 = arith.extui %sign3A_86 : i1 to i32
        %sign3A_88 = arith.subi %sign3A_84, %sign3A_87 : i32
        %sign3A_89 = arith.constant 0 : i32
        %sign3A_90 = arith.cmpi sgt, %jit3A, %sign3A_89 : i32
        %sign3A_91 = arith.extui %sign3A_90 : i1 to i32
        %sign3A_92 = arith.constant 0 : i32
        %sign3A_93 = arith.cmpi slt, %jit3A, %sign3A_92 : i32
        %sign3A_94 = arith.extui %sign3A_93 : i1 to i32
        %sign3A_95 = arith.subi %sign3A_91, %sign3A_94 : i32
        %ne3A_96 = arith.cmpi ne, %sign3A_88, %sign3A_95 : i32
        %rem3A = arith.remsi %scan3A_81, %jit3A : i32
        %ne3A_97 = arith.constant 0 : i32
        %ne3A_98 = arith.cmpi ne, %rem3A, %ne3A_97 : i32
        %and3A = arith.andi %ne3A_96, %ne3A_98 : i1
        %sub3A = arith.constant 1 : i32
        %sub3A_99 = arith.subi %div3A, %sub3A : i32
        %select_n3A = arith.select %and3A, %sub3A_99, %div3A : i32
        %jit3A_100 = arith.constant 8 : i32
        %eq3A_101 = arith.constant 0 : i32
        %eq3A_102 = arith.cmpi eq, %jit3A_100, %eq3A_101 : i32
        %jit3A_103 = arith.constant 1 : i32
        %select_n3A_104 = arith.select %eq3A_102, %jit3A_103, %jit3A_100 : i32
        %rem3A_105 = arith.remsi %scan3A_81, %select_n3A_104 : i32
        %ne3A_106 = arith.constant 0 : i32
        %ne3A_107 = arith.cmpi ne, %rem3A_105, %ne3A_106 : i32
        %lt3A = arith.constant 0 : i32
        %lt3A_108 = arith.cmpi slt, %rem3A_105, %lt3A : i32
        %lt3A_109 = arith.constant 0 : i32
        %lt3A_110 = arith.cmpi slt, %select_n3A_104, %lt3A_109 : i32
        %ne3A_111 = arith.xori %lt3A_108, %lt3A_110 : i1
        %and3A_112 = arith.andi %ne3A_111, %ne3A_107 : i1
        %add3A_113 = arith.addi %rem3A_105, %select_n3A_104 : i32
        %select_n3A_114 = arith.select %and3A_112, %add3A_113, %rem3A_105 : i32
        %mul3A_115 = arith.constant 16 : i32
        %mul3A_116 = arith.muli %select_n3A_114, %mul3A_115 : i32
        %swap3A = arith.index_cast %select_n3A : i32 to index
        %swap3A_117 = arith.index_cast %mul3A_116 : i32 to index
        %swap3A_118 = tpu.vector_load %arg9[%swap3A, %swap3A_117] {strides = array<i32>} : memref<128x128xf32, #tpu.memory_space<vmem>>, vector<1x16xf32>,
        %swap3A_119 = vector.shape_cast %swap3A_118 : vector<1x16xf32> to vector<16xf32>
        %swap3A_120 = vector.shape_cast %broadcast_in_dim3A_82 : vector<16xf32> to vector<1x16xf32>
        tpu.vector_store %arg9[%swap3A, %swap3A_117], %swap3A_120 {strides = array<i32>} : memref<128x128xf32, #tpu.memory_space<vmem>>, vector<1x16xf32>,
      }
      %scan3A_70 = arith.constant 1024 : i32
      %add3A_71 = arith.constant 0 : i32
      %add3A_72 = arith.addi %mul3A_2, %add3A_71 : i32
      "tpu.region"() ({
        %run_scoped3A = tpu.sem_alloc : memref<!tpu.dma_semaphore, #tpu.memory_space<semaphore_mem>>
        %dma_start3A_81 = arith.constant 0 : i32
        %dma_start3A_82 = tpu.memref_slice %arg6[%add3A_72, %dma_start3A_81] : memref<10240x128xf32, #tpu.memory_space<vmem_shared>> -> memref<128x128xf32, #tpu.memory_space<vmem_shared>>
        %dma_start3A_83 = arith.constant 0 : i32
        %dma_start3A_84 = tpu.memref_slice %arg6[%add3A_72, %dma_start3A_83] : memref<10240x128xf32, #tpu.memory_space<vmem_shared>> -> memref<128x128xf32, #tpu.memory_space<vmem_shared>>
        tpu.enqueue_dma source(%arg9 : memref<128x128xf32, #tpu.memory_space<vmem>>) target(%dma_start3A_84 : memref<128x128xf32, #tpu.memory_space<vmem_shared>>) target_semaphore(%run_scoped3A : memref<!tpu.dma_semaphore, #tpu.memory_space<semaphore_mem>>)
        %dma_wait3A_85 = arith.constant 0 : i32
        %dma_wait3A_86 = tpu.memref_slice %arg6[%add3A_72, %dma_wait3A_85] : memref<10240x128xf32, #tpu.memory_space<vmem_shared>> -> memref<128x128xf32, #tpu.memory_space<vmem_shared>>
        %dma_wait3A_87 = arith.constant 0 : i32
        %dma_wait3A_88 = tpu.memref_slice %arg6[%add3A_72, %dma_wait3A_87] : memref<10240x128xf32, #tpu.memory_space<vmem_shared>> -> memref<128x128xf32, #tpu.memory_space<vmem_shared>>
        tpu.wait_dma2 semaphore(%run_scoped3A : memref<!tpu.dma_semaphore, #tpu.memory_space<semaphore_mem>>) src(%arg9 : memref<128x128xf32, #tpu.memory_space<vmem>>) dst(%dma_wait3A_88 : memref<128x128xf32, #tpu.memory_space<vmem_shared>>)
        tpu.yield
      }) : () -> ()
      %add3A_73 = arith.constant 128 : i32
      %add3A_74 = arith.addi %mul3A_2, %add3A_73 : i32
      "tpu.region"() ({
        %run_scoped3A = tpu.sem_alloc : memref<!tpu.dma_semaphore, #tpu.memory_space<semaphore_mem>>
        %dma_start3A_81 = arith.constant 0 : i32
        %dma_start3A_82 = tpu.memref_slice %arg6[%add3A_74, %dma_start3A_81] : memref<10240x128xf32, #tpu.memory_space<vmem_shared>> -> memref<128x128xf32, #tpu.memory_space<vmem_shared>>
        %dma_start3A_83 = arith.constant 0 : i32
        %dma_start3A_84 = tpu.memref_slice %arg6[%add3A_74, %dma_start3A_83] : memref<10240x128xf32, #tpu.memory_space<vmem_shared>> -> memref<128x128xf32, #tpu.memory_space<vmem_shared>>
        tpu.enqueue_dma source(%arg9 : memref<128x128xf32, #tpu.memory_space<vmem>>) target(%dma_start3A_84 : memref<128x128xf32, #tpu.memory_space<vmem_shared>>) target_semaphore(%run_scoped3A : memref<!tpu.dma_semaphore, #tpu.memory_space<semaphore_mem>>)
        %dma_wait3A_85 = arith.constant 0 : i32
        %dma_wait3A_86 = tpu.memref_slice %arg6[%add3A_74, %dma_wait3A_85] : memref<10240x128xf32, #tpu.memory_space<vmem_shared>> -> memref<128x128xf32, #tpu.memory_space<vmem_shared>>
        %dma_wait3A_87 = arith.constant 0 : i32
        %dma_wait3A_88 = tpu.memref_slice %arg6[%add3A_74, %dma_wait3A_87] : memref<10240x128xf32, #tpu.memory_space<vmem_shared>> -> memref<128x128xf32, #tpu.memory_space<vmem_shared>>
        tpu.wait_dma2 semaphore(%run_scoped3A : memref<!tpu.dma_semaphore, #tpu.memory_space<semaphore_mem>>) src(%arg9 : memref<128x128xf32, #tpu.memory_space<vmem>>) dst(%dma_wait3A_88 : memref<128x128xf32, #tpu.memory_space<vmem_shared>>)
        tpu.yield
      }) : () -> ()
      %add3A_75 = arith.constant 256 : i32
      %add3A_76 = arith.addi %mul3A_2, %add3A_75 : i32
      "tpu.region"() ({
        %run_scoped3A = tpu.sem_alloc : memref<!tpu.dma_semaphore, #tpu.memory_space<semaphore_mem>>
        %dma_start3A_81 = arith.constant 0 : i32
        %dma_start3A_82 = tpu.memref_slice %arg6[%add3A_76, %dma_start3A_81] : memref<10240x128xf32, #tpu.memory_space<vmem_shared>> -> memref<128x128xf32, #tpu.memory_space<vmem_shared>>
        %dma_start3A_83 = arith.constant 0 : i32
        %dma_start3A_84 = tpu.memref_slice %arg6[%add3A_76, %dma_start3A_83] : memref<10240x128xf32, #tpu.memory_space<vmem_shared>> -> memref<128x128xf32, #tpu.memory_space<vmem_shared>>
        tpu.enqueue_dma source(%arg9 : memref<128x128xf32, #tpu.memory_space<vmem>>) target(%dma_start3A_84 : memref<128x128xf32, #tpu.memory_space<vmem_shared>>) target_semaphore(%run_scoped3A : memref<!tpu.dma_semaphore, #tpu.memory_space<semaphore_mem>>)
        %dma_wait3A_85 = arith.constant 0 : i32
        %dma_wait3A_86 = tpu.memref_slice %arg6[%add3A_76, %dma_wait3A_85] : memref<10240x128xf32, #tpu.memory_space<vmem_shared>> -> memref<128x128xf32, #tpu.memory_space<vmem_shared>>
        %dma_wait3A_87 = arith.constant 0 : i32
        %dma_wait3A_88 = tpu.memref_slice %arg6[%add3A_76, %dma_wait3A_87] : memref<10240x128xf32, #tpu.memory_space<vmem_shared>> -> memref<128x128xf32, #tpu.memory_space<vmem_shared>>
        tpu.wait_dma2 semaphore(%run_scoped3A : memref<!tpu.dma_semaphore, #tpu.memory_space<semaphore_mem>>) src(%arg9 : memref<128x128xf32, #tpu.memory_space<vmem>>) dst(%dma_wait3A_88 : memref<128x128xf32, #tpu.memory_space<vmem_shared>>)
        tpu.yield
      }) : () -> ()
      %add3A_77 = arith.constant 384 : i32
      %add3A_78 = arith.addi %mul3A_2, %add3A_77 : i32
      "tpu.region"() ({
        %run_scoped3A = tpu.sem_alloc : memref<!tpu.dma_semaphore, #tpu.memory_space<semaphore_mem>>
        %dma_start3A_81 = arith.constant 0 : i32
        %dma_start3A_82 = tpu.memref_slice %arg6[%add3A_78, %dma_start3A_81] : memref<10240x128xf32, #tpu.memory_space<vmem_shared>> -> memref<128x128xf32, #tpu.memory_space<vmem_shared>>
        %dma_start3A_83 = arith.constant 0 : i32
        %dma_start3A_84 = tpu.memref_slice %arg6[%add3A_78, %dma_start3A_83] : memref<10240x128xf32, #tpu.memory_space<vmem_shared>> -> memref<128x128xf32, #tpu.memory_space<vmem_shared>>
        tpu.enqueue_dma source(%arg9 : memref<128x128xf32, #tpu.memory_space<vmem>>) target(%dma_start3A_84 : memref<128x128xf32, #tpu.memory_space<vmem_shared>>) target_semaphore(%run_scoped3A : memref<!tpu.dma_semaphore, #tpu.memory_space<semaphore_mem>>)
        %dma_wait3A_85 = arith.constant 0 : i32
        %dma_wait3A_86 = tpu.memref_slice %arg6[%add3A_78, %dma_wait3A_85] : memref<10240x128xf32, #tpu.memory_space<vmem_shared>> -> memref<128x128xf32, #tpu.memory_space<vmem_shared>>
        %dma_wait3A_87 = arith.constant 0 : i32
        %dma_wait3A_88 = tpu.memref_slice %arg6[%add3A_78, %dma_wait3A_87] : memref<10240x128xf32, #tpu.memory_space<vmem_shared>> -> memref<128x128xf32, #tpu.memory_space<vmem_shared>>
        tpu.wait_dma2 semaphore(%run_scoped3A : memref<!tpu.dma_semaphore, #tpu.memory_space<semaphore_mem>>) src(%arg9 : memref<128x128xf32, #tpu.memory_space<vmem>>) dst(%dma_wait3A_88 : memref<128x128xf32, #tpu.memory_space<vmem_shared>>)
        tpu.yield
      }) : () -> ()
      %add3A_79 = arith.constant 512 : i32
      %add3A_80 = arith.addi %mul3A_2, %add3A_79 : i32
      "tpu.region"() ({
        %run_scoped3A = tpu.sem_alloc : memref<!tpu.dma_semaphore, #tpu.memory_space<semaphore_mem>>
        %dma_start3A_81 = arith.constant 0 : i32
        %dma_start3A_82 = tpu.memref_slice %arg6[%add3A_80, %dma_start3A_81] : memref<10240x128xf32, #tpu.memory_space<vmem_shared>> -> memref<128x128xf32, #tpu.memory_space<vmem_shared>>
        %dma_start3A_83 = arith.constant 0 : i32
        %dma_start3A_84 = tpu.memref_slice %arg6[%add3A_80, %dma_start3A_83] : memref<10240x128xf32, #tpu.memory_space<vmem_shared>> -> memref<128x128xf32, #tpu.memory_space<vmem_shared>>
        tpu.enqueue_dma source(%arg9 : memref<128x128xf32, #tpu.memory_space<vmem>>) target(%dma_start3A_84 : memref<128x128xf32, #tpu.memory_space<vmem_shared>>) target_semaphore(%run_scoped3A : memref<!tpu.dma_semaphore, #tpu.memory_space<semaphore_mem>>)
        %dma_wait3A_85 = arith.constant 0 : i32
        %dma_wait3A_86 = tpu.memref_slice %arg6[%add3A_80, %dma_wait3A_85] : memref<10240x128xf32, #tpu.memory_space<vmem_shared>> -> memref<128x128xf32, #tpu.memory_space<vmem_shared>>
        %dma_wait3A_87 = arith.constant 0 : i32
        %dma_wait3A_88 = tpu.memref_slice %arg6[%add3A_80, %dma_wait3A_87] : memref<10240x128xf32, #tpu.memory_space<vmem_shared>> -> memref<128x128xf32, #tpu.memory_space<vmem_shared>>
        tpu.wait_dma2 semaphore(%run_scoped3A : memref<!tpu.dma_semaphore, #tpu.memory_space<semaphore_mem>>) src(%arg9 : memref<128x128xf32, #tpu.memory_space<vmem>>) dst(%dma_wait3A_88 : memref<128x128xf32, #tpu.memory_space<vmem_shared>>)
        tpu.yield
      }) : () -> ()
    } else {
    }
    %dma_wait3A = arith.constant 0 : i32
    %dma_wait3A_24 = arith.constant 0 : i32
    %dma_wait3A_25 = tpu.memref_slice %arg3[%add3A, %dma_wait3A, %dma_wait3A_24] : memref<32x80x128xi32, #tpu.memory_space<hbm>> -> memref<1x40x128xi32, #tpu.memory_space<hbm>>
    %dma_wait3A_26 = tpu.memref_squeeze %dma_wait3A_25 : memref<1x40x128xi32, #tpu.memory_space<hbm>> -> memref<40x128xi32, #tpu.memory_space<hbm>>
    %dma_wait3A_27 = arith.constant 0 : i32
    %dma_wait3A_28 = arith.constant 0 : i32
    %dma_wait3A_29 = tpu.memref_slice %arg3[%add3A, %dma_wait3A_27, %dma_wait3A_28] : memref<32x80x128xi32, #tpu.memory_space<hbm>> -> memref<1x40x128xi32, #tpu.memory_space<hbm>>
    %dma_wait3A_30 = tpu.memref_squeeze %dma_wait3A_29 : memref<1x40x128xi32, #tpu.memory_space<hbm>> -> memref<40x128xi32, #tpu.memory_space<hbm>>
    tpu.wait_dma2 semaphore(%arg11 : memref<!tpu.dma_semaphore, #tpu.memory_space<semaphore_mem>>) src(%dma_wait3A_30 : memref<40x128xi32, #tpu.memory_space<hbm>>) dst(%arg7 : memref<40x128xi32, #tpu.memory_space<vmem>>)
    %dma_wait3A_31 = arith.constant 0 : i32
    %dma_wait3A_32 = arith.constant 0 : i32
    %dma_wait3A_33 = tpu.memref_slice %arg4[%add3A, %dma_wait3A_31, %dma_wait3A_32] : memref<32x80x128xi32, #tpu.memory_space<hbm>> -> memref<1x40x128xi32, #tpu.memory_space<hbm>>
    %dma_wait3A_34 = tpu.memref_squeeze %dma_wait3A_33 : memref<1x40x128xi32, #tpu.memory_space<hbm>> -> memref<40x128xi32, #tpu.memory_space<hbm>>
    %dma_wait3A_35 = arith.constant 0 : i32
    %dma_wait3A_36 = arith.constant 0 : i32
    %dma_wait3A_37 = tpu.memref_slice %arg4[%add3A, %dma_wait3A_35, %dma_wait3A_36] : memref<32x80x128xi32, #tpu.memory_space<hbm>> -> memref<1x40x128xi32, #tpu.memory_space<hbm>>
    %dma_wait3A_38 = tpu.memref_squeeze %dma_wait3A_37 : memref<1x40x128xi32, #tpu.memory_space<hbm>> -> memref<40x128xi32, #tpu.memory_space<hbm>>
    tpu.wait_dma2 semaphore(%arg12 : memref<!tpu.dma_semaphore, #tpu.memory_space<semaphore_mem>>) src(%dma_wait3A_38 : memref<40x128xi32, #tpu.memory_space<hbm>>) dst(%arg8 : memref<40x128xi32, #tpu.memory_space<vmem>>)
    %barrier3A = arith.constant 0 : index
    tpu.barrier barrier_id(%barrier3A)
    %dma_start3A_39 = arith.constant 0 : i32
    %dma_start3A_40 = arith.constant 0 : i32
    %dma_start3A_41 = tpu.memref_slice %arg7[%dma_start3A_39, %dma_start3A_40] : memref<40x128xi32, #tpu.memory_space<vmem>> -> memref<1x128xi32, #tpu.memory_space<vmem>>
    %dma_start3A_42 = tpu.memref_squeeze %dma_start3A_41 : memref<1x128xi32, #tpu.memory_space<vmem>> -> memref<128xi32, #tpu.memory_space<vmem>>
    %dma_start3A_43 = arith.constant 0 : i32
    %dma_start3A_44 = arith.constant 0 : i32
    %dma_start3A_45 = tpu.memref_slice %arg2[%dma_start3A_43, %dma_start3A_44] : memref<10240x128xf32, #tpu.memory_space<hbm>> -> memref<10240x128xf32, #tpu.memory_space<hbm>>
    tpu.enqueue_indirect_dma source(%dma_start3A_45 : memref<10240x128xf32, #tpu.memory_space<hbm>>) target(%arg9 : memref<128x128xf32, #tpu.memory_space<vmem>>) offsets(%dma_start3A_42 : memref<128xi32, #tpu.memory_space<vmem>>) semaphore(%arg11 : memref<!tpu.dma_semaphore, #tpu.memory_space<semaphore_mem>>)
    %scan3A = arith.constant 0 : i32
    %scan3A_46 = arith.constant 0 : i32
    %scan3A_47 = arith.constant 20 : i32
    %scan3A_48 = arith.addi %scan3A_46, %scan3A_47 : i32
    %scan3A_49 = arith.constant 1 : i32
    scf.for %scan3A_65 = %scan3A_46 to %scan3A_48 step %scan3A_49  : i32 {
      %mul3A_66 = arith.constant 2 : i32
      %mul3A_67 = arith.muli %mul3A_66, %scan3A_65 : i32
      %add3A_68 = arith.constant 1 : i32
      %add3A_69 = arith.addi %mul3A_67, %add3A_68 : i32
      %dma_start3A_70 = arith.constant 0 : i32
      %dma_start3A_71 = tpu.memref_slice %arg7[%add3A_69, %dma_start3A_70] : memref<40x128xi32, #tpu.memory_space<vmem>> -> memref<1x128xi32, #tpu.memory_space<vmem>>
      %dma_start3A_72 = tpu.memref_squeeze %dma_start3A_71 : memref<1x128xi32, #tpu.memory_space<vmem>> -> memref<128xi32, #tpu.memory_space<vmem>>
      %dma_start3A_73 = arith.constant 0 : i32
      %dma_start3A_74 = arith.constant 0 : i32
      %dma_start3A_75 = tpu.memref_slice %arg2[%dma_start3A_73, %dma_start3A_74] : memref<10240x128xf32, #tpu.memory_space<hbm>> -> memref<10240x128xf32, #tpu.memory_space<hbm>>
      tpu.enqueue_indirect_dma source(%dma_start3A_75 : memref<10240x128xf32, #tpu.memory_space<hbm>>) target(%arg10 : memref<128x128xf32, #tpu.memory_space<vmem>>) offsets(%dma_start3A_72 : memref<128xi32, #tpu.memory_space<vmem>>) semaphore(%arg12 : memref<!tpu.dma_semaphore, #tpu.memory_space<semaphore_mem>>)
      %dma_wait3A_76 = arith.constant 0 : i32
      %dma_wait3A_77 = tpu.memref_slice %arg7[%mul3A_67, %dma_wait3A_76] : memref<40x128xi32, #tpu.memory_space<vmem>> -> memref<1x128xi32, #tpu.memory_space<vmem>>
      %dma_wait3A_78 = tpu.memref_squeeze %dma_wait3A_77 : memref<1x128xi32, #tpu.memory_space<vmem>> -> memref<128xi32, #tpu.memory_space<vmem>>
      %dma_wait3A_79 = arith.constant 0 : i32
      %dma_wait3A_80 = arith.constant 0 : i32
      %dma_wait3A_81 = tpu.memref_slice %arg2[%dma_wait3A_79, %dma_wait3A_80] : memref<10240x128xf32, #tpu.memory_space<hbm>> -> memref<10240x128xf32, #tpu.memory_space<hbm>>
      tpu.wait_indirect_dma semaphore(%arg11 : memref<!tpu.dma_semaphore, #tpu.memory_space<semaphore_mem>>) src(%dma_wait3A_81 : memref<10240x128xf32, #tpu.memory_space<hbm>>) dst(%arg9 : memref<128x128xf32, #tpu.memory_space<vmem>>)
      "tpu.region"() ({
        %run_scoped3A = tpu.sem_alloc : memref<!tpu.dma_semaphore, #tpu.memory_space<semaphore_mem>>
        %dma_start3A_92 = arith.constant 0 : i32
        %dma_start3A_93 = tpu.memref_slice %arg8[%mul3A_67, %dma_start3A_92] : memref<40x128xi32, #tpu.memory_space<vmem>> -> memref<1x128xi32, #tpu.memory_space<vmem>>
        %dma_start3A_94 = tpu.memref_squeeze %dma_start3A_93 : memref<1x128xi32, #tpu.memory_space<vmem>> -> memref<128xi32, #tpu.memory_space<vmem>>
        %dma_start3A_95 = arith.constant 0 : i32
        %dma_start3A_96 = arith.constant 0 : i32
        %dma_start3A_97 = tpu.memref_slice %arg6[%dma_start3A_95, %dma_start3A_96] : memref<10240x128xf32, #tpu.memory_space<vmem_shared>> -> memref<10240x128xf32, #tpu.memory_space<vmem_shared>>
        tpu.enqueue_indirect_dma source(%arg9 : memref<128x128xf32, #tpu.memory_space<vmem>>) target(%dma_start3A_97 : memref<10240x128xf32, #tpu.memory_space<vmem_shared>>) offsets(%dma_start3A_94 : memref<128xi32, #tpu.memory_space<vmem>>) semaphore(%run_scoped3A : memref<!tpu.dma_semaphore, #tpu.memory_space<semaphore_mem>>) {add = true}
        %dma_wait3A_98 = arith.constant 0 : i32
        %dma_wait3A_99 = tpu.memref_slice %arg8[%mul3A_67, %dma_wait3A_98] : memref<40x128xi32, #tpu.memory_space<vmem>> -> memref<1x128xi32, #tpu.memory_space<vmem>>
        %dma_wait3A_100 = tpu.memref_squeeze %dma_wait3A_99 : memref<1x128xi32, #tpu.memory_space<vmem>> -> memref<128xi32, #tpu.memory_space<vmem>>
        %dma_wait3A_101 = arith.constant 0 : i32
        %dma_wait3A_102 = arith.constant 0 : i32
        %dma_wait3A_103 = tpu.memref_slice %arg6[%dma_wait3A_101, %dma_wait3A_102] : memref<10240x128xf32, #tpu.memory_space<vmem_shared>> -> memref<10240x128xf32, #tpu.memory_space<vmem_shared>>
        tpu.wait_indirect_dma semaphore(%run_scoped3A : memref<!tpu.dma_semaphore, #tpu.memory_space<semaphore_mem>>) src(%arg9 : memref<128x128xf32, #tpu.memory_space<vmem>>) dst(%dma_wait3A_103 : memref<10240x128xf32, #tpu.memory_space<vmem_shared>>)
        tpu.yield
      }) : () -> ()
      %lt3A = arith.constant 19 : i32
      %lt3A_82 = arith.cmpi slt, %scan3A_65, %lt3A : i32
      %convert_element_type3A_83 = arith.extui %lt3A_82 : i1 to i32
      %cond3A_84 = arith.constant 0 : i32
      %cond3A_85 = arith.cmpi ne, %convert_element_type3A_83, %cond3A_84 : i32
      scf.if %cond3A_85 {
        %add3A_92 = arith.constant 2 : i32
        %add3A_93 = arith.addi %mul3A_67, %add3A_92 : i32
        %dma_start3A_94 = arith.constant 0 : i32
        %dma_start3A_95 = tpu.memref_slice %arg7[%add3A_93, %dma_start3A_94] : memref<40x128xi32, #tpu.memory_space<vmem>> -> memref<1x128xi32, #tpu.memory_space<vmem>>
        %dma_start3A_96 = tpu.memref_squeeze %dma_start3A_95 : memref<1x128xi32, #tpu.memory_space<vmem>> -> memref<128xi32, #tpu.memory_space<vmem>>
        %dma_start3A_97 = arith.constant 0 : i32
        %dma_start3A_98 = arith.constant 0 : i32
        %dma_start3A_99 = tpu.memref_slice %arg2[%dma_start3A_97, %dma_start3A_98] : memref<10240x128xf32, #tpu.memory_space<hbm>> -> memref<10240x128xf32, #tpu.memory_space<hbm>>
        tpu.enqueue_indirect_dma source(%dma_start3A_99 : memref<10240x128xf32, #tpu.memory_space<hbm>>) target(%arg9 : memref<128x128xf32, #tpu.memory_space<vmem>>) offsets(%dma_start3A_96 : memref<128xi32, #tpu.memory_space<vmem>>) semaphore(%arg11 : memref<!tpu.dma_semaphore, #tpu.memory_space<semaphore_mem>>)
      } else {
      }
      %dma_wait3A_86 = arith.constant 0 : i32
      %dma_wait3A_87 = tpu.memref_slice %arg7[%add3A_69, %dma_wait3A_86] : memref<40x128xi32, #tpu.memory_space<vmem>> -> memref<1x128xi32, #tpu.memory_space<vmem>>
      %dma_wait3A_88 = tpu.memref_squeeze %dma_wait3A_87 : memref<1x128xi32, #tpu.memory_space<vmem>> -> memref<128xi32, #tpu.memory_space<vmem>>
      %dma_wait3A_89 = arith.constant 0 : i32
      %dma_wait3A_90 = arith.constant 0 : i32
      %dma_wait3A_91 = tpu.memref_slice %arg2[%dma_wait3A_89, %dma_wait3A_90] : memref<10240x128xf32, #tpu.memory_space<hbm>> -> memref<10240x128xf32, #tpu.memory_space<hbm>>
      tpu.wait_indirect_dma semaphore(%arg12 : memref<!tpu.dma_semaphore, #tpu.memory_space<semaphore_mem>>) src(%dma_wait3A_91 : memref<10240x128xf32, #tpu.memory_space<hbm>>) dst(%arg10 : memref<128x128xf32, #tpu.memory_space<vmem>>)
      "tpu.region"() ({
        %run_scoped3A = tpu.sem_alloc : memref<!tpu.dma_semaphore, #tpu.memory_space<semaphore_mem>>
        %dma_start3A_92 = arith.constant 0 : i32
        %dma_start3A_93 = tpu.memref_slice %arg8[%add3A_69, %dma_start3A_92] : memref<40x128xi32, #tpu.memory_space<vmem>> -> memref<1x128xi32, #tpu.memory_space<vmem>>
        %dma_start3A_94 = tpu.memref_squeeze %dma_start3A_93 : memref<1x128xi32, #tpu.memory_space<vmem>> -> memref<128xi32, #tpu.memory_space<vmem>>
        %dma_start3A_95 = arith.constant 0 : i32
        %dma_start3A_96 = arith.constant 0 : i32
        %dma_start3A_97 = tpu.memref_slice %arg6[%dma_start3A_95, %dma_start3A_96] : memref<10240x128xf32, #tpu.memory_space<vmem_shared>> -> memref<10240x128xf32, #tpu.memory_space<vmem_shared>>
        tpu.enqueue_indirect_dma source(%arg10 : memref<128x128xf32, #tpu.memory_space<vmem>>) target(%dma_start3A_97 : memref<10240x128xf32, #tpu.memory_space<vmem_shared>>) offsets(%dma_start3A_94 : memref<128xi32, #tpu.memory_space<vmem>>) semaphore(%run_scoped3A : memref<!tpu.dma_semaphore, #tpu.memory_space<semaphore_mem>>) {add = true}
        %dma_wait3A_98 = arith.constant 0 : i32
        %dma_wait3A_99 = tpu.memref_slice %arg8[%add3A_69, %dma_wait3A_98] : memref<40x128xi32, #tpu.memory_space<vmem>> -> memref<1x128xi32, #tpu.memory_space<vmem>>
        %dma_wait3A_100 = tpu.memref_squeeze %dma_wait3A_99 : memref<1x128xi32, #tpu.memory_space<vmem>> -> memref<128xi32, #tpu.memory_space<vmem>>
        %dma_wait3A_101 = arith.constant 0 : i32
        %dma_wait3A_102 = arith.constant 0 : i32
        %dma_wait3A_103 = tpu.memref_slice %arg6[%dma_wait3A_101, %dma_wait3A_102] : memref<10240x128xf32, #tpu.memory_space<vmem_shared>> -> memref<10240x128xf32, #tpu.memory_space<vmem_shared>>
        tpu.wait_indirect_dma semaphore(%run_scoped3A : memref<!tpu.dma_semaphore, #tpu.memory_space<semaphore_mem>>) src(%arg10 : memref<128x128xf32, #tpu.memory_space<vmem>>) dst(%dma_wait3A_103 : memref<10240x128xf32, #tpu.memory_space<vmem_shared>>)
        tpu.yield
      }) : () -> ()
    }
    %scan3A_50 = arith.constant 20 : i32
    "tpu.region"() ({
      %run_scoped3A = tpu.sem_alloc : memref<!tpu.dma_semaphore, #tpu.memory_space<semaphore_mem>>
      %dma_start3A_65 = arith.constant 40 : i32
      %dma_start3A_66 = arith.constant 0 : i32
      %dma_start3A_67 = tpu.memref_slice %arg3[%add3A, %dma_start3A_65, %dma_start3A_66] : memref<32x80x128xi32, #tpu.memory_space<hbm>> -> memref<1x40x128xi32, #tpu.memory_space<hbm>>
      %dma_start3A_68 = tpu.memref_squeeze %dma_start3A_67 : memref<1x40x128xi32, #tpu.memory_space<hbm>> -> memref<40x128xi32, #tpu.memory_space<hbm>>
      %dma_start3A_69 = arith.constant 40 : i32
      %dma_start3A_70 = arith.constant 0 : i32
      %dma_start3A_71 = tpu.memref_slice %arg3[%add3A, %dma_start3A_69, %dma_start3A_70] : memref<32x80x128xi32, #tpu.memory_space<hbm>> -> memref<1x40x128xi32, #tpu.memory_space<hbm>>
      %dma_start3A_72 = tpu.memref_squeeze %dma_start3A_71 : memref<1x40x128xi32, #tpu.memory_space<hbm>> -> memref<40x128xi32, #tpu.memory_space<hbm>>
      tpu.enqueue_dma source(%dma_start3A_72 : memref<40x128xi32, #tpu.memory_space<hbm>>) target(%arg7 : memref<40x128xi32, #tpu.memory_space<vmem>>) target_semaphore(%run_scoped3A : memref<!tpu.dma_semaphore, #tpu.memory_space<semaphore_mem>>)
      %dma_wait3A_73 = arith.constant 40 : i32
      %dma_wait3A_74 = arith.constant 0 : i32
      %dma_wait3A_75 = tpu.memref_slice %arg3[%add3A, %dma_wait3A_73, %dma_wait3A_74] : memref<32x80x128xi32, #tpu.memory_space<hbm>> -> memref<1x40x128xi32, #tpu.memory_space<hbm>>
      %dma_wait3A_76 = tpu.memref_squeeze %dma_wait3A_75 : memref<1x40x128xi32, #tpu.memory_space<hbm>> -> memref<40x128xi32, #tpu.memory_space<hbm>>
      %dma_wait3A_77 = arith.constant 40 : i32
      %dma_wait3A_78 = arith.constant 0 : i32
      %dma_wait3A_79 = tpu.memref_slice %arg3[%add3A, %dma_wait3A_77, %dma_wait3A_78] : memref<32x80x128xi32, #tpu.memory_space<hbm>> -> memref<1x40x128xi32, #tpu.memory_space<hbm>>
      %dma_wait3A_80 = tpu.memref_squeeze %dma_wait3A_79 : memref<1x40x128xi32, #tpu.memory_space<hbm>> -> memref<40x128xi32, #tpu.memory_space<hbm>>
      tpu.wait_dma2 semaphore(%run_scoped3A : memref<!tpu.dma_semaphore, #tpu.memory_space<semaphore_mem>>) src(%dma_wait3A_80 : memref<40x128xi32, #tpu.memory_space<hbm>>) dst(%arg7 : memref<40x128xi32, #tpu.memory_space<vmem>>)
      tpu.yield
    }) : () -> ()
    "tpu.region"() ({
      %run_scoped3A = tpu.sem_alloc : memref<!tpu.dma_semaphore, #tpu.memory_space<semaphore_mem>>
      %dma_start3A_65 = arith.constant 40 : i32
      %dma_start3A_66 = arith.constant 0 : i32
      %dma_start3A_67 = tpu.memref_slice %arg4[%add3A, %dma_start3A_65, %dma_start3A_66] : memref<32x80x128xi32, #tpu.memory_space<hbm>> -> memref<1x40x128xi32, #tpu.memory_space<hbm>>
      %dma_start3A_68 = tpu.memref_squeeze %dma_start3A_67 : memref<1x40x128xi32, #tpu.memory_space<hbm>> -> memref<40x128xi32, #tpu.memory_space<hbm>>
      %dma_start3A_69 = arith.constant 40 : i32
      %dma_start3A_70 = arith.constant 0 : i32
      %dma_start3A_71 = tpu.memref_slice %arg4[%add3A, %dma_start3A_69, %dma_start3A_70] : memref<32x80x128xi32, #tpu.memory_space<hbm>> -> memref<1x40x128xi32, #tpu.memory_space<hbm>>
      %dma_start3A_72 = tpu.memref_squeeze %dma_start3A_71 : memref<1x40x128xi32, #tpu.memory_space<hbm>> -> memref<40x128xi32, #tpu.memory_space<hbm>>
      tpu.enqueue_dma source(%dma_start3A_72 : memref<40x128xi32, #tpu.memory_space<hbm>>) target(%arg8 : memref<40x128xi32, #tpu.memory_space<vmem>>) target_semaphore(%run_scoped3A : memref<!tpu.dma_semaphore, #tpu.memory_space<semaphore_mem>>)
      %dma_wait3A_73 = arith.constant 40 : i32
      %dma_wait3A_74 = arith.constant 0 : i32
      %dma_wait3A_75 = tpu.memref_slice %arg4[%add3A, %dma_wait3A_73, %dma_wait3A_74] : memref<32x80x128xi32, #tpu.memory_space<hbm>> -> memref<1x40x128xi32, #tpu.memory_space<hbm>>
      %dma_wait3A_76 = tpu.memref_squeeze %dma_wait3A_75 : memref<1x40x128xi32, #tpu.memory_space<hbm>> -> memref<40x128xi32, #tpu.memory_space<hbm>>
      %dma_wait3A_77 = arith.constant 40 : i32
      %dma_wait3A_78 = arith.constant 0 : i32
      %dma_wait3A_79 = tpu.memref_slice %arg4[%add3A, %dma_wait3A_77, %dma_wait3A_78] : memref<32x80x128xi32, #tpu.memory_space<hbm>> -> memref<1x40x128xi32, #tpu.memory_space<hbm>>
      %dma_wait3A_80 = tpu.memref_squeeze %dma_wait3A_79 : memref<1x40x128xi32, #tpu.memory_space<hbm>> -> memref<40x128xi32, #tpu.memory_space<hbm>>
      tpu.wait_dma2 semaphore(%run_scoped3A : memref<!tpu.dma_semaphore, #tpu.memory_space<semaphore_mem>>) src(%dma_wait3A_80 : memref<40x128xi32, #tpu.memory_space<hbm>>) dst(%arg8 : memref<40x128xi32, #tpu.memory_space<vmem>>)
      tpu.yield
    }) : () -> ()
    %dma_start3A_51 = arith.constant 0 : i32
    %dma_start3A_52 = arith.constant 0 : i32
    %dma_start3A_53 = tpu.memref_slice %arg7[%dma_start3A_51, %dma_start3A_52] : memref<40x128xi32, #tpu.memory_space<vmem>> -> memref<1x128xi32, #tpu.memory_space<vmem>>
    %dma_start3A_54 = tpu.memref_squeeze %dma_start3A_53 : memref<1x128xi32, #tpu.memory_space<vmem>> -> memref<128xi32, #tpu.memory_space<vmem>>
    %dma_start3A_55 = arith.constant 0 : i32
    %dma_start3A_56 = arith.constant 0 : i32
    %dma_start3A_57 = tpu.memref_slice %arg2[%dma_start3A_55, %dma_start3A_56] : memref<10240x128xf32, #tpu.memory_space<hbm>> -> memref<10240x128xf32, #tpu.memory_space<hbm>>
    tpu.enqueue_indirect_dma source(%dma_start3A_57 : memref<10240x128xf32, #tpu.memory_space<hbm>>) target(%arg9 : memref<128x128xf32, #tpu.memory_space<vmem>>) offsets(%dma_start3A_54 : memref<128xi32, #tpu.memory_space<vmem>>) semaphore(%arg11 : memref<!tpu.dma_semaphore, #tpu.memory_space<semaphore_mem>>)
    %scan3A_58 = arith.constant 0 : i32
    %scan3A_59 = arith.constant 0 : i32
    %scan3A_60 = arith.constant 20 : i32
    %scan3A_61 = arith.addi %scan3A_59, %scan3A_60 : i32
    %scan3A_62 = arith.constant 1 : i32
    scf.for %scan3A_65 = %scan3A_59 to %scan3A_61 step %scan3A_62  : i32 {
      %mul3A_66 = arith.constant 2 : i32
      %mul3A_67 = arith.muli %mul3A_66, %scan3A_65 : i32
      %add3A_68 = arith.constant 1 : i32
      %add3A_69 = arith.addi %mul3A_67, %add3A_68 : i32
      %dma_start3A_70 = arith.constant 0 : i32
      %dma_start3A_71 = tpu.memref_slice %arg7[%add3A_69, %dma_start3A_70] : memref<40x128xi32, #tpu.memory_space<vmem>> -> memref<1x128xi32, #tpu.memory_space<vmem>>
      %dma_start3A_72 = tpu.memref_squeeze %dma_start3A_71 : memref<1x128xi32, #tpu.memory_space<vmem>> -> memref<128xi32, #tpu.memory_space<vmem>>
      %dma_start3A_73 = arith.constant 0 : i32
      %dma_start3A_74 = arith.constant 0 : i32
      %dma_start3A_75 = tpu.memref_slice %arg2[%dma_start3A_73, %dma_start3A_74] : memref<10240x128xf32, #tpu.memory_space<hbm>> -> memref<10240x128xf32, #tpu.memory_space<hbm>>
      tpu.enqueue_indirect_dma source(%dma_start3A_75 : memref<10240x128xf32, #tpu.memory_space<hbm>>) target(%arg10 : memref<128x128xf32, #tpu.memory_space<vmem>>) offsets(%dma_start3A_72 : memref<128xi32, #tpu.memory_space<vmem>>) semaphore(%arg12 : memref<!tpu.dma_semaphore, #tpu.memory_space<semaphore_mem>>)
      %dma_wait3A_76 = arith.constant 0 : i32
      %dma_wait3A_77 = tpu.memref_slice %arg7[%mul3A_67, %dma_wait3A_76] : memref<40x128xi32, #tpu.memory_space<vmem>> -> memref<1x128xi32, #tpu.memory_space<vmem>>
      %dma_wait3A_78 = tpu.memref_squeeze %dma_wait3A_77 : memref<1x128xi32, #tpu.memory_space<vmem>> -> memref<128xi32, #tpu.memory_space<vmem>>
      %dma_wait3A_79 = arith.constant 0 : i32
      %dma_wait3A_80 = arith.constant 0 : i32
      %dma_wait3A_81 = tpu.memref_slice %arg2[%dma_wait3A_79, %dma_wait3A_80] : memref<10240x128xf32, #tpu.memory_space<hbm>> -> memref<10240x128xf32, #tpu.memory_space<hbm>>
      tpu.wait_indirect_dma semaphore(%arg11 : memref<!tpu.dma_semaphore, #tpu.memory_space<semaphore_mem>>) src(%dma_wait3A_81 : memref<10240x128xf32, #tpu.memory_space<hbm>>) dst(%arg9 : memref<128x128xf32, #tpu.memory_space<vmem>>)
      "tpu.region"() ({
        %run_scoped3A = tpu.sem_alloc : memref<!tpu.dma_semaphore, #tpu.memory_space<semaphore_mem>>
        %dma_start3A_92 = arith.constant 0 : i32
        %dma_start3A_93 = tpu.memref_slice %arg8[%mul3A_67, %dma_start3A_92] : memref<40x128xi32, #tpu.memory_space<vmem>> -> memref<1x128xi32, #tpu.memory_space<vmem>>
        %dma_start3A_94 = tpu.memref_squeeze %dma_start3A_93 : memref<1x128xi32, #tpu.memory_space<vmem>> -> memref<128xi32, #tpu.memory_space<vmem>>
        %dma_start3A_95 = arith.constant 0 : i32
        %dma_start3A_96 = arith.constant 0 : i32
        %dma_start3A_97 = tpu.memref_slice %arg6[%dma_start3A_95, %dma_start3A_96] : memref<10240x128xf32, #tpu.memory_space<vmem_shared>> -> memref<10240x128xf32, #tpu.memory_space<vmem_shared>>
        tpu.enqueue_indirect_dma source(%arg9 : memref<128x128xf32, #tpu.memory_space<vmem>>) target(%dma_start3A_97 : memref<10240x128xf32, #tpu.memory_space<vmem_shared>>) offsets(%dma_start3A_94 : memref<128xi32, #tpu.memory_space<vmem>>) semaphore(%run_scoped3A : memref<!tpu.dma_semaphore, #tpu.memory_space<semaphore_mem>>) {add = true}
        %dma_wait3A_98 = arith.constant 0 : i32
        %dma_wait3A_99 = tpu.memref_slice %arg8[%mul3A_67, %dma_wait3A_98] : memref<40x128xi32, #tpu.memory_space<vmem>> -> memref<1x128xi32, #tpu.memory_space<vmem>>
        %dma_wait3A_100 = tpu.memref_squeeze %dma_wait3A_99 : memref<1x128xi32, #tpu.memory_space<vmem>> -> memref<128xi32, #tpu.memory_space<vmem>>
        %dma_wait3A_101 = arith.constant 0 : i32
        %dma_wait3A_102 = arith.constant 0 : i32
        %dma_wait3A_103 = tpu.memref_slice %arg6[%dma_wait3A_101, %dma_wait3A_102] : memref<10240x128xf32, #tpu.memory_space<vmem_shared>> -> memref<10240x128xf32, #tpu.memory_space<vmem_shared>>
        tpu.wait_indirect_dma semaphore(%run_scoped3A : memref<!tpu.dma_semaphore, #tpu.memory_space<semaphore_mem>>) src(%arg9 : memref<128x128xf32, #tpu.memory_space<vmem>>) dst(%dma_wait3A_103 : memref<10240x128xf32, #tpu.memory_space<vmem_shared>>)
        tpu.yield
      }) : () -> ()
      %lt3A = arith.constant 19 : i32
      %lt3A_82 = arith.cmpi slt, %scan3A_65, %lt3A : i32
      %convert_element_type3A_83 = arith.extui %lt3A_82 : i1 to i32
      %cond3A_84 = arith.constant 0 : i32
      %cond3A_85 = arith.cmpi ne, %convert_element_type3A_83, %cond3A_84 : i32
      scf.if %cond3A_85 {
        %add3A_92 = arith.constant 2 : i32
        %add3A_93 = arith.addi %mul3A_67, %add3A_92 : i32
        %dma_start3A_94 = arith.constant 0 : i32
        %dma_start3A_95 = tpu.memref_slice %arg7[%add3A_93, %dma_start3A_94] : memref<40x128xi32, #tpu.memory_space<vmem>> -> memref<1x128xi32, #tpu.memory_space<vmem>>
        %dma_start3A_96 = tpu.memref_squeeze %dma_start3A_95 : memref<1x128xi32, #tpu.memory_space<vmem>> -> memref<128xi32, #tpu.memory_space<vmem>>
        %dma_start3A_97 = arith.constant 0 : i32
        %dma_start3A_98 = arith.constant 0 : i32
        %dma_start3A_99 = tpu.memref_slice %arg2[%dma_start3A_97, %dma_start3A_98] : memref<10240x128xf32, #tpu.memory_space<hbm>> -> memref<10240x128xf32, #tpu.memory_space<hbm>>
        tpu.enqueue_indirect_dma source(%dma_start3A_99 : memref<10240x128xf32, #tpu.memory_space<hbm>>) target(%arg9 : memref<128x128xf32, #tpu.memory_space<vmem>>) offsets(%dma_start3A_96 : memref<128xi32, #tpu.memory_space<vmem>>) semaphore(%arg11 : memref<!tpu.dma_semaphore, #tpu.memory_space<semaphore_mem>>)
      } else {
      }
      %dma_wait3A_86 = arith.constant 0 : i32
      %dma_wait3A_87 = tpu.memref_slice %arg7[%add3A_69, %dma_wait3A_86] : memref<40x128xi32, #tpu.memory_space<vmem>> -> memref<1x128xi32, #tpu.memory_space<vmem>>
      %dma_wait3A_88 = tpu.memref_squeeze %dma_wait3A_87 : memref<1x128xi32, #tpu.memory_space<vmem>> -> memref<128xi32, #tpu.memory_space<vmem>>
      %dma_wait3A_89 = arith.constant 0 : i32
      %dma_wait3A_90 = arith.constant 0 : i32
      %dma_wait3A_91 = tpu.memref_slice %arg2[%dma_wait3A_89, %dma_wait3A_90] : memref<10240x128xf32, #tpu.memory_space<hbm>> -> memref<10240x128xf32, #tpu.memory_space<hbm>>
      tpu.wait_indirect_dma semaphore(%arg12 : memref<!tpu.dma_semaphore, #tpu.memory_space<semaphore_mem>>) src(%dma_wait3A_91 : memref<10240x128xf32, #tpu.memory_space<hbm>>) dst(%arg10 : memref<128x128xf32, #tpu.memory_space<vmem>>)
      "tpu.region"() ({
        %run_scoped3A = tpu.sem_alloc : memref<!tpu.dma_semaphore, #tpu.memory_space<semaphore_mem>>
        %dma_start3A_92 = arith.constant 0 : i32
        %dma_start3A_93 = tpu.memref_slice %arg8[%add3A_69, %dma_start3A_92] : memref<40x128xi32, #tpu.memory_space<vmem>> -> memref<1x128xi32, #tpu.memory_space<vmem>>
        %dma_start3A_94 = tpu.memref_squeeze %dma_start3A_93 : memref<1x128xi32, #tpu.memory_space<vmem>> -> memref<128xi32, #tpu.memory_space<vmem>>
        %dma_start3A_95 = arith.constant 0 : i32
        %dma_start3A_96 = arith.constant 0 : i32
        %dma_start3A_97 = tpu.memref_slice %arg6[%dma_start3A_95, %dma_start3A_96] : memref<10240x128xf32, #tpu.memory_space<vmem_shared>> -> memref<10240x128xf32, #tpu.memory_space<vmem_shared>>
        tpu.enqueue_indirect_dma source(%arg10 : memref<128x128xf32, #tpu.memory_space<vmem>>) target(%dma_start3A_97 : memref<10240x128xf32, #tpu.memory_space<vmem_shared>>) offsets(%dma_start3A_94 : memref<128xi32, #tpu.memory_space<vmem>>) semaphore(%run_scoped3A : memref<!tpu.dma_semaphore, #tpu.memory_space<semaphore_mem>>) {add = true}
        %dma_wait3A_98 = arith.constant 0 : i32
        %dma_wait3A_99 = tpu.memref_slice %arg8[%add3A_69, %dma_wait3A_98] : memref<40x128xi32, #tpu.memory_space<vmem>> -> memref<1x128xi32, #tpu.memory_space<vmem>>
        %dma_wait3A_100 = tpu.memref_squeeze %dma_wait3A_99 : memref<1x128xi32, #tpu.memory_space<vmem>> -> memref<128xi32, #tpu.memory_space<vmem>>
        %dma_wait3A_101 = arith.constant 0 : i32
        %dma_wait3A_102 = arith.constant 0 : i32
        %dma_wait3A_103 = tpu.memref_slice %arg6[%dma_wait3A_101, %dma_wait3A_102] : memref<10240x128xf32, #tpu.memory_space<vmem_shared>> -> memref<10240x128xf32, #tpu.memory_space<vmem_shared>>
        tpu.wait_indirect_dma semaphore(%run_scoped3A : memref<!tpu.dma_semaphore, #tpu.memory_space<semaphore_mem>>) src(%arg10 : memref<128x128xf32, #tpu.memory_space<vmem>>) dst(%dma_wait3A_103 : memref<10240x128xf32, #tpu.memory_space<vmem_shared>>)
        tpu.yield
      }) : () -> ()
    }
    %scan3A_63 = arith.constant 20 : i32
    %barrier3A_64 = arith.constant 0 : index
    tpu.barrier barrier_id(%barrier3A_64)
    "tpu.region"() ({
      %run_scoped3A = tpu.sem_alloc : memref<!tpu.dma_semaphore, #tpu.memory_space<semaphore_mem>>
      %dma_start3A_65 = arith.constant 0 : i32
      %dma_start3A_66 = tpu.memref_slice %arg5[%arg0, %mul3A_2, %dma_start3A_65] : memref<2x10240x128xf32, #tpu.memory_space<hbm>> -> memref<1x640x128xf32, #tpu.memory_space<hbm>>
      %dma_start3A_67 = tpu.memref_squeeze %dma_start3A_66 : memref<1x640x128xf32, #tpu.memory_space<hbm>> -> memref<640x128xf32, #tpu.memory_space<hbm>>
      %dma_start3A_68 = arith.constant 0 : i32
      %dma_start3A_69 = tpu.memref_slice %arg6[%mul3A_2, %dma_start3A_68] : memref<10240x128xf32, #tpu.memory_space<vmem_shared>> -> memref<640x128xf32, #tpu.memory_space<vmem_shared>>
      tpu.enqueue_dma source(%dma_start3A_69 : memref<640x128xf32, #tpu.memory_space<vmem_shared>>) target(%dma_start3A_67 : memref<640x128xf32, #tpu.memory_space<hbm>>) target_semaphore(%run_scoped3A : memref<!tpu.dma_semaphore, #tpu.memory_space<semaphore_mem>>)
      %dma_wait3A_70 = arith.constant 0 : i32
      %dma_wait3A_71 = tpu.memref_slice %arg5[%arg0, %mul3A_2, %dma_wait3A_70] : memref<2x10240x128xf32, #tpu.memory_space<hbm>> -> memref<1x640x128xf32, #tpu.memory_space<hbm>>
      %dma_wait3A_72 = tpu.memref_squeeze %dma_wait3A_71 : memref<1x640x128xf32, #tpu.memory_space<hbm>> -> memref<640x128xf32, #tpu.memory_space<hbm>>
      %dma_wait3A_73 = arith.constant 0 : i32
      %dma_wait3A_74 = tpu.memref_slice %arg6[%mul3A_2, %dma_wait3A_73] : memref<10240x128xf32, #tpu.memory_space<vmem_shared>> -> memref<640x128xf32, #tpu.memory_space<vmem_shared>>
      tpu.wait_dma2 semaphore(%run_scoped3A : memref<!tpu.dma_semaphore, #tpu.memory_space<semaphore_mem>>) src(%dma_wait3A_74 : memref<640x128xf32, #tpu.memory_space<vmem_shared>>) dst(%dma_wait3A_72 : memref<640x128xf32, #tpu.memory_space<hbm>>)
      tpu.yield
    }) : () -> ()
    return
  }
}

#map = affine_map<(d0, d1) -> (0, 0, 0)>
#map1 = affine_map<(d0, d1) -> (0)>
#map2 = affine_map<(d0, d1) -> (0, 0)>
module attributes {stable_mosaic.version = 14 : i64} {
  func.func @k(%arg0: i32, %arg1: i32, %arg2: memref<32x80x128xi32, #tpu.memory_space<hbm>>, %arg3: memref<640xf32, #tpu.memory_space<hbm>>, %arg4: memref<128xf32, #tpu.memory_space<hbm>>, %arg5: memref<2x10240xf32, #tpu.memory_space<hbm>>, %arg6: memref<10240xf32, #tpu.memory_space<vmem_shared>>, %arg7: memref<80x128xi32, #tpu.memory_space<vmem>>, %arg8: memref<128xf32, #tpu.memory_space<vmem>>, %arg9: memref<!tpu.dma_semaphore, #tpu.memory_space<semaphore_mem>>) attributes {dimension_semantics = [#tpu.dimension_semantics<core_parallel>, #tpu.dimension_semantics<subcore_parallel>], iteration_bounds = array<i64: 2, 16>, scalar_prefetch = 0 : i64, scratch_operands = 4 : i64, tpu.core_type = #tpu.core_type<sc_vector_subcore>, window_params = [{transform_indices = #map}, {transform_indices = #map1}, {transform_indices = #map1}, {transform_indices = #map2}]} {
    %mul3A = arith.constant 16 : i32
    %mul3A_0 = arith.muli %arg0, %mul3A : i32
    %add3A = arith.addi %mul3A_0, %arg1 : i32
    %mul3A_1 = arith.constant 640 : i32
    %mul3A_2 = arith.muli %arg1, %mul3A_1 : i32
    "tpu.region"() ({
      %run_scoped3A = tpu.sem_alloc : memref<!tpu.dma_semaphore, #tpu.memory_space<semaphore_mem>>
      %dma_start3A = tpu.memref_slice %arg6[%mul3A_2] : memref<10240xf32, #tpu.memory_space<vmem_shared>> -> memref<640xf32, #tpu.memory_space<vmem_shared>>
      tpu.enqueue_dma source(%arg3 : memref<640xf32, #tpu.memory_space<hbm>>) target(%dma_start3A : memref<640xf32, #tpu.memory_space<vmem_shared>>) target_semaphore(%run_scoped3A : memref<!tpu.dma_semaphore, #tpu.memory_space<semaphore_mem>>)
      %dma_wait3A = tpu.memref_slice %arg6[%mul3A_2] : memref<10240xf32, #tpu.memory_space<vmem_shared>> -> memref<640xf32, #tpu.memory_space<vmem_shared>>
      tpu.wait_dma2 semaphore(%run_scoped3A : memref<!tpu.dma_semaphore, #tpu.memory_space<semaphore_mem>>) src(%arg3 : memref<640xf32, #tpu.memory_space<hbm>>) dst(%dma_wait3A : memref<640xf32, #tpu.memory_space<vmem_shared>>)
      tpu.yield
    }) : () -> ()
    "tpu.region"() ({
      %run_scoped3A = tpu.sem_alloc : memref<!tpu.dma_semaphore, #tpu.memory_space<semaphore_mem>>
      tpu.enqueue_dma source(%arg4 : memref<128xf32, #tpu.memory_space<hbm>>) target(%arg8 : memref<128xf32, #tpu.memory_space<vmem>>) target_semaphore(%run_scoped3A : memref<!tpu.dma_semaphore, #tpu.memory_space<semaphore_mem>>)
      tpu.wait_dma2 semaphore(%run_scoped3A : memref<!tpu.dma_semaphore, #tpu.memory_space<semaphore_mem>>) src(%arg4 : memref<128xf32, #tpu.memory_space<hbm>>) dst(%arg8 : memref<128xf32, #tpu.memory_space<vmem>>)
      tpu.yield
    }) : () -> ()
    "tpu.region"() ({
      %run_scoped3A = tpu.sem_alloc : memref<!tpu.dma_semaphore, #tpu.memory_space<semaphore_mem>>
      %dma_start3A = arith.constant 0 : i32
      %dma_start3A_9 = arith.constant 0 : i32
      %dma_start3A_10 = tpu.memref_slice %arg2[%add3A, %dma_start3A, %dma_start3A_9] : memref<32x80x128xi32, #tpu.memory_space<hbm>> -> memref<1x80x128xi32, #tpu.memory_space<hbm>>
      %dma_start3A_11 = tpu.memref_squeeze %dma_start3A_10 : memref<1x80x128xi32, #tpu.memory_space<hbm>> -> memref<80x128xi32, #tpu.memory_space<hbm>>
      %dma_start3A_12 = arith.constant 0 : i32
      %dma_start3A_13 = arith.constant 0 : i32
      %dma_start3A_14 = tpu.memref_slice %arg2[%add3A, %dma_start3A_12, %dma_start3A_13] : memref<32x80x128xi32, #tpu.memory_space<hbm>> -> memref<1x80x128xi32, #tpu.memory_space<hbm>>
      %dma_start3A_15 = tpu.memref_squeeze %dma_start3A_14 : memref<1x80x128xi32, #tpu.memory_space<hbm>> -> memref<80x128xi32, #tpu.memory_space<hbm>>
      tpu.enqueue_dma source(%dma_start3A_15 : memref<80x128xi32, #tpu.memory_space<hbm>>) target(%arg7 : memref<80x128xi32, #tpu.memory_space<vmem>>) target_semaphore(%run_scoped3A : memref<!tpu.dma_semaphore, #tpu.memory_space<semaphore_mem>>)
      %dma_wait3A = arith.constant 0 : i32
      %dma_wait3A_16 = arith.constant 0 : i32
      %dma_wait3A_17 = tpu.memref_slice %arg2[%add3A, %dma_wait3A, %dma_wait3A_16] : memref<32x80x128xi32, #tpu.memory_space<hbm>> -> memref<1x80x128xi32, #tpu.memory_space<hbm>>
      %dma_wait3A_18 = tpu.memref_squeeze %dma_wait3A_17 : memref<1x80x128xi32, #tpu.memory_space<hbm>> -> memref<80x128xi32, #tpu.memory_space<hbm>>
      %dma_wait3A_19 = arith.constant 0 : i32
      %dma_wait3A_20 = arith.constant 0 : i32
      %dma_wait3A_21 = tpu.memref_slice %arg2[%add3A, %dma_wait3A_19, %dma_wait3A_20] : memref<32x80x128xi32, #tpu.memory_space<hbm>> -> memref<1x80x128xi32, #tpu.memory_space<hbm>>
      %dma_wait3A_22 = tpu.memref_squeeze %dma_wait3A_21 : memref<1x80x128xi32, #tpu.memory_space<hbm>> -> memref<80x128xi32, #tpu.memory_space<hbm>>
      tpu.wait_dma2 semaphore(%run_scoped3A : memref<!tpu.dma_semaphore, #tpu.memory_space<semaphore_mem>>) src(%dma_wait3A_22 : memref<80x128xi32, #tpu.memory_space<hbm>>) dst(%arg7 : memref<80x128xi32, #tpu.memory_space<vmem>>)
      tpu.yield
    }) : () -> ()
    %barrier3A = arith.constant 0 : index
    tpu.barrier barrier_id(%barrier3A)
    %scan3A = arith.constant 0 : i32
    %scan3A_3 = arith.constant 0 : i32
    %scan3A_4 = arith.constant 4 : i32
    %scan3A_5 = arith.addi %scan3A_3, %scan3A_4 : i32
    %scan3A_6 = arith.constant 1 : i32
    scf.for %scan3A_9 = %scan3A_3 to %scan3A_5 step %scan3A_6  : i32 {
      %mul3A_10 = arith.constant 20 : i32
      %mul3A_11 = arith.muli %scan3A_9, %mul3A_10 : i32
      %add3A_12 = arith.constant 0 : i32
      %add3A_13 = arith.addi %mul3A_11, %add3A_12 : i32
      %dma_start3A = arith.constant 0 : i32
      %dma_start3A_14 = tpu.memref_slice %arg7[%add3A_13, %dma_start3A] : memref<80x128xi32, #tpu.memory_space<vmem>> -> memref<1x128xi32, #tpu.memory_space<vmem>>
      %dma_start3A_15 = tpu.memref_squeeze %dma_start3A_14 : memref<1x128xi32, #tpu.memory_space<vmem>> -> memref<128xi32, #tpu.memory_space<vmem>>
      %dma_start3A_16 = arith.constant 0 : i32
      %dma_start3A_17 = tpu.memref_slice %arg6[%dma_start3A_16] : memref<10240xf32, #tpu.memory_space<vmem_shared>> -> memref<10240xf32, #tpu.memory_space<vmem_shared>>
      tpu.enqueue_indirect_dma source(%arg8 : memref<128xf32, #tpu.memory_space<vmem>>) target(%dma_start3A_17 : memref<10240xf32, #tpu.memory_space<vmem_shared>>) offsets(%dma_start3A_15 : memref<128xi32, #tpu.memory_space<vmem>>) semaphore(%arg9 : memref<!tpu.dma_semaphore, #tpu.memory_space<semaphore_mem>>) {add = true}
      %mul3A_18 = arith.constant 20 : i32
      %mul3A_19 = arith.muli %scan3A_9, %mul3A_18 : i32
      %add3A_20 = arith.constant 1 : i32
      %add3A_21 = arith.addi %mul3A_19, %add3A_20 : i32
      %dma_start3A_22 = arith.constant 0 : i32
      %dma_start3A_23 = tpu.memref_slice %arg7[%add3A_21, %dma_start3A_22] : memref<80x128xi32, #tpu.memory_space<vmem>> -> memref<1x128xi32, #tpu.memory_space<vmem>>
      %dma_start3A_24 = tpu.memref_squeeze %dma_start3A_23 : memref<1x128xi32, #tpu.memory_space<vmem>> -> memref<128xi32, #tpu.memory_space<vmem>>
      %dma_start3A_25 = arith.constant 0 : i32
      %dma_start3A_26 = tpu.memref_slice %arg6[%dma_start3A_25] : memref<10240xf32, #tpu.memory_space<vmem_shared>> -> memref<10240xf32, #tpu.memory_space<vmem_shared>>
      tpu.enqueue_indirect_dma source(%arg8 : memref<128xf32, #tpu.memory_space<vmem>>) target(%dma_start3A_26 : memref<10240xf32, #tpu.memory_space<vmem_shared>>) offsets(%dma_start3A_24 : memref<128xi32, #tpu.memory_space<vmem>>) semaphore(%arg9 : memref<!tpu.dma_semaphore, #tpu.memory_space<semaphore_mem>>) {add = true}
      %mul3A_27 = arith.constant 20 : i32
      %mul3A_28 = arith.muli %scan3A_9, %mul3A_27 : i32
      %add3A_29 = arith.constant 2 : i32
      %add3A_30 = arith.addi %mul3A_28, %add3A_29 : i32
      %dma_start3A_31 = arith.constant 0 : i32
      %dma_start3A_32 = tpu.memref_slice %arg7[%add3A_30, %dma_start3A_31] : memref<80x128xi32, #tpu.memory_space<vmem>> -> memref<1x128xi32, #tpu.memory_space<vmem>>
      %dma_start3A_33 = tpu.memref_squeeze %dma_start3A_32 : memref<1x128xi32, #tpu.memory_space<vmem>> -> memref<128xi32, #tpu.memory_space<vmem>>
      %dma_start3A_34 = arith.constant 0 : i32
      %dma_start3A_35 = tpu.memref_slice %arg6[%dma_start3A_34] : memref<10240xf32, #tpu.memory_space<vmem_shared>> -> memref<10240xf32, #tpu.memory_space<vmem_shared>>
      tpu.enqueue_indirect_dma source(%arg8 : memref<128xf32, #tpu.memory_space<vmem>>) target(%dma_start3A_35 : memref<10240xf32, #tpu.memory_space<vmem_shared>>) offsets(%dma_start3A_33 : memref<128xi32, #tpu.memory_space<vmem>>) semaphore(%arg9 : memref<!tpu.dma_semaphore, #tpu.memory_space<semaphore_mem>>) {add = true}
      %mul3A_36 = arith.constant 20 : i32
      %mul3A_37 = arith.muli %scan3A_9, %mul3A_36 : i32
      %add3A_38 = arith.constant 3 : i32
      %add3A_39 = arith.addi %mul3A_37, %add3A_38 : i32
      %dma_start3A_40 = arith.constant 0 : i32
      %dma_start3A_41 = tpu.memref_slice %arg7[%add3A_39, %dma_start3A_40] : memref<80x128xi32, #tpu.memory_space<vmem>> -> memref<1x128xi32, #tpu.memory_space<vmem>>
      %dma_start3A_42 = tpu.memref_squeeze %dma_start3A_41 : memref<1x128xi32, #tpu.memory_space<vmem>> -> memref<128xi32, #tpu.memory_space<vmem>>
      %dma_start3A_43 = arith.constant 0 : i32
      %dma_start3A_44 = tpu.memref_slice %arg6[%dma_start3A_43] : memref<10240xf32, #tpu.memory_space<vmem_shared>> -> memref<10240xf32, #tpu.memory_space<vmem_shared>>
      tpu.enqueue_indirect_dma source(%arg8 : memref<128xf32, #tpu.memory_space<vmem>>) target(%dma_start3A_44 : memref<10240xf32, #tpu.memory_space<vmem_shared>>) offsets(%dma_start3A_42 : memref<128xi32, #tpu.memory_space<vmem>>) semaphore(%arg9 : memref<!tpu.dma_semaphore, #tpu.memory_space<semaphore_mem>>) {add = true}
      %mul3A_45 = arith.constant 20 : i32
      %mul3A_46 = arith.muli %scan3A_9, %mul3A_45 : i32
      %add3A_47 = arith.constant 4 : i32
      %add3A_48 = arith.addi %mul3A_46, %add3A_47 : i32
      %dma_start3A_49 = arith.constant 0 : i32
      %dma_start3A_50 = tpu.memref_slice %arg7[%add3A_48, %dma_start3A_49] : memref<80x128xi32, #tpu.memory_space<vmem>> -> memref<1x128xi32, #tpu.memory_space<vmem>>
      %dma_start3A_51 = tpu.memref_squeeze %dma_start3A_50 : memref<1x128xi32, #tpu.memory_space<vmem>> -> memref<128xi32, #tpu.memory_space<vmem>>
      %dma_start3A_52 = arith.constant 0 : i32
      %dma_start3A_53 = tpu.memref_slice %arg6[%dma_start3A_52] : memref<10240xf32, #tpu.memory_space<vmem_shared>> -> memref<10240xf32, #tpu.memory_space<vmem_shared>>
      tpu.enqueue_indirect_dma source(%arg8 : memref<128xf32, #tpu.memory_space<vmem>>) target(%dma_start3A_53 : memref<10240xf32, #tpu.memory_space<vmem_shared>>) offsets(%dma_start3A_51 : memref<128xi32, #tpu.memory_space<vmem>>) semaphore(%arg9 : memref<!tpu.dma_semaphore, #tpu.memory_space<semaphore_mem>>) {add = true}
      %mul3A_54 = arith.constant 20 : i32
      %mul3A_55 = arith.muli %scan3A_9, %mul3A_54 : i32
      %add3A_56 = arith.constant 5 : i32
      %add3A_57 = arith.addi %mul3A_55, %add3A_56 : i32
      %dma_start3A_58 = arith.constant 0 : i32
      %dma_start3A_59 = tpu.memref_slice %arg7[%add3A_57, %dma_start3A_58] : memref<80x128xi32, #tpu.memory_space<vmem>> -> memref<1x128xi32, #tpu.memory_space<vmem>>
      %dma_start3A_60 = tpu.memref_squeeze %dma_start3A_59 : memref<1x128xi32, #tpu.memory_space<vmem>> -> memref<128xi32, #tpu.memory_space<vmem>>
      %dma_start3A_61 = arith.constant 0 : i32
      %dma_start3A_62 = tpu.memref_slice %arg6[%dma_start3A_61] : memref<10240xf32, #tpu.memory_space<vmem_shared>> -> memref<10240xf32, #tpu.memory_space<vmem_shared>>
      tpu.enqueue_indirect_dma source(%arg8 : memref<128xf32, #tpu.memory_space<vmem>>) target(%dma_start3A_62 : memref<10240xf32, #tpu.memory_space<vmem_shared>>) offsets(%dma_start3A_60 : memref<128xi32, #tpu.memory_space<vmem>>) semaphore(%arg9 : memref<!tpu.dma_semaphore, #tpu.memory_space<semaphore_mem>>) {add = true}
      %mul3A_63 = arith.constant 20 : i32
      %mul3A_64 = arith.muli %scan3A_9, %mul3A_63 : i32
      %add3A_65 = arith.constant 6 : i32
      %add3A_66 = arith.addi %mul3A_64, %add3A_65 : i32
      %dma_start3A_67 = arith.constant 0 : i32
      %dma_start3A_68 = tpu.memref_slice %arg7[%add3A_66, %dma_start3A_67] : memref<80x128xi32, #tpu.memory_space<vmem>> -> memref<1x128xi32, #tpu.memory_space<vmem>>
      %dma_start3A_69 = tpu.memref_squeeze %dma_start3A_68 : memref<1x128xi32, #tpu.memory_space<vmem>> -> memref<128xi32, #tpu.memory_space<vmem>>
      %dma_start3A_70 = arith.constant 0 : i32
      %dma_start3A_71 = tpu.memref_slice %arg6[%dma_start3A_70] : memref<10240xf32, #tpu.memory_space<vmem_shared>> -> memref<10240xf32, #tpu.memory_space<vmem_shared>>
      tpu.enqueue_indirect_dma source(%arg8 : memref<128xf32, #tpu.memory_space<vmem>>) target(%dma_start3A_71 : memref<10240xf32, #tpu.memory_space<vmem_shared>>) offsets(%dma_start3A_69 : memref<128xi32, #tpu.memory_space<vmem>>) semaphore(%arg9 : memref<!tpu.dma_semaphore, #tpu.memory_space<semaphore_mem>>) {add = true}
      %mul3A_72 = arith.constant 20 : i32
      %mul3A_73 = arith.muli %scan3A_9, %mul3A_72 : i32
      %add3A_74 = arith.constant 7 : i32
      %add3A_75 = arith.addi %mul3A_73, %add3A_74 : i32
      %dma_start3A_76 = arith.constant 0 : i32
      %dma_start3A_77 = tpu.memref_slice %arg7[%add3A_75, %dma_start3A_76] : memref<80x128xi32, #tpu.memory_space<vmem>> -> memref<1x128xi32, #tpu.memory_space<vmem>>
      %dma_start3A_78 = tpu.memref_squeeze %dma_start3A_77 : memref<1x128xi32, #tpu.memory_space<vmem>> -> memref<128xi32, #tpu.memory_space<vmem>>
      %dma_start3A_79 = arith.constant 0 : i32
      %dma_start3A_80 = tpu.memref_slice %arg6[%dma_start3A_79] : memref<10240xf32, #tpu.memory_space<vmem_shared>> -> memref<10240xf32, #tpu.memory_space<vmem_shared>>
      tpu.enqueue_indirect_dma source(%arg8 : memref<128xf32, #tpu.memory_space<vmem>>) target(%dma_start3A_80 : memref<10240xf32, #tpu.memory_space<vmem_shared>>) offsets(%dma_start3A_78 : memref<128xi32, #tpu.memory_space<vmem>>) semaphore(%arg9 : memref<!tpu.dma_semaphore, #tpu.memory_space<semaphore_mem>>) {add = true}
      %mul3A_81 = arith.constant 20 : i32
      %mul3A_82 = arith.muli %scan3A_9, %mul3A_81 : i32
      %add3A_83 = arith.constant 8 : i32
      %add3A_84 = arith.addi %mul3A_82, %add3A_83 : i32
      %dma_start3A_85 = arith.constant 0 : i32
      %dma_start3A_86 = tpu.memref_slice %arg7[%add3A_84, %dma_start3A_85] : memref<80x128xi32, #tpu.memory_space<vmem>> -> memref<1x128xi32, #tpu.memory_space<vmem>>
      %dma_start3A_87 = tpu.memref_squeeze %dma_start3A_86 : memref<1x128xi32, #tpu.memory_space<vmem>> -> memref<128xi32, #tpu.memory_space<vmem>>
      %dma_start3A_88 = arith.constant 0 : i32
      %dma_start3A_89 = tpu.memref_slice %arg6[%dma_start3A_88] : memref<10240xf32, #tpu.memory_space<vmem_shared>> -> memref<10240xf32, #tpu.memory_space<vmem_shared>>
      tpu.enqueue_indirect_dma source(%arg8 : memref<128xf32, #tpu.memory_space<vmem>>) target(%dma_start3A_89 : memref<10240xf32, #tpu.memory_space<vmem_shared>>) offsets(%dma_start3A_87 : memref<128xi32, #tpu.memory_space<vmem>>) semaphore(%arg9 : memref<!tpu.dma_semaphore, #tpu.memory_space<semaphore_mem>>) {add = true}
      %mul3A_90 = arith.constant 20 : i32
      %mul3A_91 = arith.muli %scan3A_9, %mul3A_90 : i32
      %add3A_92 = arith.constant 9 : i32
      %add3A_93 = arith.addi %mul3A_91, %add3A_92 : i32
      %dma_start3A_94 = arith.constant 0 : i32
      %dma_start3A_95 = tpu.memref_slice %arg7[%add3A_93, %dma_start3A_94] : memref<80x128xi32, #tpu.memory_space<vmem>> -> memref<1x128xi32, #tpu.memory_space<vmem>>
      %dma_start3A_96 = tpu.memref_squeeze %dma_start3A_95 : memref<1x128xi32, #tpu.memory_space<vmem>> -> memref<128xi32, #tpu.memory_space<vmem>>
      %dma_start3A_97 = arith.constant 0 : i32
      %dma_start3A_98 = tpu.memref_slice %arg6[%dma_start3A_97] : memref<10240xf32, #tpu.memory_space<vmem_shared>> -> memref<10240xf32, #tpu.memory_space<vmem_shared>>
      tpu.enqueue_indirect_dma source(%arg8 : memref<128xf32, #tpu.memory_space<vmem>>) target(%dma_start3A_98 : memref<10240xf32, #tpu.memory_space<vmem_shared>>) offsets(%dma_start3A_96 : memref<128xi32, #tpu.memory_space<vmem>>) semaphore(%arg9 : memref<!tpu.dma_semaphore, #tpu.memory_space<semaphore_mem>>) {add = true}
      %mul3A_99 = arith.constant 20 : i32
      %mul3A_100 = arith.muli %scan3A_9, %mul3A_99 : i32
      %add3A_101 = arith.constant 10 : i32
      %add3A_102 = arith.addi %mul3A_100, %add3A_101 : i32
      %dma_start3A_103 = arith.constant 0 : i32
      %dma_start3A_104 = tpu.memref_slice %arg7[%add3A_102, %dma_start3A_103] : memref<80x128xi32, #tpu.memory_space<vmem>> -> memref<1x128xi32, #tpu.memory_space<vmem>>
      %dma_start3A_105 = tpu.memref_squeeze %dma_start3A_104 : memref<1x128xi32, #tpu.memory_space<vmem>> -> memref<128xi32, #tpu.memory_space<vmem>>
      %dma_start3A_106 = arith.constant 0 : i32
      %dma_start3A_107 = tpu.memref_slice %arg6[%dma_start3A_106] : memref<10240xf32, #tpu.memory_space<vmem_shared>> -> memref<10240xf32, #tpu.memory_space<vmem_shared>>
      tpu.enqueue_indirect_dma source(%arg8 : memref<128xf32, #tpu.memory_space<vmem>>) target(%dma_start3A_107 : memref<10240xf32, #tpu.memory_space<vmem_shared>>) offsets(%dma_start3A_105 : memref<128xi32, #tpu.memory_space<vmem>>) semaphore(%arg9 : memref<!tpu.dma_semaphore, #tpu.memory_space<semaphore_mem>>) {add = true}
      %mul3A_108 = arith.constant 20 : i32
      %mul3A_109 = arith.muli %scan3A_9, %mul3A_108 : i32
      %add3A_110 = arith.constant 11 : i32
      %add3A_111 = arith.addi %mul3A_109, %add3A_110 : i32
      %dma_start3A_112 = arith.constant 0 : i32
      %dma_start3A_113 = tpu.memref_slice %arg7[%add3A_111, %dma_start3A_112] : memref<80x128xi32, #tpu.memory_space<vmem>> -> memref<1x128xi32, #tpu.memory_space<vmem>>
      %dma_start3A_114 = tpu.memref_squeeze %dma_start3A_113 : memref<1x128xi32, #tpu.memory_space<vmem>> -> memref<128xi32, #tpu.memory_space<vmem>>
      %dma_start3A_115 = arith.constant 0 : i32
      %dma_start3A_116 = tpu.memref_slice %arg6[%dma_start3A_115] : memref<10240xf32, #tpu.memory_space<vmem_shared>> -> memref<10240xf32, #tpu.memory_space<vmem_shared>>
      tpu.enqueue_indirect_dma source(%arg8 : memref<128xf32, #tpu.memory_space<vmem>>) target(%dma_start3A_116 : memref<10240xf32, #tpu.memory_space<vmem_shared>>) offsets(%dma_start3A_114 : memref<128xi32, #tpu.memory_space<vmem>>) semaphore(%arg9 : memref<!tpu.dma_semaphore, #tpu.memory_space<semaphore_mem>>) {add = true}
      %mul3A_117 = arith.constant 20 : i32
      %mul3A_118 = arith.muli %scan3A_9, %mul3A_117 : i32
      %add3A_119 = arith.constant 12 : i32
      %add3A_120 = arith.addi %mul3A_118, %add3A_119 : i32
      %dma_start3A_121 = arith.constant 0 : i32
      %dma_start3A_122 = tpu.memref_slice %arg7[%add3A_120, %dma_start3A_121] : memref<80x128xi32, #tpu.memory_space<vmem>> -> memref<1x128xi32, #tpu.memory_space<vmem>>
      %dma_start3A_123 = tpu.memref_squeeze %dma_start3A_122 : memref<1x128xi32, #tpu.memory_space<vmem>> -> memref<128xi32, #tpu.memory_space<vmem>>
      %dma_start3A_124 = arith.constant 0 : i32
      %dma_start3A_125 = tpu.memref_slice %arg6[%dma_start3A_124] : memref<10240xf32, #tpu.memory_space<vmem_shared>> -> memref<10240xf32, #tpu.memory_space<vmem_shared>>
      tpu.enqueue_indirect_dma source(%arg8 : memref<128xf32, #tpu.memory_space<vmem>>) target(%dma_start3A_125 : memref<10240xf32, #tpu.memory_space<vmem_shared>>) offsets(%dma_start3A_123 : memref<128xi32, #tpu.memory_space<vmem>>) semaphore(%arg9 : memref<!tpu.dma_semaphore, #tpu.memory_space<semaphore_mem>>) {add = true}
      %mul3A_126 = arith.constant 20 : i32
      %mul3A_127 = arith.muli %scan3A_9, %mul3A_126 : i32
      %add3A_128 = arith.constant 13 : i32
      %add3A_129 = arith.addi %mul3A_127, %add3A_128 : i32
      %dma_start3A_130 = arith.constant 0 : i32
      %dma_start3A_131 = tpu.memref_slice %arg7[%add3A_129, %dma_start3A_130] : memref<80x128xi32, #tpu.memory_space<vmem>> -> memref<1x128xi32, #tpu.memory_space<vmem>>
      %dma_start3A_132 = tpu.memref_squeeze %dma_start3A_131 : memref<1x128xi32, #tpu.memory_space<vmem>> -> memref<128xi32, #tpu.memory_space<vmem>>
      %dma_start3A_133 = arith.constant 0 : i32
      %dma_start3A_134 = tpu.memref_slice %arg6[%dma_start3A_133] : memref<10240xf32, #tpu.memory_space<vmem_shared>> -> memref<10240xf32, #tpu.memory_space<vmem_shared>>
      tpu.enqueue_indirect_dma source(%arg8 : memref<128xf32, #tpu.memory_space<vmem>>) target(%dma_start3A_134 : memref<10240xf32, #tpu.memory_space<vmem_shared>>) offsets(%dma_start3A_132 : memref<128xi32, #tpu.memory_space<vmem>>) semaphore(%arg9 : memref<!tpu.dma_semaphore, #tpu.memory_space<semaphore_mem>>) {add = true}
      %mul3A_135 = arith.constant 20 : i32
      %mul3A_136 = arith.muli %scan3A_9, %mul3A_135 : i32
      %add3A_137 = arith.constant 14 : i32
      %add3A_138 = arith.addi %mul3A_136, %add3A_137 : i32
      %dma_start3A_139 = arith.constant 0 : i32
      %dma_start3A_140 = tpu.memref_slice %arg7[%add3A_138, %dma_start3A_139] : memref<80x128xi32, #tpu.memory_space<vmem>> -> memref<1x128xi32, #tpu.memory_space<vmem>>
      %dma_start3A_141 = tpu.memref_squeeze %dma_start3A_140 : memref<1x128xi32, #tpu.memory_space<vmem>> -> memref<128xi32, #tpu.memory_space<vmem>>
      %dma_start3A_142 = arith.constant 0 : i32
      %dma_start3A_143 = tpu.memref_slice %arg6[%dma_start3A_142] : memref<10240xf32, #tpu.memory_space<vmem_shared>> -> memref<10240xf32, #tpu.memory_space<vmem_shared>>
      tpu.enqueue_indirect_dma source(%arg8 : memref<128xf32, #tpu.memory_space<vmem>>) target(%dma_start3A_143 : memref<10240xf32, #tpu.memory_space<vmem_shared>>) offsets(%dma_start3A_141 : memref<128xi32, #tpu.memory_space<vmem>>) semaphore(%arg9 : memref<!tpu.dma_semaphore, #tpu.memory_space<semaphore_mem>>) {add = true}
      %mul3A_144 = arith.constant 20 : i32
      %mul3A_145 = arith.muli %scan3A_9, %mul3A_144 : i32
      %add3A_146 = arith.constant 15 : i32
      %add3A_147 = arith.addi %mul3A_145, %add3A_146 : i32
      %dma_start3A_148 = arith.constant 0 : i32
      %dma_start3A_149 = tpu.memref_slice %arg7[%add3A_147, %dma_start3A_148] : memref<80x128xi32, #tpu.memory_space<vmem>> -> memref<1x128xi32, #tpu.memory_space<vmem>>
      %dma_start3A_150 = tpu.memref_squeeze %dma_start3A_149 : memref<1x128xi32, #tpu.memory_space<vmem>> -> memref<128xi32, #tpu.memory_space<vmem>>
      %dma_start3A_151 = arith.constant 0 : i32
      %dma_start3A_152 = tpu.memref_slice %arg6[%dma_start3A_151] : memref<10240xf32, #tpu.memory_space<vmem_shared>> -> memref<10240xf32, #tpu.memory_space<vmem_shared>>
      tpu.enqueue_indirect_dma source(%arg8 : memref<128xf32, #tpu.memory_space<vmem>>) target(%dma_start3A_152 : memref<10240xf32, #tpu.memory_space<vmem_shared>>) offsets(%dma_start3A_150 : memref<128xi32, #tpu.memory_space<vmem>>) semaphore(%arg9 : memref<!tpu.dma_semaphore, #tpu.memory_space<semaphore_mem>>) {add = true}
      %mul3A_153 = arith.constant 20 : i32
      %mul3A_154 = arith.muli %scan3A_9, %mul3A_153 : i32
      %add3A_155 = arith.constant 16 : i32
      %add3A_156 = arith.addi %mul3A_154, %add3A_155 : i32
      %dma_start3A_157 = arith.constant 0 : i32
      %dma_start3A_158 = tpu.memref_slice %arg7[%add3A_156, %dma_start3A_157] : memref<80x128xi32, #tpu.memory_space<vmem>> -> memref<1x128xi32, #tpu.memory_space<vmem>>
      %dma_start3A_159 = tpu.memref_squeeze %dma_start3A_158 : memref<1x128xi32, #tpu.memory_space<vmem>> -> memref<128xi32, #tpu.memory_space<vmem>>
      %dma_start3A_160 = arith.constant 0 : i32
      %dma_start3A_161 = tpu.memref_slice %arg6[%dma_start3A_160] : memref<10240xf32, #tpu.memory_space<vmem_shared>> -> memref<10240xf32, #tpu.memory_space<vmem_shared>>
      tpu.enqueue_indirect_dma source(%arg8 : memref<128xf32, #tpu.memory_space<vmem>>) target(%dma_start3A_161 : memref<10240xf32, #tpu.memory_space<vmem_shared>>) offsets(%dma_start3A_159 : memref<128xi32, #tpu.memory_space<vmem>>) semaphore(%arg9 : memref<!tpu.dma_semaphore, #tpu.memory_space<semaphore_mem>>) {add = true}
      %mul3A_162 = arith.constant 20 : i32
      %mul3A_163 = arith.muli %scan3A_9, %mul3A_162 : i32
      %add3A_164 = arith.constant 17 : i32
      %add3A_165 = arith.addi %mul3A_163, %add3A_164 : i32
      %dma_start3A_166 = arith.constant 0 : i32
      %dma_start3A_167 = tpu.memref_slice %arg7[%add3A_165, %dma_start3A_166] : memref<80x128xi32, #tpu.memory_space<vmem>> -> memref<1x128xi32, #tpu.memory_space<vmem>>
      %dma_start3A_168 = tpu.memref_squeeze %dma_start3A_167 : memref<1x128xi32, #tpu.memory_space<vmem>> -> memref<128xi32, #tpu.memory_space<vmem>>
      %dma_start3A_169 = arith.constant 0 : i32
      %dma_start3A_170 = tpu.memref_slice %arg6[%dma_start3A_169] : memref<10240xf32, #tpu.memory_space<vmem_shared>> -> memref<10240xf32, #tpu.memory_space<vmem_shared>>
      tpu.enqueue_indirect_dma source(%arg8 : memref<128xf32, #tpu.memory_space<vmem>>) target(%dma_start3A_170 : memref<10240xf32, #tpu.memory_space<vmem_shared>>) offsets(%dma_start3A_168 : memref<128xi32, #tpu.memory_space<vmem>>) semaphore(%arg9 : memref<!tpu.dma_semaphore, #tpu.memory_space<semaphore_mem>>) {add = true}
      %mul3A_171 = arith.constant 20 : i32
      %mul3A_172 = arith.muli %scan3A_9, %mul3A_171 : i32
      %add3A_173 = arith.constant 18 : i32
      %add3A_174 = arith.addi %mul3A_172, %add3A_173 : i32
      %dma_start3A_175 = arith.constant 0 : i32
      %dma_start3A_176 = tpu.memref_slice %arg7[%add3A_174, %dma_start3A_175] : memref<80x128xi32, #tpu.memory_space<vmem>> -> memref<1x128xi32, #tpu.memory_space<vmem>>
      %dma_start3A_177 = tpu.memref_squeeze %dma_start3A_176 : memref<1x128xi32, #tpu.memory_space<vmem>> -> memref<128xi32, #tpu.memory_space<vmem>>
      %dma_start3A_178 = arith.constant 0 : i32
      %dma_start3A_179 = tpu.memref_slice %arg6[%dma_start3A_178] : memref<10240xf32, #tpu.memory_space<vmem_shared>> -> memref<10240xf32, #tpu.memory_space<vmem_shared>>
      tpu.enqueue_indirect_dma source(%arg8 : memref<128xf32, #tpu.memory_space<vmem>>) target(%dma_start3A_179 : memref<10240xf32, #tpu.memory_space<vmem_shared>>) offsets(%dma_start3A_177 : memref<128xi32, #tpu.memory_space<vmem>>) semaphore(%arg9 : memref<!tpu.dma_semaphore, #tpu.memory_space<semaphore_mem>>) {add = true}
      %mul3A_180 = arith.constant 20 : i32
      %mul3A_181 = arith.muli %scan3A_9, %mul3A_180 : i32
      %add3A_182 = arith.constant 19 : i32
      %add3A_183 = arith.addi %mul3A_181, %add3A_182 : i32
      %dma_start3A_184 = arith.constant 0 : i32
      %dma_start3A_185 = tpu.memref_slice %arg7[%add3A_183, %dma_start3A_184] : memref<80x128xi32, #tpu.memory_space<vmem>> -> memref<1x128xi32, #tpu.memory_space<vmem>>
      %dma_start3A_186 = tpu.memref_squeeze %dma_start3A_185 : memref<1x128xi32, #tpu.memory_space<vmem>> -> memref<128xi32, #tpu.memory_space<vmem>>
      %dma_start3A_187 = arith.constant 0 : i32
      %dma_start3A_188 = tpu.memref_slice %arg6[%dma_start3A_187] : memref<10240xf32, #tpu.memory_space<vmem_shared>> -> memref<10240xf32, #tpu.memory_space<vmem_shared>>
      tpu.enqueue_indirect_dma source(%arg8 : memref<128xf32, #tpu.memory_space<vmem>>) target(%dma_start3A_188 : memref<10240xf32, #tpu.memory_space<vmem_shared>>) offsets(%dma_start3A_186 : memref<128xi32, #tpu.memory_space<vmem>>) semaphore(%arg9 : memref<!tpu.dma_semaphore, #tpu.memory_space<semaphore_mem>>) {add = true}
      %mul3A_189 = arith.constant 20 : i32
      %mul3A_190 = arith.muli %scan3A_9, %mul3A_189 : i32
      %add3A_191 = arith.constant 0 : i32
      %add3A_192 = arith.addi %mul3A_190, %add3A_191 : i32
      %dma_wait3A = arith.constant 0 : i32
      %dma_wait3A_193 = tpu.memref_slice %arg7[%add3A_192, %dma_wait3A] : memref<80x128xi32, #tpu.memory_space<vmem>> -> memref<1x128xi32, #tpu.memory_space<vmem>>
      %dma_wait3A_194 = tpu.memref_squeeze %dma_wait3A_193 : memref<1x128xi32, #tpu.memory_space<vmem>> -> memref<128xi32, #tpu.memory_space<vmem>>
      %dma_wait3A_195 = arith.constant 0 : i32
      %dma_wait3A_196 = tpu.memref_slice %arg6[%dma_wait3A_195] : memref<10240xf32, #tpu.memory_space<vmem_shared>> -> memref<10240xf32, #tpu.memory_space<vmem_shared>>
      tpu.wait_indirect_dma semaphore(%arg9 : memref<!tpu.dma_semaphore, #tpu.memory_space<semaphore_mem>>) src(%arg8 : memref<128xf32, #tpu.memory_space<vmem>>) dst(%dma_wait3A_196 : memref<10240xf32, #tpu.memory_space<vmem_shared>>)
      %mul3A_197 = arith.constant 20 : i32
      %mul3A_198 = arith.muli %scan3A_9, %mul3A_197 : i32
      %add3A_199 = arith.constant 1 : i32
      %add3A_200 = arith.addi %mul3A_198, %add3A_199 : i32
      %dma_wait3A_201 = arith.constant 0 : i32
      %dma_wait3A_202 = tpu.memref_slice %arg7[%add3A_200, %dma_wait3A_201] : memref<80x128xi32, #tpu.memory_space<vmem>> -> memref<1x128xi32, #tpu.memory_space<vmem>>
      %dma_wait3A_203 = tpu.memref_squeeze %dma_wait3A_202 : memref<1x128xi32, #tpu.memory_space<vmem>> -> memref<128xi32, #tpu.memory_space<vmem>>
      %dma_wait3A_204 = arith.constant 0 : i32
      %dma_wait3A_205 = tpu.memref_slice %arg6[%dma_wait3A_204] : memref<10240xf32, #tpu.memory_space<vmem_shared>> -> memref<10240xf32, #tpu.memory_space<vmem_shared>>
      tpu.wait_indirect_dma semaphore(%arg9 : memref<!tpu.dma_semaphore, #tpu.memory_space<semaphore_mem>>) src(%arg8 : memref<128xf32, #tpu.memory_space<vmem>>) dst(%dma_wait3A_205 : memref<10240xf32, #tpu.memory_space<vmem_shared>>)
      %mul3A_206 = arith.constant 20 : i32
      %mul3A_207 = arith.muli %scan3A_9, %mul3A_206 : i32
      %add3A_208 = arith.constant 2 : i32
      %add3A_209 = arith.addi %mul3A_207, %add3A_208 : i32
      %dma_wait3A_210 = arith.constant 0 : i32
      %dma_wait3A_211 = tpu.memref_slice %arg7[%add3A_209, %dma_wait3A_210] : memref<80x128xi32, #tpu.memory_space<vmem>> -> memref<1x128xi32, #tpu.memory_space<vmem>>
      %dma_wait3A_212 = tpu.memref_squeeze %dma_wait3A_211 : memref<1x128xi32, #tpu.memory_space<vmem>> -> memref<128xi32, #tpu.memory_space<vmem>>
      %dma_wait3A_213 = arith.constant 0 : i32
      %dma_wait3A_214 = tpu.memref_slice %arg6[%dma_wait3A_213] : memref<10240xf32, #tpu.memory_space<vmem_shared>> -> memref<10240xf32, #tpu.memory_space<vmem_shared>>
      tpu.wait_indirect_dma semaphore(%arg9 : memref<!tpu.dma_semaphore, #tpu.memory_space<semaphore_mem>>) src(%arg8 : memref<128xf32, #tpu.memory_space<vmem>>) dst(%dma_wait3A_214 : memref<10240xf32, #tpu.memory_space<vmem_shared>>)
      %mul3A_215 = arith.constant 20 : i32
      %mul3A_216 = arith.muli %scan3A_9, %mul3A_215 : i32
      %add3A_217 = arith.constant 3 : i32
      %add3A_218 = arith.addi %mul3A_216, %add3A_217 : i32
      %dma_wait3A_219 = arith.constant 0 : i32
      %dma_wait3A_220 = tpu.memref_slice %arg7[%add3A_218, %dma_wait3A_219] : memref<80x128xi32, #tpu.memory_space<vmem>> -> memref<1x128xi32, #tpu.memory_space<vmem>>
      %dma_wait3A_221 = tpu.memref_squeeze %dma_wait3A_220 : memref<1x128xi32, #tpu.memory_space<vmem>> -> memref<128xi32, #tpu.memory_space<vmem>>
      %dma_wait3A_222 = arith.constant 0 : i32
      %dma_wait3A_223 = tpu.memref_slice %arg6[%dma_wait3A_222] : memref<10240xf32, #tpu.memory_space<vmem_shared>> -> memref<10240xf32, #tpu.memory_space<vmem_shared>>
      tpu.wait_indirect_dma semaphore(%arg9 : memref<!tpu.dma_semaphore, #tpu.memory_space<semaphore_mem>>) src(%arg8 : memref<128xf32, #tpu.memory_space<vmem>>) dst(%dma_wait3A_223 : memref<10240xf32, #tpu.memory_space<vmem_shared>>)
      %mul3A_224 = arith.constant 20 : i32
      %mul3A_225 = arith.muli %scan3A_9, %mul3A_224 : i32
      %add3A_226 = arith.constant 4 : i32
      %add3A_227 = arith.addi %mul3A_225, %add3A_226 : i32
      %dma_wait3A_228 = arith.constant 0 : i32
      %dma_wait3A_229 = tpu.memref_slice %arg7[%add3A_227, %dma_wait3A_228] : memref<80x128xi32, #tpu.memory_space<vmem>> -> memref<1x128xi32, #tpu.memory_space<vmem>>
      %dma_wait3A_230 = tpu.memref_squeeze %dma_wait3A_229 : memref<1x128xi32, #tpu.memory_space<vmem>> -> memref<128xi32, #tpu.memory_space<vmem>>
      %dma_wait3A_231 = arith.constant 0 : i32
      %dma_wait3A_232 = tpu.memref_slice %arg6[%dma_wait3A_231] : memref<10240xf32, #tpu.memory_space<vmem_shared>> -> memref<10240xf32, #tpu.memory_space<vmem_shared>>
      tpu.wait_indirect_dma semaphore(%arg9 : memref<!tpu.dma_semaphore, #tpu.memory_space<semaphore_mem>>) src(%arg8 : memref<128xf32, #tpu.memory_space<vmem>>) dst(%dma_wait3A_232 : memref<10240xf32, #tpu.memory_space<vmem_shared>>)
      %mul3A_233 = arith.constant 20 : i32
      %mul3A_234 = arith.muli %scan3A_9, %mul3A_233 : i32
      %add3A_235 = arith.constant 5 : i32
      %add3A_236 = arith.addi %mul3A_234, %add3A_235 : i32
      %dma_wait3A_237 = arith.constant 0 : i32
      %dma_wait3A_238 = tpu.memref_slice %arg7[%add3A_236, %dma_wait3A_237] : memref<80x128xi32, #tpu.memory_space<vmem>> -> memref<1x128xi32, #tpu.memory_space<vmem>>
      %dma_wait3A_239 = tpu.memref_squeeze %dma_wait3A_238 : memref<1x128xi32, #tpu.memory_space<vmem>> -> memref<128xi32, #tpu.memory_space<vmem>>
      %dma_wait3A_240 = arith.constant 0 : i32
      %dma_wait3A_241 = tpu.memref_slice %arg6[%dma_wait3A_240] : memref<10240xf32, #tpu.memory_space<vmem_shared>> -> memref<10240xf32, #tpu.memory_space<vmem_shared>>
      tpu.wait_indirect_dma semaphore(%arg9 : memref<!tpu.dma_semaphore, #tpu.memory_space<semaphore_mem>>) src(%arg8 : memref<128xf32, #tpu.memory_space<vmem>>) dst(%dma_wait3A_241 : memref<10240xf32, #tpu.memory_space<vmem_shared>>)
      %mul3A_242 = arith.constant 20 : i32
      %mul3A_243 = arith.muli %scan3A_9, %mul3A_242 : i32
      %add3A_244 = arith.constant 6 : i32
      %add3A_245 = arith.addi %mul3A_243, %add3A_244 : i32
      %dma_wait3A_246 = arith.constant 0 : i32
      %dma_wait3A_247 = tpu.memref_slice %arg7[%add3A_245, %dma_wait3A_246] : memref<80x128xi32, #tpu.memory_space<vmem>> -> memref<1x128xi32, #tpu.memory_space<vmem>>
      %dma_wait3A_248 = tpu.memref_squeeze %dma_wait3A_247 : memref<1x128xi32, #tpu.memory_space<vmem>> -> memref<128xi32, #tpu.memory_space<vmem>>
      %dma_wait3A_249 = arith.constant 0 : i32
      %dma_wait3A_250 = tpu.memref_slice %arg6[%dma_wait3A_249] : memref<10240xf32, #tpu.memory_space<vmem_shared>> -> memref<10240xf32, #tpu.memory_space<vmem_shared>>
      tpu.wait_indirect_dma semaphore(%arg9 : memref<!tpu.dma_semaphore, #tpu.memory_space<semaphore_mem>>) src(%arg8 : memref<128xf32, #tpu.memory_space<vmem>>) dst(%dma_wait3A_250 : memref<10240xf32, #tpu.memory_space<vmem_shared>>)
      %mul3A_251 = arith.constant 20 : i32
      %mul3A_252 = arith.muli %scan3A_9, %mul3A_251 : i32
      %add3A_253 = arith.constant 7 : i32
      %add3A_254 = arith.addi %mul3A_252, %add3A_253 : i32
      %dma_wait3A_255 = arith.constant 0 : i32
      %dma_wait3A_256 = tpu.memref_slice %arg7[%add3A_254, %dma_wait3A_255] : memref<80x128xi32, #tpu.memory_space<vmem>> -> memref<1x128xi32, #tpu.memory_space<vmem>>
      %dma_wait3A_257 = tpu.memref_squeeze %dma_wait3A_256 : memref<1x128xi32, #tpu.memory_space<vmem>> -> memref<128xi32, #tpu.memory_space<vmem>>
      %dma_wait3A_258 = arith.constant 0 : i32
      %dma_wait3A_259 = tpu.memref_slice %arg6[%dma_wait3A_258] : memref<10240xf32, #tpu.memory_space<vmem_shared>> -> memref<10240xf32, #tpu.memory_space<vmem_shared>>
      tpu.wait_indirect_dma semaphore(%arg9 : memref<!tpu.dma_semaphore, #tpu.memory_space<semaphore_mem>>) src(%arg8 : memref<128xf32, #tpu.memory_space<vmem>>) dst(%dma_wait3A_259 : memref<10240xf32, #tpu.memory_space<vmem_shared>>)
      %mul3A_260 = arith.constant 20 : i32
      %mul3A_261 = arith.muli %scan3A_9, %mul3A_260 : i32
      %add3A_262 = arith.constant 8 : i32
      %add3A_263 = arith.addi %mul3A_261, %add3A_262 : i32
      %dma_wait3A_264 = arith.constant 0 : i32
      %dma_wait3A_265 = tpu.memref_slice %arg7[%add3A_263, %dma_wait3A_264] : memref<80x128xi32, #tpu.memory_space<vmem>> -> memref<1x128xi32, #tpu.memory_space<vmem>>
      %dma_wait3A_266 = tpu.memref_squeeze %dma_wait3A_265 : memref<1x128xi32, #tpu.memory_space<vmem>> -> memref<128xi32, #tpu.memory_space<vmem>>
      %dma_wait3A_267 = arith.constant 0 : i32
      %dma_wait3A_268 = tpu.memref_slice %arg6[%dma_wait3A_267] : memref<10240xf32, #tpu.memory_space<vmem_shared>> -> memref<10240xf32, #tpu.memory_space<vmem_shared>>
      tpu.wait_indirect_dma semaphore(%arg9 : memref<!tpu.dma_semaphore, #tpu.memory_space<semaphore_mem>>) src(%arg8 : memref<128xf32, #tpu.memory_space<vmem>>) dst(%dma_wait3A_268 : memref<10240xf32, #tpu.memory_space<vmem_shared>>)
      %mul3A_269 = arith.constant 20 : i32
      %mul3A_270 = arith.muli %scan3A_9, %mul3A_269 : i32
      %add3A_271 = arith.constant 9 : i32
      %add3A_272 = arith.addi %mul3A_270, %add3A_271 : i32
      %dma_wait3A_273 = arith.constant 0 : i32
      %dma_wait3A_274 = tpu.memref_slice %arg7[%add3A_272, %dma_wait3A_273] : memref<80x128xi32, #tpu.memory_space<vmem>> -> memref<1x128xi32, #tpu.memory_space<vmem>>
      %dma_wait3A_275 = tpu.memref_squeeze %dma_wait3A_274 : memref<1x128xi32, #tpu.memory_space<vmem>> -> memref<128xi32, #tpu.memory_space<vmem>>
      %dma_wait3A_276 = arith.constant 0 : i32
      %dma_wait3A_277 = tpu.memref_slice %arg6[%dma_wait3A_276] : memref<10240xf32, #tpu.memory_space<vmem_shared>> -> memref<10240xf32, #tpu.memory_space<vmem_shared>>
      tpu.wait_indirect_dma semaphore(%arg9 : memref<!tpu.dma_semaphore, #tpu.memory_space<semaphore_mem>>) src(%arg8 : memref<128xf32, #tpu.memory_space<vmem>>) dst(%dma_wait3A_277 : memref<10240xf32, #tpu.memory_space<vmem_shared>>)
      %mul3A_278 = arith.constant 20 : i32
      %mul3A_279 = arith.muli %scan3A_9, %mul3A_278 : i32
      %add3A_280 = arith.constant 10 : i32
      %add3A_281 = arith.addi %mul3A_279, %add3A_280 : i32
      %dma_wait3A_282 = arith.constant 0 : i32
      %dma_wait3A_283 = tpu.memref_slice %arg7[%add3A_281, %dma_wait3A_282] : memref<80x128xi32, #tpu.memory_space<vmem>> -> memref<1x128xi32, #tpu.memory_space<vmem>>
      %dma_wait3A_284 = tpu.memref_squeeze %dma_wait3A_283 : memref<1x128xi32, #tpu.memory_space<vmem>> -> memref<128xi32, #tpu.memory_space<vmem>>
      %dma_wait3A_285 = arith.constant 0 : i32
      %dma_wait3A_286 = tpu.memref_slice %arg6[%dma_wait3A_285] : memref<10240xf32, #tpu.memory_space<vmem_shared>> -> memref<10240xf32, #tpu.memory_space<vmem_shared>>
      tpu.wait_indirect_dma semaphore(%arg9 : memref<!tpu.dma_semaphore, #tpu.memory_space<semaphore_mem>>) src(%arg8 : memref<128xf32, #tpu.memory_space<vmem>>) dst(%dma_wait3A_286 : memref<10240xf32, #tpu.memory_space<vmem_shared>>)
      %mul3A_287 = arith.constant 20 : i32
      %mul3A_288 = arith.muli %scan3A_9, %mul3A_287 : i32
      %add3A_289 = arith.constant 11 : i32
      %add3A_290 = arith.addi %mul3A_288, %add3A_289 : i32
      %dma_wait3A_291 = arith.constant 0 : i32
      %dma_wait3A_292 = tpu.memref_slice %arg7[%add3A_290, %dma_wait3A_291] : memref<80x128xi32, #tpu.memory_space<vmem>> -> memref<1x128xi32, #tpu.memory_space<vmem>>
      %dma_wait3A_293 = tpu.memref_squeeze %dma_wait3A_292 : memref<1x128xi32, #tpu.memory_space<vmem>> -> memref<128xi32, #tpu.memory_space<vmem>>
      %dma_wait3A_294 = arith.constant 0 : i32
      %dma_wait3A_295 = tpu.memref_slice %arg6[%dma_wait3A_294] : memref<10240xf32, #tpu.memory_space<vmem_shared>> -> memref<10240xf32, #tpu.memory_space<vmem_shared>>
      tpu.wait_indirect_dma semaphore(%arg9 : memref<!tpu.dma_semaphore, #tpu.memory_space<semaphore_mem>>) src(%arg8 : memref<128xf32, #tpu.memory_space<vmem>>) dst(%dma_wait3A_295 : memref<10240xf32, #tpu.memory_space<vmem_shared>>)
      %mul3A_296 = arith.constant 20 : i32
      %mul3A_297 = arith.muli %scan3A_9, %mul3A_296 : i32
      %add3A_298 = arith.constant 12 : i32
      %add3A_299 = arith.addi %mul3A_297, %add3A_298 : i32
      %dma_wait3A_300 = arith.constant 0 : i32
      %dma_wait3A_301 = tpu.memref_slice %arg7[%add3A_299, %dma_wait3A_300] : memref<80x128xi32, #tpu.memory_space<vmem>> -> memref<1x128xi32, #tpu.memory_space<vmem>>
      %dma_wait3A_302 = tpu.memref_squeeze %dma_wait3A_301 : memref<1x128xi32, #tpu.memory_space<vmem>> -> memref<128xi32, #tpu.memory_space<vmem>>
      %dma_wait3A_303 = arith.constant 0 : i32
      %dma_wait3A_304 = tpu.memref_slice %arg6[%dma_wait3A_303] : memref<10240xf32, #tpu.memory_space<vmem_shared>> -> memref<10240xf32, #tpu.memory_space<vmem_shared>>
      tpu.wait_indirect_dma semaphore(%arg9 : memref<!tpu.dma_semaphore, #tpu.memory_space<semaphore_mem>>) src(%arg8 : memref<128xf32, #tpu.memory_space<vmem>>) dst(%dma_wait3A_304 : memref<10240xf32, #tpu.memory_space<vmem_shared>>)
      %mul3A_305 = arith.constant 20 : i32
      %mul3A_306 = arith.muli %scan3A_9, %mul3A_305 : i32
      %add3A_307 = arith.constant 13 : i32
      %add3A_308 = arith.addi %mul3A_306, %add3A_307 : i32
      %dma_wait3A_309 = arith.constant 0 : i32
      %dma_wait3A_310 = tpu.memref_slice %arg7[%add3A_308, %dma_wait3A_309] : memref<80x128xi32, #tpu.memory_space<vmem>> -> memref<1x128xi32, #tpu.memory_space<vmem>>
      %dma_wait3A_311 = tpu.memref_squeeze %dma_wait3A_310 : memref<1x128xi32, #tpu.memory_space<vmem>> -> memref<128xi32, #tpu.memory_space<vmem>>
      %dma_wait3A_312 = arith.constant 0 : i32
      %dma_wait3A_313 = tpu.memref_slice %arg6[%dma_wait3A_312] : memref<10240xf32, #tpu.memory_space<vmem_shared>> -> memref<10240xf32, #tpu.memory_space<vmem_shared>>
      tpu.wait_indirect_dma semaphore(%arg9 : memref<!tpu.dma_semaphore, #tpu.memory_space<semaphore_mem>>) src(%arg8 : memref<128xf32, #tpu.memory_space<vmem>>) dst(%dma_wait3A_313 : memref<10240xf32, #tpu.memory_space<vmem_shared>>)
      %mul3A_314 = arith.constant 20 : i32
      %mul3A_315 = arith.muli %scan3A_9, %mul3A_314 : i32
      %add3A_316 = arith.constant 14 : i32
      %add3A_317 = arith.addi %mul3A_315, %add3A_316 : i32
      %dma_wait3A_318 = arith.constant 0 : i32
      %dma_wait3A_319 = tpu.memref_slice %arg7[%add3A_317, %dma_wait3A_318] : memref<80x128xi32, #tpu.memory_space<vmem>> -> memref<1x128xi32, #tpu.memory_space<vmem>>
      %dma_wait3A_320 = tpu.memref_squeeze %dma_wait3A_319 : memref<1x128xi32, #tpu.memory_space<vmem>> -> memref<128xi32, #tpu.memory_space<vmem>>
      %dma_wait3A_321 = arith.constant 0 : i32
      %dma_wait3A_322 = tpu.memref_slice %arg6[%dma_wait3A_321] : memref<10240xf32, #tpu.memory_space<vmem_shared>> -> memref<10240xf32, #tpu.memory_space<vmem_shared>>
      tpu.wait_indirect_dma semaphore(%arg9 : memref<!tpu.dma_semaphore, #tpu.memory_space<semaphore_mem>>) src(%arg8 : memref<128xf32, #tpu.memory_space<vmem>>) dst(%dma_wait3A_322 : memref<10240xf32, #tpu.memory_space<vmem_shared>>)
      %mul3A_323 = arith.constant 20 : i32
      %mul3A_324 = arith.muli %scan3A_9, %mul3A_323 : i32
      %add3A_325 = arith.constant 15 : i32
      %add3A_326 = arith.addi %mul3A_324, %add3A_325 : i32
      %dma_wait3A_327 = arith.constant 0 : i32
      %dma_wait3A_328 = tpu.memref_slice %arg7[%add3A_326, %dma_wait3A_327] : memref<80x128xi32, #tpu.memory_space<vmem>> -> memref<1x128xi32, #tpu.memory_space<vmem>>
      %dma_wait3A_329 = tpu.memref_squeeze %dma_wait3A_328 : memref<1x128xi32, #tpu.memory_space<vmem>> -> memref<128xi32, #tpu.memory_space<vmem>>
      %dma_wait3A_330 = arith.constant 0 : i32
      %dma_wait3A_331 = tpu.memref_slice %arg6[%dma_wait3A_330] : memref<10240xf32, #tpu.memory_space<vmem_shared>> -> memref<10240xf32, #tpu.memory_space<vmem_shared>>
      tpu.wait_indirect_dma semaphore(%arg9 : memref<!tpu.dma_semaphore, #tpu.memory_space<semaphore_mem>>) src(%arg8 : memref<128xf32, #tpu.memory_space<vmem>>) dst(%dma_wait3A_331 : memref<10240xf32, #tpu.memory_space<vmem_shared>>)
      %mul3A_332 = arith.constant 20 : i32
      %mul3A_333 = arith.muli %scan3A_9, %mul3A_332 : i32
      %add3A_334 = arith.constant 16 : i32
      %add3A_335 = arith.addi %mul3A_333, %add3A_334 : i32
      %dma_wait3A_336 = arith.constant 0 : i32
      %dma_wait3A_337 = tpu.memref_slice %arg7[%add3A_335, %dma_wait3A_336] : memref<80x128xi32, #tpu.memory_space<vmem>> -> memref<1x128xi32, #tpu.memory_space<vmem>>
      %dma_wait3A_338 = tpu.memref_squeeze %dma_wait3A_337 : memref<1x128xi32, #tpu.memory_space<vmem>> -> memref<128xi32, #tpu.memory_space<vmem>>
      %dma_wait3A_339 = arith.constant 0 : i32
      %dma_wait3A_340 = tpu.memref_slice %arg6[%dma_wait3A_339] : memref<10240xf32, #tpu.memory_space<vmem_shared>> -> memref<10240xf32, #tpu.memory_space<vmem_shared>>
      tpu.wait_indirect_dma semaphore(%arg9 : memref<!tpu.dma_semaphore, #tpu.memory_space<semaphore_mem>>) src(%arg8 : memref<128xf32, #tpu.memory_space<vmem>>) dst(%dma_wait3A_340 : memref<10240xf32, #tpu.memory_space<vmem_shared>>)
      %mul3A_341 = arith.constant 20 : i32
      %mul3A_342 = arith.muli %scan3A_9, %mul3A_341 : i32
      %add3A_343 = arith.constant 17 : i32
      %add3A_344 = arith.addi %mul3A_342, %add3A_343 : i32
      %dma_wait3A_345 = arith.constant 0 : i32
      %dma_wait3A_346 = tpu.memref_slice %arg7[%add3A_344, %dma_wait3A_345] : memref<80x128xi32, #tpu.memory_space<vmem>> -> memref<1x128xi32, #tpu.memory_space<vmem>>
      %dma_wait3A_347 = tpu.memref_squeeze %dma_wait3A_346 : memref<1x128xi32, #tpu.memory_space<vmem>> -> memref<128xi32, #tpu.memory_space<vmem>>
      %dma_wait3A_348 = arith.constant 0 : i32
      %dma_wait3A_349 = tpu.memref_slice %arg6[%dma_wait3A_348] : memref<10240xf32, #tpu.memory_space<vmem_shared>> -> memref<10240xf32, #tpu.memory_space<vmem_shared>>
      tpu.wait_indirect_dma semaphore(%arg9 : memref<!tpu.dma_semaphore, #tpu.memory_space<semaphore_mem>>) src(%arg8 : memref<128xf32, #tpu.memory_space<vmem>>) dst(%dma_wait3A_349 : memref<10240xf32, #tpu.memory_space<vmem_shared>>)
      %mul3A_350 = arith.constant 20 : i32
      %mul3A_351 = arith.muli %scan3A_9, %mul3A_350 : i32
      %add3A_352 = arith.constant 18 : i32
      %add3A_353 = arith.addi %mul3A_351, %add3A_352 : i32
      %dma_wait3A_354 = arith.constant 0 : i32
      %dma_wait3A_355 = tpu.memref_slice %arg7[%add3A_353, %dma_wait3A_354] : memref<80x128xi32, #tpu.memory_space<vmem>> -> memref<1x128xi32, #tpu.memory_space<vmem>>
      %dma_wait3A_356 = tpu.memref_squeeze %dma_wait3A_355 : memref<1x128xi32, #tpu.memory_space<vmem>> -> memref<128xi32, #tpu.memory_space<vmem>>
      %dma_wait3A_357 = arith.constant 0 : i32
      %dma_wait3A_358 = tpu.memref_slice %arg6[%dma_wait3A_357] : memref<10240xf32, #tpu.memory_space<vmem_shared>> -> memref<10240xf32, #tpu.memory_space<vmem_shared>>
      tpu.wait_indirect_dma semaphore(%arg9 : memref<!tpu.dma_semaphore, #tpu.memory_space<semaphore_mem>>) src(%arg8 : memref<128xf32, #tpu.memory_space<vmem>>) dst(%dma_wait3A_358 : memref<10240xf32, #tpu.memory_space<vmem_shared>>)
      %mul3A_359 = arith.constant 20 : i32
      %mul3A_360 = arith.muli %scan3A_9, %mul3A_359 : i32
      %add3A_361 = arith.constant 19 : i32
      %add3A_362 = arith.addi %mul3A_360, %add3A_361 : i32
      %dma_wait3A_363 = arith.constant 0 : i32
      %dma_wait3A_364 = tpu.memref_slice %arg7[%add3A_362, %dma_wait3A_363] : memref<80x128xi32, #tpu.memory_space<vmem>> -> memref<1x128xi32, #tpu.memory_space<vmem>>
      %dma_wait3A_365 = tpu.memref_squeeze %dma_wait3A_364 : memref<1x128xi32, #tpu.memory_space<vmem>> -> memref<128xi32, #tpu.memory_space<vmem>>
      %dma_wait3A_366 = arith.constant 0 : i32
      %dma_wait3A_367 = tpu.memref_slice %arg6[%dma_wait3A_366] : memref<10240xf32, #tpu.memory_space<vmem_shared>> -> memref<10240xf32, #tpu.memory_space<vmem_shared>>
      tpu.wait_indirect_dma semaphore(%arg9 : memref<!tpu.dma_semaphore, #tpu.memory_space<semaphore_mem>>) src(%arg8 : memref<128xf32, #tpu.memory_space<vmem>>) dst(%dma_wait3A_367 : memref<10240xf32, #tpu.memory_space<vmem_shared>>)
    }
    %scan3A_7 = arith.constant 4 : i32
    %barrier3A_8 = arith.constant 0 : index
    tpu.barrier barrier_id(%barrier3A_8)
    "tpu.region"() ({
      %run_scoped3A = tpu.sem_alloc : memref<!tpu.dma_semaphore, #tpu.memory_space<semaphore_mem>>
      %dma_start3A = tpu.memref_slice %arg5[%arg0, %mul3A_2] : memref<2x10240xf32, #tpu.memory_space<hbm>> -> memref<1x640xf32, #tpu.memory_space<hbm>>
      %dma_start3A_9 = tpu.memref_squeeze %dma_start3A : memref<1x640xf32, #tpu.memory_space<hbm>> -> memref<640xf32, #tpu.memory_space<hbm>>
      %dma_start3A_10 = tpu.memref_slice %arg6[%mul3A_2] : memref<10240xf32, #tpu.memory_space<vmem_shared>> -> memref<640xf32, #tpu.memory_space<vmem_shared>>
      tpu.enqueue_dma source(%dma_start3A_10 : memref<640xf32, #tpu.memory_space<vmem_shared>>) target(%dma_start3A_9 : memref<640xf32, #tpu.memory_space<hbm>>) target_semaphore(%run_scoped3A : memref<!tpu.dma_semaphore, #tpu.memory_space<semaphore_mem>>)
      %dma_wait3A = tpu.memref_slice %arg5[%arg0, %mul3A_2] : memref<2x10240xf32, #tpu.memory_space<hbm>> -> memref<1x640xf32, #tpu.memory_space<hbm>>
      %dma_wait3A_11 = tpu.memref_squeeze %dma_wait3A : memref<1x640xf32, #tpu.memory_space<hbm>> -> memref<640xf32, #tpu.memory_space<hbm>>
      %dma_wait3A_12 = tpu.memref_slice %arg6[%mul3A_2] : memref<10240xf32, #tpu.memory_space<vmem_shared>> -> memref<640xf32, #tpu.memory_space<vmem_shared>>
      tpu.wait_dma2 semaphore(%run_scoped3A : memref<!tpu.dma_semaphore, #tpu.memory_space<semaphore_mem>>) src(%dma_wait3A_12 : memref<640xf32, #tpu.memory_space<vmem_shared>>) dst(%dma_wait3A_11 : memref<640xf32, #tpu.memory_space<hbm>>)
      tpu.yield
    }) : () -> ()
    return
  }
}

#map = affine_map<(d0, d1) -> (0, 0)>
#map1 = affine_map<(d0, d1) -> (0, 0, 0)>
module attributes {stable_mosaic.version = 14 : i64} {
  func.func @k(%arg0: i32, %arg1: i32, %arg2: memref<10240x128xf32, #tpu.memory_space<hbm>>, %arg3: memref<32x80x128xi32, #tpu.memory_space<hbm>>, %arg4: memref<32x80x128xi32, #tpu.memory_space<hbm>>, %arg5: memref<2x10240x128xf32, #tpu.memory_space<hbm>>, %arg6: memref<10240x128xf32, #tpu.memory_space<vmem_shared>>, %arg7: memref<40x128xi32, #tpu.memory_space<vmem>>, %arg8: memref<40x128xi32, #tpu.memory_space<vmem>>, %arg9: memref<128x128xf32, #tpu.memory_space<vmem>>, %arg10: memref<128x128xf32, #tpu.memory_space<vmem>>, %arg11: memref<!tpu.dma_semaphore, #tpu.memory_space<semaphore_mem>>, %arg12: memref<!tpu.dma_semaphore, #tpu.memory_space<semaphore_mem>>) attributes {dimension_semantics = [#tpu.dimension_semantics<core_parallel>, #tpu.dimension_semantics<subcore_parallel>], iteration_bounds = array<i64: 2, 16>, scalar_prefetch = 0 : i64, scratch_operands = 7 : i64, tpu.core_type = #tpu.core_type<sc_vector_subcore>, window_params = [{transform_indices = #map}, {transform_indices = #map1}, {transform_indices = #map1}, {transform_indices = #map1}]} {
    %mul3A = arith.constant 16 : i32
    %mul3A_0 = arith.muli %arg0, %mul3A : i32
    %add3A = arith.addi %mul3A_0, %arg1 : i32
    %mul3A_1 = arith.constant 640 : i32
    %mul3A_2 = arith.muli %arg1, %mul3A_1 : i32
    %dma_start3A = arith.constant 0 : i32
    %dma_start3A_3 = arith.constant 0 : i32
    %dma_start3A_4 = tpu.memref_slice %arg3[%add3A, %dma_start3A, %dma_start3A_3] : memref<32x80x128xi32, #tpu.memory_space<hbm>> -> memref<1x40x128xi32, #tpu.memory_space<hbm>>
    %dma_start3A_5 = tpu.memref_squeeze %dma_start3A_4 : memref<1x40x128xi32, #tpu.memory_space<hbm>> -> memref<40x128xi32, #tpu.memory_space<hbm>>
    %dma_start3A_6 = arith.constant 0 : i32
    %dma_start3A_7 = arith.constant 0 : i32
    %dma_start3A_8 = tpu.memref_slice %arg3[%add3A, %dma_start3A_6, %dma_start3A_7] : memref<32x80x128xi32, #tpu.memory_space<hbm>> -> memref<1x40x128xi32, #tpu.memory_space<hbm>>
    %dma_start3A_9 = tpu.memref_squeeze %dma_start3A_8 : memref<1x40x128xi32, #tpu.memory_space<hbm>> -> memref<40x128xi32, #tpu.memory_space<hbm>>
    tpu.enqueue_dma source(%dma_start3A_9 : memref<40x128xi32, #tpu.memory_space<hbm>>) target(%arg7 : memref<40x128xi32, #tpu.memory_space<vmem>>) target_semaphore(%arg11 : memref<!tpu.dma_semaphore, #tpu.memory_space<semaphore_mem>>)
    %dma_start3A_10 = arith.constant 0 : i32
    %dma_start3A_11 = arith.constant 0 : i32
    %dma_start3A_12 = tpu.memref_slice %arg4[%add3A, %dma_start3A_10, %dma_start3A_11] : memref<32x80x128xi32, #tpu.memory_space<hbm>> -> memref<1x40x128xi32, #tpu.memory_space<hbm>>
    %dma_start3A_13 = tpu.memref_squeeze %dma_start3A_12 : memref<1x40x128xi32, #tpu.memory_space<hbm>> -> memref<40x128xi32, #tpu.memory_space<hbm>>
    %dma_start3A_14 = arith.constant 0 : i32
    %dma_start3A_15 = arith.constant 0 : i32
    %dma_start3A_16 = tpu.memref_slice %arg4[%add3A, %dma_start3A_14, %dma_start3A_15] : memref<32x80x128xi32, #tpu.memory_space<hbm>> -> memref<1x40x128xi32, #tpu.memory_space<hbm>>
    %dma_start3A_17 = tpu.memref_squeeze %dma_start3A_16 : memref<1x40x128xi32, #tpu.memory_space<hbm>> -> memref<40x128xi32, #tpu.memory_space<hbm>>
    tpu.enqueue_dma source(%dma_start3A_17 : memref<40x128xi32, #tpu.memory_space<hbm>>) target(%arg8 : memref<40x128xi32, #tpu.memory_space<vmem>>) target_semaphore(%arg12 : memref<!tpu.dma_semaphore, #tpu.memory_space<semaphore_mem>>)
    %eq3A = arith.constant 0 : i32
    %eq3A_18 = arith.cmpi eq, %arg0, %eq3A : i32
    %convert_element_type3A = arith.extui %eq3A_18 : i1 to i32
    %cond3A = arith.constant 0 : i32
    %cond3A_19 = arith.cmpi ne, %convert_element_type3A, %cond3A : i32
    scf.if %cond3A_19 {
      "tpu.region"() ({
        %run_scoped3A = tpu.sem_alloc : memref<!tpu.dma_semaphore, #tpu.memory_space<semaphore_mem>>
        %dma_start3A_65 = arith.constant 0 : i32
        %dma_start3A_66 = tpu.memref_slice %arg6[%mul3A_2, %dma_start3A_65] : memref<10240x128xf32, #tpu.memory_space<vmem_shared>> -> memref<640x128xf32, #tpu.memory_space<vmem_shared>>
        %dma_start3A_67 = arith.constant 0 : i32
        %dma_start3A_68 = tpu.memref_slice %arg2[%mul3A_2, %dma_start3A_67] : memref<10240x128xf32, #tpu.memory_space<hbm>> -> memref<640x128xf32, #tpu.memory_space<hbm>>
        tpu.enqueue_dma source(%dma_start3A_68 : memref<640x128xf32, #tpu.memory_space<hbm>>) target(%dma_start3A_66 : memref<640x128xf32, #tpu.memory_space<vmem_shared>>) target_semaphore(%run_scoped3A : memref<!tpu.dma_semaphore, #tpu.memory_space<semaphore_mem>>)
        %dma_wait3A_69 = arith.constant 0 : i32
        %dma_wait3A_70 = tpu.memref_slice %arg6[%mul3A_2, %dma_wait3A_69] : memref<10240x128xf32, #tpu.memory_space<vmem_shared>> -> memref<640x128xf32, #tpu.memory_space<vmem_shared>>
        %dma_wait3A_71 = arith.constant 0 : i32
        %dma_wait3A_72 = tpu.memref_slice %arg2[%mul3A_2, %dma_wait3A_71] : memref<10240x128xf32, #tpu.memory_space<hbm>> -> memref<640x128xf32, #tpu.memory_space<hbm>>
        tpu.wait_dma2 semaphore(%run_scoped3A : memref<!tpu.dma_semaphore, #tpu.memory_space<semaphore_mem>>) src(%dma_wait3A_72 : memref<640x128xf32, #tpu.memory_space<hbm>>) dst(%dma_wait3A_70 : memref<640x128xf32, #tpu.memory_space<vmem_shared>>)
        tpu.yield
      }) : () -> ()
    } else {
    }
    %ne3A = arith.constant 0 : i32
    %ne3A_20 = arith.cmpi ne, %arg0, %ne3A : i32
    %convert_element_type3A_21 = arith.extui %ne3A_20 : i1 to i32
    %cond3A_22 = arith.constant 0 : i32
    %cond3A_23 = arith.cmpi ne, %convert_element_type3A_21, %cond3A_22 : i32
    scf.if %cond3A_23 {
      %scan3A_65 = arith.constant 0 : i32
      %scan3A_66 = arith.constant 0 : i32
      %scan3A_67 = arith.constant 1024 : i32
      %scan3A_68 = arith.addi %scan3A_66, %scan3A_67 : i32
      %scan3A_69 = arith.constant 1 : i32
      scf.for %scan3A_81 = %scan3A_66 to %scan3A_68 step %scan3A_69  : i32 {
        %broadcast_in_dim3A = arith.constant 0.000000e+00 : f32
        %broadcast_in_dim3A_82 = vector.broadcast %broadcast_in_dim3A : f32 to vector<16xf32>
        %jit3A = arith.constant 8 : i32
        %div3A = arith.divsi %scan3A_81, %jit3A : i32
        %sign3A = arith.constant 0 : i32
        %sign3A_83 = arith.cmpi sgt, %scan3A_81, %sign3A : i32
        %sign3A_84 = arith.extui %sign3A_83 : i1 to i32
        %sign3A_85 = arith.constant 0 : i32
        %sign3A_86 = arith.cmpi slt, %scan3A_81, %sign3A_85 : i32
        %sign3A_87 = arith.extui %sign3A_86 : i1 to i32
        %sign3A_88 = arith.subi %sign3A_84, %sign3A_87 : i32
        %sign3A_89 = arith.constant 0 : i32
        %sign3A_90 = arith.cmpi sgt, %jit3A, %sign3A_89 : i32
        %sign3A_91 = arith.extui %sign3A_90 : i1 to i32
        %sign3A_92 = arith.constant 0 : i32
        %sign3A_93 = arith.cmpi slt, %jit3A, %sign3A_92 : i32
        %sign3A_94 = arith.extui %sign3A_93 : i1 to i32
        %sign3A_95 = arith.subi %sign3A_91, %sign3A_94 : i32
        %ne3A_96 = arith.cmpi ne, %sign3A_88, %sign3A_95 : i32
        %rem3A = arith.remsi %scan3A_81, %jit3A : i32
        %ne3A_97 = arith.constant 0 : i32
        %ne3A_98 = arith.cmpi ne, %rem3A, %ne3A_97 : i32
        %and3A = arith.andi %ne3A_96, %ne3A_98 : i1
        %sub3A = arith.constant 1 : i32
        %sub3A_99 = arith.subi %div3A, %sub3A : i32
        %select_n3A = arith.select %and3A, %sub3A_99, %div3A : i32
        %jit3A_100 = arith.constant 8 : i32
        %eq3A_101 = arith.constant 0 : i32
        %eq3A_102 = arith.cmpi eq, %jit3A_100, %eq3A_101 : i32
        %jit3A_103 = arith.constant 1 : i32
        %select_n3A_104 = arith.select %eq3A_102, %jit3A_103, %jit3A_100 : i32
        %rem3A_105 = arith.remsi %scan3A_81, %select_n3A_104 : i32
        %ne3A_106 = arith.constant 0 : i32
        %ne3A_107 = arith.cmpi ne, %rem3A_105, %ne3A_106 : i32
        %lt3A = arith.constant 0 : i32
        %lt3A_108 = arith.cmpi slt, %rem3A_105, %lt3A : i32
        %lt3A_109 = arith.constant 0 : i32
        %lt3A_110 = arith.cmpi slt, %select_n3A_104, %lt3A_109 : i32
        %ne3A_111 = arith.xori %lt3A_108, %lt3A_110 : i1
        %and3A_112 = arith.andi %ne3A_111, %ne3A_107 : i1
        %add3A_113 = arith.addi %rem3A_105, %select_n3A_104 : i32
        %select_n3A_114 = arith.select %and3A_112, %add3A_113, %rem3A_105 : i32
        %mul3A_115 = arith.constant 16 : i32
        %mul3A_116 = arith.muli %select_n3A_114, %mul3A_115 : i32
        %swap3A = arith.index_cast %select_n3A : i32 to index
        %swap3A_117 = arith.index_cast %mul3A_116 : i32 to index
        %swap3A_118 = tpu.vector_load %arg9[%swap3A, %swap3A_117] {strides = array<i32>} : memref<128x128xf32, #tpu.memory_space<vmem>>, vector<1x16xf32>,
        %swap3A_119 = vector.shape_cast %swap3A_118 : vector<1x16xf32> to vector<16xf32>
        %swap3A_120 = vector.shape_cast %broadcast_in_dim3A_82 : vector<16xf32> to vector<1x16xf32>
        tpu.vector_store %arg9[%swap3A, %swap3A_117], %swap3A_120 {strides = array<i32>} : memref<128x128xf32, #tpu.memory_space<vmem>>, vector<1x16xf32>,
      }
      %scan3A_70 = arith.constant 1024 : i32
      %add3A_71 = arith.constant 0 : i32
      %add3A_72 = arith.addi %mul3A_2, %add3A_71 : i32
      "tpu.region"() ({
        %run_scoped3A = tpu.sem_alloc : memref<!tpu.dma_semaphore, #tpu.memory_space<semaphore_mem>>
        %dma_start3A_81 = arith.constant 0 : i32
        %dma_start3A_82 = tpu.memref_slice %arg6[%add3A_72, %dma_start3A_81] : memref<10240x128xf32, #tpu.memory_space<vmem_shared>> -> memref<128x128xf32, #tpu.memory_space<vmem_shared>>
        %dma_start3A_83 = arith.constant 0 : i32
        %dma_start3A_84 = tpu.memref_slice %arg6[%add3A_72, %dma_start3A_83] : memref<10240x128xf32, #tpu.memory_space<vmem_shared>> -> memref<128x128xf32, #tpu.memory_space<vmem_shared>>
        tpu.enqueue_dma source(%arg9 : memref<128x128xf32, #tpu.memory_space<vmem>>) target(%dma_start3A_84 : memref<128x128xf32, #tpu.memory_space<vmem_shared>>) target_semaphore(%run_scoped3A : memref<!tpu.dma_semaphore, #tpu.memory_space<semaphore_mem>>)
        %dma_wait3A_85 = arith.constant 0 : i32
        %dma_wait3A_86 = tpu.memref_slice %arg6[%add3A_72, %dma_wait3A_85] : memref<10240x128xf32, #tpu.memory_space<vmem_shared>> -> memref<128x128xf32, #tpu.memory_space<vmem_shared>>
        %dma_wait3A_87 = arith.constant 0 : i32
        %dma_wait3A_88 = tpu.memref_slice %arg6[%add3A_72, %dma_wait3A_87] : memref<10240x128xf32, #tpu.memory_space<vmem_shared>> -> memref<128x128xf32, #tpu.memory_space<vmem_shared>>
        tpu.wait_dma2 semaphore(%run_scoped3A : memref<!tpu.dma_semaphore, #tpu.memory_space<semaphore_mem>>) src(%arg9 : memref<128x128xf32, #tpu.memory_space<vmem>>) dst(%dma_wait3A_88 : memref<128x128xf32, #tpu.memory_space<vmem_shared>>)
        tpu.yield
      }) : () -> ()
      %add3A_73 = arith.constant 128 : i32
      %add3A_74 = arith.addi %mul3A_2, %add3A_73 : i32
      "tpu.region"() ({
        %run_scoped3A = tpu.sem_alloc : memref<!tpu.dma_semaphore, #tpu.memory_space<semaphore_mem>>
        %dma_start3A_81 = arith.constant 0 : i32
        %dma_start3A_82 = tpu.memref_slice %arg6[%add3A_74, %dma_start3A_81] : memref<10240x128xf32, #tpu.memory_space<vmem_shared>> -> memref<128x128xf32, #tpu.memory_space<vmem_shared>>
        %dma_start3A_83 = arith.constant 0 : i32
        %dma_start3A_84 = tpu.memref_slice %arg6[%add3A_74, %dma_start3A_83] : memref<10240x128xf32, #tpu.memory_space<vmem_shared>> -> memref<128x128xf32, #tpu.memory_space<vmem_shared>>
        tpu.enqueue_dma source(%arg9 : memref<128x128xf32, #tpu.memory_space<vmem>>) target(%dma_start3A_84 : memref<128x128xf32, #tpu.memory_space<vmem_shared>>) target_semaphore(%run_scoped3A : memref<!tpu.dma_semaphore, #tpu.memory_space<semaphore_mem>>)
        %dma_wait3A_85 = arith.constant 0 : i32
        %dma_wait3A_86 = tpu.memref_slice %arg6[%add3A_74, %dma_wait3A_85] : memref<10240x128xf32, #tpu.memory_space<vmem_shared>> -> memref<128x128xf32, #tpu.memory_space<vmem_shared>>
        %dma_wait3A_87 = arith.constant 0 : i32
        %dma_wait3A_88 = tpu.memref_slice %arg6[%add3A_74, %dma_wait3A_87] : memref<10240x128xf32, #tpu.memory_space<vmem_shared>> -> memref<128x128xf32, #tpu.memory_space<vmem_shared>>
        tpu.wait_dma2 semaphore(%run_scoped3A : memref<!tpu.dma_semaphore, #tpu.memory_space<semaphore_mem>>) src(%arg9 : memref<128x128xf32, #tpu.memory_space<vmem>>) dst(%dma_wait3A_88 : memref<128x128xf32, #tpu.memory_space<vmem_shared>>)
        tpu.yield
      }) : () -> ()
      %add3A_75 = arith.constant 256 : i32
      %add3A_76 = arith.addi %mul3A_2, %add3A_75 : i32
      "tpu.region"() ({
        %run_scoped3A = tpu.sem_alloc : memref<!tpu.dma_semaphore, #tpu.memory_space<semaphore_mem>>
        %dma_start3A_81 = arith.constant 0 : i32
        %dma_start3A_82 = tpu.memref_slice %arg6[%add3A_76, %dma_start3A_81] : memref<10240x128xf32, #tpu.memory_space<vmem_shared>> -> memref<128x128xf32, #tpu.memory_space<vmem_shared>>
        %dma_start3A_83 = arith.constant 0 : i32
        %dma_start3A_84 = tpu.memref_slice %arg6[%add3A_76, %dma_start3A_83] : memref<10240x128xf32, #tpu.memory_space<vmem_shared>> -> memref<128x128xf32, #tpu.memory_space<vmem_shared>>
        tpu.enqueue_dma source(%arg9 : memref<128x128xf32, #tpu.memory_space<vmem>>) target(%dma_start3A_84 : memref<128x128xf32, #tpu.memory_space<vmem_shared>>) target_semaphore(%run_scoped3A : memref<!tpu.dma_semaphore, #tpu.memory_space<semaphore_mem>>)
        %dma_wait3A_85 = arith.constant 0 : i32
        %dma_wait3A_86 = tpu.memref_slice %arg6[%add3A_76, %dma_wait3A_85] : memref<10240x128xf32, #tpu.memory_space<vmem_shared>> -> memref<128x128xf32, #tpu.memory_space<vmem_shared>>
        %dma_wait3A_87 = arith.constant 0 : i32
        %dma_wait3A_88 = tpu.memref_slice %arg6[%add3A_76, %dma_wait3A_87] : memref<10240x128xf32, #tpu.memory_space<vmem_shared>> -> memref<128x128xf32, #tpu.memory_space<vmem_shared>>
        tpu.wait_dma2 semaphore(%run_scoped3A : memref<!tpu.dma_semaphore, #tpu.memory_space<semaphore_mem>>) src(%arg9 : memref<128x128xf32, #tpu.memory_space<vmem>>) dst(%dma_wait3A_88 : memref<128x128xf32, #tpu.memory_space<vmem_shared>>)
        tpu.yield
      }) : () -> ()
      %add3A_77 = arith.constant 384 : i32
      %add3A_78 = arith.addi %mul3A_2, %add3A_77 : i32
      "tpu.region"() ({
        %run_scoped3A = tpu.sem_alloc : memref<!tpu.dma_semaphore, #tpu.memory_space<semaphore_mem>>
        %dma_start3A_81 = arith.constant 0 : i32
        %dma_start3A_82 = tpu.memref_slice %arg6[%add3A_78, %dma_start3A_81] : memref<10240x128xf32, #tpu.memory_space<vmem_shared>> -> memref<128x128xf32, #tpu.memory_space<vmem_shared>>
        %dma_start3A_83 = arith.constant 0 : i32
        %dma_start3A_84 = tpu.memref_slice %arg6[%add3A_78, %dma_start3A_83] : memref<10240x128xf32, #tpu.memory_space<vmem_shared>> -> memref<128x128xf32, #tpu.memory_space<vmem_shared>>
        tpu.enqueue_dma source(%arg9 : memref<128x128xf32, #tpu.memory_space<vmem>>) target(%dma_start3A_84 : memref<128x128xf32, #tpu.memory_space<vmem_shared>>) target_semaphore(%run_scoped3A : memref<!tpu.dma_semaphore, #tpu.memory_space<semaphore_mem>>)
        %dma_wait3A_85 = arith.constant 0 : i32
        %dma_wait3A_86 = tpu.memref_slice %arg6[%add3A_78, %dma_wait3A_85] : memref<10240x128xf32, #tpu.memory_space<vmem_shared>> -> memref<128x128xf32, #tpu.memory_space<vmem_shared>>
        %dma_wait3A_87 = arith.constant 0 : i32
        %dma_wait3A_88 = tpu.memref_slice %arg6[%add3A_78, %dma_wait3A_87] : memref<10240x128xf32, #tpu.memory_space<vmem_shared>> -> memref<128x128xf32, #tpu.memory_space<vmem_shared>>
        tpu.wait_dma2 semaphore(%run_scoped3A : memref<!tpu.dma_semaphore, #tpu.memory_space<semaphore_mem>>) src(%arg9 : memref<128x128xf32, #tpu.memory_space<vmem>>) dst(%dma_wait3A_88 : memref<128x128xf32, #tpu.memory_space<vmem_shared>>)
        tpu.yield
      }) : () -> ()
      %add3A_79 = arith.constant 512 : i32
      %add3A_80 = arith.addi %mul3A_2, %add3A_79 : i32
      "tpu.region"() ({
        %run_scoped3A = tpu.sem_alloc : memref<!tpu.dma_semaphore, #tpu.memory_space<semaphore_mem>>
        %dma_start3A_81 = arith.constant 0 : i32
        %dma_start3A_82 = tpu.memref_slice %arg6[%add3A_80, %dma_start3A_81] : memref<10240x128xf32, #tpu.memory_space<vmem_shared>> -> memref<128x128xf32, #tpu.memory_space<vmem_shared>>
        %dma_start3A_83 = arith.constant 0 : i32
        %dma_start3A_84 = tpu.memref_slice %arg6[%add3A_80, %dma_start3A_83] : memref<10240x128xf32, #tpu.memory_space<vmem_shared>> -> memref<128x128xf32, #tpu.memory_space<vmem_shared>>
        tpu.enqueue_dma source(%arg9 : memref<128x128xf32, #tpu.memory_space<vmem>>) target(%dma_start3A_84 : memref<128x128xf32, #tpu.memory_space<vmem_shared>>) target_semaphore(%run_scoped3A : memref<!tpu.dma_semaphore, #tpu.memory_space<semaphore_mem>>)
        %dma_wait3A_85 = arith.constant 0 : i32
        %dma_wait3A_86 = tpu.memref_slice %arg6[%add3A_80, %dma_wait3A_85] : memref<10240x128xf32, #tpu.memory_space<vmem_shared>> -> memref<128x128xf32, #tpu.memory_space<vmem_shared>>
        %dma_wait3A_87 = arith.constant 0 : i32
        %dma_wait3A_88 = tpu.memref_slice %arg6[%add3A_80, %dma_wait3A_87] : memref<10240x128xf32, #tpu.memory_space<vmem_shared>> -> memref<128x128xf32, #tpu.memory_space<vmem_shared>>
        tpu.wait_dma2 semaphore(%run_scoped3A : memref<!tpu.dma_semaphore, #tpu.memory_space<semaphore_mem>>) src(%arg9 : memref<128x128xf32, #tpu.memory_space<vmem>>) dst(%dma_wait3A_88 : memref<128x128xf32, #tpu.memory_space<vmem_shared>>)
        tpu.yield
      }) : () -> ()
    } else {
    }
    %dma_wait3A = arith.constant 0 : i32
    %dma_wait3A_24 = arith.constant 0 : i32
    %dma_wait3A_25 = tpu.memref_slice %arg3[%add3A, %dma_wait3A, %dma_wait3A_24] : memref<32x80x128xi32, #tpu.memory_space<hbm>> -> memref<1x40x128xi32, #tpu.memory_space<hbm>>
    %dma_wait3A_26 = tpu.memref_squeeze %dma_wait3A_25 : memref<1x40x128xi32, #tpu.memory_space<hbm>> -> memref<40x128xi32, #tpu.memory_space<hbm>>
    %dma_wait3A_27 = arith.constant 0 : i32
    %dma_wait3A_28 = arith.constant 0 : i32
    %dma_wait3A_29 = tpu.memref_slice %arg3[%add3A, %dma_wait3A_27, %dma_wait3A_28] : memref<32x80x128xi32, #tpu.memory_space<hbm>> -> memref<1x40x128xi32, #tpu.memory_space<hbm>>
    %dma_wait3A_30 = tpu.memref_squeeze %dma_wait3A_29 : memref<1x40x128xi32, #tpu.memory_space<hbm>> -> memref<40x128xi32, #tpu.memory_space<hbm>>
    tpu.wait_dma2 semaphore(%arg11 : memref<!tpu.dma_semaphore, #tpu.memory_space<semaphore_mem>>) src(%dma_wait3A_30 : memref<40x128xi32, #tpu.memory_space<hbm>>) dst(%arg7 : memref<40x128xi32, #tpu.memory_space<vmem>>)
    %dma_wait3A_31 = arith.constant 0 : i32
    %dma_wait3A_32 = arith.constant 0 : i32
    %dma_wait3A_33 = tpu.memref_slice %arg4[%add3A, %dma_wait3A_31, %dma_wait3A_32] : memref<32x80x128xi32, #tpu.memory_space<hbm>> -> memref<1x40x128xi32, #tpu.memory_space<hbm>>
    %dma_wait3A_34 = tpu.memref_squeeze %dma_wait3A_33 : memref<1x40x128xi32, #tpu.memory_space<hbm>> -> memref<40x128xi32, #tpu.memory_space<hbm>>
    %dma_wait3A_35 = arith.constant 0 : i32
    %dma_wait3A_36 = arith.constant 0 : i32
    %dma_wait3A_37 = tpu.memref_slice %arg4[%add3A, %dma_wait3A_35, %dma_wait3A_36] : memref<32x80x128xi32, #tpu.memory_space<hbm>> -> memref<1x40x128xi32, #tpu.memory_space<hbm>>
    %dma_wait3A_38 = tpu.memref_squeeze %dma_wait3A_37 : memref<1x40x128xi32, #tpu.memory_space<hbm>> -> memref<40x128xi32, #tpu.memory_space<hbm>>
    tpu.wait_dma2 semaphore(%arg12 : memref<!tpu.dma_semaphore, #tpu.memory_space<semaphore_mem>>) src(%dma_wait3A_38 : memref<40x128xi32, #tpu.memory_space<hbm>>) dst(%arg8 : memref<40x128xi32, #tpu.memory_space<vmem>>)
    %barrier3A = arith.constant 0 : index
    tpu.barrier barrier_id(%barrier3A)
    %dma_start3A_39 = arith.constant 0 : i32
    %dma_start3A_40 = arith.constant 0 : i32
    %dma_start3A_41 = tpu.memref_slice %arg7[%dma_start3A_39, %dma_start3A_40] : memref<40x128xi32, #tpu.memory_space<vmem>> -> memref<1x128xi32, #tpu.memory_space<vmem>>
    %dma_start3A_42 = tpu.memref_squeeze %dma_start3A_41 : memref<1x128xi32, #tpu.memory_space<vmem>> -> memref<128xi32, #tpu.memory_space<vmem>>
    %dma_start3A_43 = arith.constant 0 : i32
    %dma_start3A_44 = arith.constant 0 : i32
    %dma_start3A_45 = tpu.memref_slice %arg2[%dma_start3A_43, %dma_start3A_44] : memref<10240x128xf32, #tpu.memory_space<hbm>> -> memref<10240x128xf32, #tpu.memory_space<hbm>>
    tpu.enqueue_indirect_dma source(%dma_start3A_45 : memref<10240x128xf32, #tpu.memory_space<hbm>>) target(%arg9 : memref<128x128xf32, #tpu.memory_space<vmem>>) offsets(%dma_start3A_42 : memref<128xi32, #tpu.memory_space<vmem>>) semaphore(%arg11 : memref<!tpu.dma_semaphore, #tpu.memory_space<semaphore_mem>>)
    %scan3A = arith.constant 0 : i32
    %scan3A_46 = arith.constant 0 : i32
    %scan3A_47 = arith.constant 20 : i32
    %scan3A_48 = arith.addi %scan3A_46, %scan3A_47 : i32
    %scan3A_49 = arith.constant 1 : i32
    scf.for %scan3A_65 = %scan3A_46 to %scan3A_48 step %scan3A_49  : i32 {
      %mul3A_66 = arith.constant 2 : i32
      %mul3A_67 = arith.muli %mul3A_66, %scan3A_65 : i32
      %add3A_68 = arith.constant 1 : i32
      %add3A_69 = arith.addi %mul3A_67, %add3A_68 : i32
      %dma_start3A_70 = arith.constant 0 : i32
      %dma_start3A_71 = tpu.memref_slice %arg7[%add3A_69, %dma_start3A_70] : memref<40x128xi32, #tpu.memory_space<vmem>> -> memref<1x128xi32, #tpu.memory_space<vmem>>
      %dma_start3A_72 = tpu.memref_squeeze %dma_start3A_71 : memref<1x128xi32, #tpu.memory_space<vmem>> -> memref<128xi32, #tpu.memory_space<vmem>>
      %dma_start3A_73 = arith.constant 0 : i32
      %dma_start3A_74 = arith.constant 0 : i32
      %dma_start3A_75 = tpu.memref_slice %arg2[%dma_start3A_73, %dma_start3A_74] : memref<10240x128xf32, #tpu.memory_space<hbm>> -> memref<10240x128xf32, #tpu.memory_space<hbm>>
      tpu.enqueue_indirect_dma source(%dma_start3A_75 : memref<10240x128xf32, #tpu.memory_space<hbm>>) target(%arg10 : memref<128x128xf32, #tpu.memory_space<vmem>>) offsets(%dma_start3A_72 : memref<128xi32, #tpu.memory_space<vmem>>) semaphore(%arg12 : memref<!tpu.dma_semaphore, #tpu.memory_space<semaphore_mem>>)
      %dma_wait3A_76 = arith.constant 0 : i32
      %dma_wait3A_77 = tpu.memref_slice %arg7[%mul3A_67, %dma_wait3A_76] : memref<40x128xi32, #tpu.memory_space<vmem>> -> memref<1x128xi32, #tpu.memory_space<vmem>>
      %dma_wait3A_78 = tpu.memref_squeeze %dma_wait3A_77 : memref<1x128xi32, #tpu.memory_space<vmem>> -> memref<128xi32, #tpu.memory_space<vmem>>
      %dma_wait3A_79 = arith.constant 0 : i32
      %dma_wait3A_80 = arith.constant 0 : i32
      %dma_wait3A_81 = tpu.memref_slice %arg2[%dma_wait3A_79, %dma_wait3A_80] : memref<10240x128xf32, #tpu.memory_space<hbm>> -> memref<10240x128xf32, #tpu.memory_space<hbm>>
      tpu.wait_indirect_dma semaphore(%arg11 : memref<!tpu.dma_semaphore, #tpu.memory_space<semaphore_mem>>) src(%dma_wait3A_81 : memref<10240x128xf32, #tpu.memory_space<hbm>>) dst(%arg9 : memref<128x128xf32, #tpu.memory_space<vmem>>)
      "tpu.region"() ({
        %run_scoped3A = tpu.sem_alloc : memref<!tpu.dma_semaphore, #tpu.memory_space<semaphore_mem>>
        %dma_start3A_92 = arith.constant 0 : i32
        %dma_start3A_93 = tpu.memref_slice %arg8[%mul3A_67, %dma_start3A_92] : memref<40x128xi32, #tpu.memory_space<vmem>> -> memref<1x128xi32, #tpu.memory_space<vmem>>
        %dma_start3A_94 = tpu.memref_squeeze %dma_start3A_93 : memref<1x128xi32, #tpu.memory_space<vmem>> -> memref<128xi32, #tpu.memory_space<vmem>>
        %dma_start3A_95 = arith.constant 0 : i32
        %dma_start3A_96 = arith.constant 0 : i32
        %dma_start3A_97 = tpu.memref_slice %arg6[%dma_start3A_95, %dma_start3A_96] : memref<10240x128xf32, #tpu.memory_space<vmem_shared>> -> memref<10240x128xf32, #tpu.memory_space<vmem_shared>>
        tpu.enqueue_indirect_dma source(%arg9 : memref<128x128xf32, #tpu.memory_space<vmem>>) target(%dma_start3A_97 : memref<10240x128xf32, #tpu.memory_space<vmem_shared>>) offsets(%dma_start3A_94 : memref<128xi32, #tpu.memory_space<vmem>>) semaphore(%run_scoped3A : memref<!tpu.dma_semaphore, #tpu.memory_space<semaphore_mem>>) {add = true}
        %dma_wait3A_98 = arith.constant 0 : i32
        %dma_wait3A_99 = tpu.memref_slice %arg8[%mul3A_67, %dma_wait3A_98] : memref<40x128xi32, #tpu.memory_space<vmem>> -> memref<1x128xi32, #tpu.memory_space<vmem>>
        %dma_wait3A_100 = tpu.memref_squeeze %dma_wait3A_99 : memref<1x128xi32, #tpu.memory_space<vmem>> -> memref<128xi32, #tpu.memory_space<vmem>>
        %dma_wait3A_101 = arith.constant 0 : i32
        %dma_wait3A_102 = arith.constant 0 : i32
        %dma_wait3A_103 = tpu.memref_slice %arg6[%dma_wait3A_101, %dma_wait3A_102] : memref<10240x128xf32, #tpu.memory_space<vmem_shared>> -> memref<10240x128xf32, #tpu.memory_space<vmem_shared>>
        tpu.wait_indirect_dma semaphore(%run_scoped3A : memref<!tpu.dma_semaphore, #tpu.memory_space<semaphore_mem>>) src(%arg9 : memref<128x128xf32, #tpu.memory_space<vmem>>) dst(%dma_wait3A_103 : memref<10240x128xf32, #tpu.memory_space<vmem_shared>>)
        tpu.yield
      }) : () -> ()
      %lt3A = arith.constant 19 : i32
      %lt3A_82 = arith.cmpi slt, %scan3A_65, %lt3A : i32
      %convert_element_type3A_83 = arith.extui %lt3A_82 : i1 to i32
      %cond3A_84 = arith.constant 0 : i32
      %cond3A_85 = arith.cmpi ne, %convert_element_type3A_83, %cond3A_84 : i32
      scf.if %cond3A_85 {
        %add3A_92 = arith.constant 2 : i32
        %add3A_93 = arith.addi %mul3A_67, %add3A_92 : i32
        %dma_start3A_94 = arith.constant 0 : i32
        %dma_start3A_95 = tpu.memref_slice %arg7[%add3A_93, %dma_start3A_94] : memref<40x128xi32, #tpu.memory_space<vmem>> -> memref<1x128xi32, #tpu.memory_space<vmem>>
        %dma_start3A_96 = tpu.memref_squeeze %dma_start3A_95 : memref<1x128xi32, #tpu.memory_space<vmem>> -> memref<128xi32, #tpu.memory_space<vmem>>
        %dma_start3A_97 = arith.constant 0 : i32
        %dma_start3A_98 = arith.constant 0 : i32
        %dma_start3A_99 = tpu.memref_slice %arg2[%dma_start3A_97, %dma_start3A_98] : memref<10240x128xf32, #tpu.memory_space<hbm>> -> memref<10240x128xf32, #tpu.memory_space<hbm>>
        tpu.enqueue_indirect_dma source(%dma_start3A_99 : memref<10240x128xf32, #tpu.memory_space<hbm>>) target(%arg9 : memref<128x128xf32, #tpu.memory_space<vmem>>) offsets(%dma_start3A_96 : memref<128xi32, #tpu.memory_space<vmem>>) semaphore(%arg11 : memref<!tpu.dma_semaphore, #tpu.memory_space<semaphore_mem>>)
      } else {
      }
      %dma_wait3A_86 = arith.constant 0 : i32
      %dma_wait3A_87 = tpu.memref_slice %arg7[%add3A_69, %dma_wait3A_86] : memref<40x128xi32, #tpu.memory_space<vmem>> -> memref<1x128xi32, #tpu.memory_space<vmem>>
      %dma_wait3A_88 = tpu.memref_squeeze %dma_wait3A_87 : memref<1x128xi32, #tpu.memory_space<vmem>> -> memref<128xi32, #tpu.memory_space<vmem>>
      %dma_wait3A_89 = arith.constant 0 : i32
      %dma_wait3A_90 = arith.constant 0 : i32
      %dma_wait3A_91 = tpu.memref_slice %arg2[%dma_wait3A_89, %dma_wait3A_90] : memref<10240x128xf32, #tpu.memory_space<hbm>> -> memref<10240x128xf32, #tpu.memory_space<hbm>>
      tpu.wait_indirect_dma semaphore(%arg12 : memref<!tpu.dma_semaphore, #tpu.memory_space<semaphore_mem>>) src(%dma_wait3A_91 : memref<10240x128xf32, #tpu.memory_space<hbm>>) dst(%arg10 : memref<128x128xf32, #tpu.memory_space<vmem>>)
      "tpu.region"() ({
        %run_scoped3A = tpu.sem_alloc : memref<!tpu.dma_semaphore, #tpu.memory_space<semaphore_mem>>
        %dma_start3A_92 = arith.constant 0 : i32
        %dma_start3A_93 = tpu.memref_slice %arg8[%add3A_69, %dma_start3A_92] : memref<40x128xi32, #tpu.memory_space<vmem>> -> memref<1x128xi32, #tpu.memory_space<vmem>>
        %dma_start3A_94 = tpu.memref_squeeze %dma_start3A_93 : memref<1x128xi32, #tpu.memory_space<vmem>> -> memref<128xi32, #tpu.memory_space<vmem>>
        %dma_start3A_95 = arith.constant 0 : i32
        %dma_start3A_96 = arith.constant 0 : i32
        %dma_start3A_97 = tpu.memref_slice %arg6[%dma_start3A_95, %dma_start3A_96] : memref<10240x128xf32, #tpu.memory_space<vmem_shared>> -> memref<10240x128xf32, #tpu.memory_space<vmem_shared>>
        tpu.enqueue_indirect_dma source(%arg10 : memref<128x128xf32, #tpu.memory_space<vmem>>) target(%dma_start3A_97 : memref<10240x128xf32, #tpu.memory_space<vmem_shared>>) offsets(%dma_start3A_94 : memref<128xi32, #tpu.memory_space<vmem>>) semaphore(%run_scoped3A : memref<!tpu.dma_semaphore, #tpu.memory_space<semaphore_mem>>) {add = true}
        %dma_wait3A_98 = arith.constant 0 : i32
        %dma_wait3A_99 = tpu.memref_slice %arg8[%add3A_69, %dma_wait3A_98] : memref<40x128xi32, #tpu.memory_space<vmem>> -> memref<1x128xi32, #tpu.memory_space<vmem>>
        %dma_wait3A_100 = tpu.memref_squeeze %dma_wait3A_99 : memref<1x128xi32, #tpu.memory_space<vmem>> -> memref<128xi32, #tpu.memory_space<vmem>>
        %dma_wait3A_101 = arith.constant 0 : i32
        %dma_wait3A_102 = arith.constant 0 : i32
        %dma_wait3A_103 = tpu.memref_slice %arg6[%dma_wait3A_101, %dma_wait3A_102] : memref<10240x128xf32, #tpu.memory_space<vmem_shared>> -> memref<10240x128xf32, #tpu.memory_space<vmem_shared>>
        tpu.wait_indirect_dma semaphore(%run_scoped3A : memref<!tpu.dma_semaphore, #tpu.memory_space<semaphore_mem>>) src(%arg10 : memref<128x128xf32, #tpu.memory_space<vmem>>) dst(%dma_wait3A_103 : memref<10240x128xf32, #tpu.memory_space<vmem_shared>>)
        tpu.yield
      }) : () -> ()
    }
    %scan3A_50 = arith.constant 20 : i32
    "tpu.region"() ({
      %run_scoped3A = tpu.sem_alloc : memref<!tpu.dma_semaphore, #tpu.memory_space<semaphore_mem>>
      %dma_start3A_65 = arith.constant 40 : i32
      %dma_start3A_66 = arith.constant 0 : i32
      %dma_start3A_67 = tpu.memref_slice %arg3[%add3A, %dma_start3A_65, %dma_start3A_66] : memref<32x80x128xi32, #tpu.memory_space<hbm>> -> memref<1x40x128xi32, #tpu.memory_space<hbm>>
      %dma_start3A_68 = tpu.memref_squeeze %dma_start3A_67 : memref<1x40x128xi32, #tpu.memory_space<hbm>> -> memref<40x128xi32, #tpu.memory_space<hbm>>
      %dma_start3A_69 = arith.constant 40 : i32
      %dma_start3A_70 = arith.constant 0 : i32
      %dma_start3A_71 = tpu.memref_slice %arg3[%add3A, %dma_start3A_69, %dma_start3A_70] : memref<32x80x128xi32, #tpu.memory_space<hbm>> -> memref<1x40x128xi32, #tpu.memory_space<hbm>>
      %dma_start3A_72 = tpu.memref_squeeze %dma_start3A_71 : memref<1x40x128xi32, #tpu.memory_space<hbm>> -> memref<40x128xi32, #tpu.memory_space<hbm>>
      tpu.enqueue_dma source(%dma_start3A_72 : memref<40x128xi32, #tpu.memory_space<hbm>>) target(%arg7 : memref<40x128xi32, #tpu.memory_space<vmem>>) target_semaphore(%run_scoped3A : memref<!tpu.dma_semaphore, #tpu.memory_space<semaphore_mem>>)
      %dma_wait3A_73 = arith.constant 40 : i32
      %dma_wait3A_74 = arith.constant 0 : i32
      %dma_wait3A_75 = tpu.memref_slice %arg3[%add3A, %dma_wait3A_73, %dma_wait3A_74] : memref<32x80x128xi32, #tpu.memory_space<hbm>> -> memref<1x40x128xi32, #tpu.memory_space<hbm>>
      %dma_wait3A_76 = tpu.memref_squeeze %dma_wait3A_75 : memref<1x40x128xi32, #tpu.memory_space<hbm>> -> memref<40x128xi32, #tpu.memory_space<hbm>>
      %dma_wait3A_77 = arith.constant 40 : i32
      %dma_wait3A_78 = arith.constant 0 : i32
      %dma_wait3A_79 = tpu.memref_slice %arg3[%add3A, %dma_wait3A_77, %dma_wait3A_78] : memref<32x80x128xi32, #tpu.memory_space<hbm>> -> memref<1x40x128xi32, #tpu.memory_space<hbm>>
      %dma_wait3A_80 = tpu.memref_squeeze %dma_wait3A_79 : memref<1x40x128xi32, #tpu.memory_space<hbm>> -> memref<40x128xi32, #tpu.memory_space<hbm>>
      tpu.wait_dma2 semaphore(%run_scoped3A : memref<!tpu.dma_semaphore, #tpu.memory_space<semaphore_mem>>) src(%dma_wait3A_80 : memref<40x128xi32, #tpu.memory_space<hbm>>) dst(%arg7 : memref<40x128xi32, #tpu.memory_space<vmem>>)
      tpu.yield
    }) : () -> ()
    "tpu.region"() ({
      %run_scoped3A = tpu.sem_alloc : memref<!tpu.dma_semaphore, #tpu.memory_space<semaphore_mem>>
      %dma_start3A_65 = arith.constant 40 : i32
      %dma_start3A_66 = arith.constant 0 : i32
      %dma_start3A_67 = tpu.memref_slice %arg4[%add3A, %dma_start3A_65, %dma_start3A_66] : memref<32x80x128xi32, #tpu.memory_space<hbm>> -> memref<1x40x128xi32, #tpu.memory_space<hbm>>
      %dma_start3A_68 = tpu.memref_squeeze %dma_start3A_67 : memref<1x40x128xi32, #tpu.memory_space<hbm>> -> memref<40x128xi32, #tpu.memory_space<hbm>>
      %dma_start3A_69 = arith.constant 40 : i32
      %dma_start3A_70 = arith.constant 0 : i32
      %dma_start3A_71 = tpu.memref_slice %arg4[%add3A, %dma_start3A_69, %dma_start3A_70] : memref<32x80x128xi32, #tpu.memory_space<hbm>> -> memref<1x40x128xi32, #tpu.memory_space<hbm>>
      %dma_start3A_72 = tpu.memref_squeeze %dma_start3A_71 : memref<1x40x128xi32, #tpu.memory_space<hbm>> -> memref<40x128xi32, #tpu.memory_space<hbm>>
      tpu.enqueue_dma source(%dma_start3A_72 : memref<40x128xi32, #tpu.memory_space<hbm>>) target(%arg8 : memref<40x128xi32, #tpu.memory_space<vmem>>) target_semaphore(%run_scoped3A : memref<!tpu.dma_semaphore, #tpu.memory_space<semaphore_mem>>)
      %dma_wait3A_73 = arith.constant 40 : i32
      %dma_wait3A_74 = arith.constant 0 : i32
      %dma_wait3A_75 = tpu.memref_slice %arg4[%add3A, %dma_wait3A_73, %dma_wait3A_74] : memref<32x80x128xi32, #tpu.memory_space<hbm>> -> memref<1x40x128xi32, #tpu.memory_space<hbm>>
      %dma_wait3A_76 = tpu.memref_squeeze %dma_wait3A_75 : memref<1x40x128xi32, #tpu.memory_space<hbm>> -> memref<40x128xi32, #tpu.memory_space<hbm>>
      %dma_wait3A_77 = arith.constant 40 : i32
      %dma_wait3A_78 = arith.constant 0 : i32
      %dma_wait3A_79 = tpu.memref_slice %arg4[%add3A, %dma_wait3A_77, %dma_wait3A_78] : memref<32x80x128xi32, #tpu.memory_space<hbm>> -> memref<1x40x128xi32, #tpu.memory_space<hbm>>
      %dma_wait3A_80 = tpu.memref_squeeze %dma_wait3A_79 : memref<1x40x128xi32, #tpu.memory_space<hbm>> -> memref<40x128xi32, #tpu.memory_space<hbm>>
      tpu.wait_dma2 semaphore(%run_scoped3A : memref<!tpu.dma_semaphore, #tpu.memory_space<semaphore_mem>>) src(%dma_wait3A_80 : memref<40x128xi32, #tpu.memory_space<hbm>>) dst(%arg8 : memref<40x128xi32, #tpu.memory_space<vmem>>)
      tpu.yield
    }) : () -> ()
    %dma_start3A_51 = arith.constant 0 : i32
    %dma_start3A_52 = arith.constant 0 : i32
    %dma_start3A_53 = tpu.memref_slice %arg7[%dma_start3A_51, %dma_start3A_52] : memref<40x128xi32, #tpu.memory_space<vmem>> -> memref<1x128xi32, #tpu.memory_space<vmem>>
    %dma_start3A_54 = tpu.memref_squeeze %dma_start3A_53 : memref<1x128xi32, #tpu.memory_space<vmem>> -> memref<128xi32, #tpu.memory_space<vmem>>
    %dma_start3A_55 = arith.constant 0 : i32
    %dma_start3A_56 = arith.constant 0 : i32
    %dma_start3A_57 = tpu.memref_slice %arg2[%dma_start3A_55, %dma_start3A_56] : memref<10240x128xf32, #tpu.memory_space<hbm>> -> memref<10240x128xf32, #tpu.memory_space<hbm>>
    tpu.enqueue_indirect_dma source(%dma_start3A_57 : memref<10240x128xf32, #tpu.memory_space<hbm>>) target(%arg9 : memref<128x128xf32, #tpu.memory_space<vmem>>) offsets(%dma_start3A_54 : memref<128xi32, #tpu.memory_space<vmem>>) semaphore(%arg11 : memref<!tpu.dma_semaphore, #tpu.memory_space<semaphore_mem>>)
    %scan3A_58 = arith.constant 0 : i32
    %scan3A_59 = arith.constant 0 : i32
    %scan3A_60 = arith.constant 20 : i32
    %scan3A_61 = arith.addi %scan3A_59, %scan3A_60 : i32
    %scan3A_62 = arith.constant 1 : i32
    scf.for %scan3A_65 = %scan3A_59 to %scan3A_61 step %scan3A_62  : i32 {
      %mul3A_66 = arith.constant 2 : i32
      %mul3A_67 = arith.muli %mul3A_66, %scan3A_65 : i32
      %add3A_68 = arith.constant 1 : i32
      %add3A_69 = arith.addi %mul3A_67, %add3A_68 : i32
      %dma_start3A_70 = arith.constant 0 : i32
      %dma_start3A_71 = tpu.memref_slice %arg7[%add3A_69, %dma_start3A_70] : memref<40x128xi32, #tpu.memory_space<vmem>> -> memref<1x128xi32, #tpu.memory_space<vmem>>
      %dma_start3A_72 = tpu.memref_squeeze %dma_start3A_71 : memref<1x128xi32, #tpu.memory_space<vmem>> -> memref<128xi32, #tpu.memory_space<vmem>>
      %dma_start3A_73 = arith.constant 0 : i32
      %dma_start3A_74 = arith.constant 0 : i32
      %dma_start3A_75 = tpu.memref_slice %arg2[%dma_start3A_73, %dma_start3A_74] : memref<10240x128xf32, #tpu.memory_space<hbm>> -> memref<10240x128xf32, #tpu.memory_space<hbm>>
      tpu.enqueue_indirect_dma source(%dma_start3A_75 : memref<10240x128xf32, #tpu.memory_space<hbm>>) target(%arg10 : memref<128x128xf32, #tpu.memory_space<vmem>>) offsets(%dma_start3A_72 : memref<128xi32, #tpu.memory_space<vmem>>) semaphore(%arg12 : memref<!tpu.dma_semaphore, #tpu.memory_space<semaphore_mem>>)
      %dma_wait3A_76 = arith.constant 0 : i32
      %dma_wait3A_77 = tpu.memref_slice %arg7[%mul3A_67, %dma_wait3A_76] : memref<40x128xi32, #tpu.memory_space<vmem>> -> memref<1x128xi32, #tpu.memory_space<vmem>>
      %dma_wait3A_78 = tpu.memref_squeeze %dma_wait3A_77 : memref<1x128xi32, #tpu.memory_space<vmem>> -> memref<128xi32, #tpu.memory_space<vmem>>
      %dma_wait3A_79 = arith.constant 0 : i32
      %dma_wait3A_80 = arith.constant 0 : i32
      %dma_wait3A_81 = tpu.memref_slice %arg2[%dma_wait3A_79, %dma_wait3A_80] : memref<10240x128xf32, #tpu.memory_space<hbm>> -> memref<10240x128xf32, #tpu.memory_space<hbm>>
      tpu.wait_indirect_dma semaphore(%arg11 : memref<!tpu.dma_semaphore, #tpu.memory_space<semaphore_mem>>) src(%dma_wait3A_81 : memref<10240x128xf32, #tpu.memory_space<hbm>>) dst(%arg9 : memref<128x128xf32, #tpu.memory_space<vmem>>)
      "tpu.region"() ({
        %run_scoped3A = tpu.sem_alloc : memref<!tpu.dma_semaphore, #tpu.memory_space<semaphore_mem>>
        %dma_start3A_92 = arith.constant 0 : i32
        %dma_start3A_93 = tpu.memref_slice %arg8[%mul3A_67, %dma_start3A_92] : memref<40x128xi32, #tpu.memory_space<vmem>> -> memref<1x128xi32, #tpu.memory_space<vmem>>
        %dma_start3A_94 = tpu.memref_squeeze %dma_start3A_93 : memref<1x128xi32, #tpu.memory_space<vmem>> -> memref<128xi32, #tpu.memory_space<vmem>>
        %dma_start3A_95 = arith.constant 0 : i32
        %dma_start3A_96 = arith.constant 0 : i32
        %dma_start3A_97 = tpu.memref_slice %arg6[%dma_start3A_95, %dma_start3A_96] : memref<10240x128xf32, #tpu.memory_space<vmem_shared>> -> memref<10240x128xf32, #tpu.memory_space<vmem_shared>>
        tpu.enqueue_indirect_dma source(%arg9 : memref<128x128xf32, #tpu.memory_space<vmem>>) target(%dma_start3A_97 : memref<10240x128xf32, #tpu.memory_space<vmem_shared>>) offsets(%dma_start3A_94 : memref<128xi32, #tpu.memory_space<vmem>>) semaphore(%run_scoped3A : memref<!tpu.dma_semaphore, #tpu.memory_space<semaphore_mem>>) {add = true}
        %dma_wait3A_98 = arith.constant 0 : i32
        %dma_wait3A_99 = tpu.memref_slice %arg8[%mul3A_67, %dma_wait3A_98] : memref<40x128xi32, #tpu.memory_space<vmem>> -> memref<1x128xi32, #tpu.memory_space<vmem>>
        %dma_wait3A_100 = tpu.memref_squeeze %dma_wait3A_99 : memref<1x128xi32, #tpu.memory_space<vmem>> -> memref<128xi32, #tpu.memory_space<vmem>>
        %dma_wait3A_101 = arith.constant 0 : i32
        %dma_wait3A_102 = arith.constant 0 : i32
        %dma_wait3A_103 = tpu.memref_slice %arg6[%dma_wait3A_101, %dma_wait3A_102] : memref<10240x128xf32, #tpu.memory_space<vmem_shared>> -> memref<10240x128xf32, #tpu.memory_space<vmem_shared>>
        tpu.wait_indirect_dma semaphore(%run_scoped3A : memref<!tpu.dma_semaphore, #tpu.memory_space<semaphore_mem>>) src(%arg9 : memref<128x128xf32, #tpu.memory_space<vmem>>) dst(%dma_wait3A_103 : memref<10240x128xf32, #tpu.memory_space<vmem_shared>>)
        tpu.yield
      }) : () -> ()
      %lt3A = arith.constant 19 : i32
      %lt3A_82 = arith.cmpi slt, %scan3A_65, %lt3A : i32
      %convert_element_type3A_83 = arith.extui %lt3A_82 : i1 to i32
      %cond3A_84 = arith.constant 0 : i32
      %cond3A_85 = arith.cmpi ne, %convert_element_type3A_83, %cond3A_84 : i32
      scf.if %cond3A_85 {
        %add3A_92 = arith.constant 2 : i32
        %add3A_93 = arith.addi %mul3A_67, %add3A_92 : i32
        %dma_start3A_94 = arith.constant 0 : i32
        %dma_start3A_95 = tpu.memref_slice %arg7[%add3A_93, %dma_start3A_94] : memref<40x128xi32, #tpu.memory_space<vmem>> -> memref<1x128xi32, #tpu.memory_space<vmem>>
        %dma_start3A_96 = tpu.memref_squeeze %dma_start3A_95 : memref<1x128xi32, #tpu.memory_space<vmem>> -> memref<128xi32, #tpu.memory_space<vmem>>
        %dma_start3A_97 = arith.constant 0 : i32
        %dma_start3A_98 = arith.constant 0 : i32
        %dma_start3A_99 = tpu.memref_slice %arg2[%dma_start3A_97, %dma_start3A_98] : memref<10240x128xf32, #tpu.memory_space<hbm>> -> memref<10240x128xf32, #tpu.memory_space<hbm>>
        tpu.enqueue_indirect_dma source(%dma_start3A_99 : memref<10240x128xf32, #tpu.memory_space<hbm>>) target(%arg9 : memref<128x128xf32, #tpu.memory_space<vmem>>) offsets(%dma_start3A_96 : memref<128xi32, #tpu.memory_space<vmem>>) semaphore(%arg11 : memref<!tpu.dma_semaphore, #tpu.memory_space<semaphore_mem>>)
      } else {
      }
      %dma_wait3A_86 = arith.constant 0 : i32
      %dma_wait3A_87 = tpu.memref_slice %arg7[%add3A_69, %dma_wait3A_86] : memref<40x128xi32, #tpu.memory_space<vmem>> -> memref<1x128xi32, #tpu.memory_space<vmem>>
      %dma_wait3A_88 = tpu.memref_squeeze %dma_wait3A_87 : memref<1x128xi32, #tpu.memory_space<vmem>> -> memref<128xi32, #tpu.memory_space<vmem>>
      %dma_wait3A_89 = arith.constant 0 : i32
      %dma_wait3A_90 = arith.constant 0 : i32
      %dma_wait3A_91 = tpu.memref_slice %arg2[%dma_wait3A_89, %dma_wait3A_90] : memref<10240x128xf32, #tpu.memory_space<hbm>> -> memref<10240x128xf32, #tpu.memory_space<hbm>>
      tpu.wait_indirect_dma semaphore(%arg12 : memref<!tpu.dma_semaphore, #tpu.memory_space<semaphore_mem>>) src(%dma_wait3A_91 : memref<10240x128xf32, #tpu.memory_space<hbm>>) dst(%arg10 : memref<128x128xf32, #tpu.memory_space<vmem>>)
      "tpu.region"() ({
        %run_scoped3A = tpu.sem_alloc : memref<!tpu.dma_semaphore, #tpu.memory_space<semaphore_mem>>
        %dma_start3A_92 = arith.constant 0 : i32
        %dma_start3A_93 = tpu.memref_slice %arg8[%add3A_69, %dma_start3A_92] : memref<40x128xi32, #tpu.memory_space<vmem>> -> memref<1x128xi32, #tpu.memory_space<vmem>>
        %dma_start3A_94 = tpu.memref_squeeze %dma_start3A_93 : memref<1x128xi32, #tpu.memory_space<vmem>> -> memref<128xi32, #tpu.memory_space<vmem>>
        %dma_start3A_95 = arith.constant 0 : i32
        %dma_start3A_96 = arith.constant 0 : i32
        %dma_start3A_97 = tpu.memref_slice %arg6[%dma_start3A_95, %dma_start3A_96] : memref<10240x128xf32, #tpu.memory_space<vmem_shared>> -> memref<10240x128xf32, #tpu.memory_space<vmem_shared>>
        tpu.enqueue_indirect_dma source(%arg10 : memref<128x128xf32, #tpu.memory_space<vmem>>) target(%dma_start3A_97 : memref<10240x128xf32, #tpu.memory_space<vmem_shared>>) offsets(%dma_start3A_94 : memref<128xi32, #tpu.memory_space<vmem>>) semaphore(%run_scoped3A : memref<!tpu.dma_semaphore, #tpu.memory_space<semaphore_mem>>) {add = true}
        %dma_wait3A_98 = arith.constant 0 : i32
        %dma_wait3A_99 = tpu.memref_slice %arg8[%add3A_69, %dma_wait3A_98] : memref<40x128xi32, #tpu.memory_space<vmem>> -> memref<1x128xi32, #tpu.memory_space<vmem>>
        %dma_wait3A_100 = tpu.memref_squeeze %dma_wait3A_99 : memref<1x128xi32, #tpu.memory_space<vmem>> -> memref<128xi32, #tpu.memory_space<vmem>>
        %dma_wait3A_101 = arith.constant 0 : i32
        %dma_wait3A_102 = arith.constant 0 : i32
        %dma_wait3A_103 = tpu.memref_slice %arg6[%dma_wait3A_101, %dma_wait3A_102] : memref<10240x128xf32, #tpu.memory_space<vmem_shared>> -> memref<10240x128xf32, #tpu.memory_space<vmem_shared>>
        tpu.wait_indirect_dma semaphore(%run_scoped3A : memref<!tpu.dma_semaphore, #tpu.memory_space<semaphore_mem>>) src(%arg10 : memref<128x128xf32, #tpu.memory_space<vmem>>) dst(%dma_wait3A_103 : memref<10240x128xf32, #tpu.memory_space<vmem_shared>>)
        tpu.yield
      }) : () -> ()
    }
    %scan3A_63 = arith.constant 20 : i32
    %barrier3A_64 = arith.constant 0 : index
    tpu.barrier barrier_id(%barrier3A_64)
    "tpu.region"() ({
      %run_scoped3A = tpu.sem_alloc : memref<!tpu.dma_semaphore, #tpu.memory_space<semaphore_mem>>
      %dma_start3A_65 = arith.constant 0 : i32
      %dma_start3A_66 = tpu.memref_slice %arg5[%arg0, %mul3A_2, %dma_start3A_65] : memref<2x10240x128xf32, #tpu.memory_space<hbm>> -> memref<1x640x128xf32, #tpu.memory_space<hbm>>
      %dma_start3A_67 = tpu.memref_squeeze %dma_start3A_66 : memref<1x640x128xf32, #tpu.memory_space<hbm>> -> memref<640x128xf32, #tpu.memory_space<hbm>>
      %dma_start3A_68 = arith.constant 0 : i32
      %dma_start3A_69 = tpu.memref_slice %arg6[%mul3A_2, %dma_start3A_68] : memref<10240x128xf32, #tpu.memory_space<vmem_shared>> -> memref<640x128xf32, #tpu.memory_space<vmem_shared>>
      tpu.enqueue_dma source(%dma_start3A_69 : memref<640x128xf32, #tpu.memory_space<vmem_shared>>) target(%dma_start3A_67 : memref<640x128xf32, #tpu.memory_space<hbm>>) target_semaphore(%run_scoped3A : memref<!tpu.dma_semaphore, #tpu.memory_space<semaphore_mem>>)
      %dma_wait3A_70 = arith.constant 0 : i32
      %dma_wait3A_71 = tpu.memref_slice %arg5[%arg0, %mul3A_2, %dma_wait3A_70] : memref<2x10240x128xf32, #tpu.memory_space<hbm>> -> memref<1x640x128xf32, #tpu.memory_space<hbm>>
      %dma_wait3A_72 = tpu.memref_squeeze %dma_wait3A_71 : memref<1x640x128xf32, #tpu.memory_space<hbm>> -> memref<640x128xf32, #tpu.memory_space<hbm>>
      %dma_wait3A_73 = arith.constant 0 : i32
      %dma_wait3A_74 = tpu.memref_slice %arg6[%mul3A_2, %dma_wait3A_73] : memref<10240x128xf32, #tpu.memory_space<vmem_shared>> -> memref<640x128xf32, #tpu.memory_space<vmem_shared>>
      tpu.wait_dma2 semaphore(%run_scoped3A : memref<!tpu.dma_semaphore, #tpu.memory_space<semaphore_mem>>) src(%dma_wait3A_74 : memref<640x128xf32, #tpu.memory_space<vmem_shared>>) dst(%dma_wait3A_72 : memref<640x128xf32, #tpu.memory_space<hbm>>)
      tpu.yield
    }) : () -> ()
    return
  }
}

module attributes {stable_mosaic.version = 14 : i64} {
  func.func @_tc1_body(%arg0: memref<2x10240xf32, #tpu.memory_space<vmem>>, %arg1: memref<10240x128xf32, #tpu.memory_space<vmem>>, %arg2: memref<128x128xf32, #tpu.memory_space<vmem>>, %arg3: memref<10240x128xf32, #tpu.memory_space<vmem>>) attributes {dimension_semantics = [], scalar_prefetch = 0 : i64, scratch_operands = 0 : i64, tpu.core_type = #tpu.core_type<tc>} {
    %get3A = arith.constant 0 : index
    %get3A_0 = arith.constant 0 : index
    %get3A_1 = vector.load %arg0[%get3A, %get3A_0] : memref<2x10240xf32, #tpu.memory_space<vmem>>, vector<2x10240xf32>
    %slice3A = vector.extract_strided_slice %get3A_1 {offsets = [0, 0], sizes = [1, 10240], strides = [1, 1]} : vector<2x10240xf32> to vector<1x10240xf32>
    %squeeze3A = vector.shape_cast %slice3A : vector<1x10240xf32> to vector<10240xf32>
    %slice3A_2 = vector.extract_strided_slice %get3A_1 {offsets = [1, 0], sizes = [1, 10240], strides = [1, 1]} : vector<2x10240xf32> to vector<1x10240xf32>
    %squeeze3A_3 = vector.shape_cast %slice3A_2 : vector<1x10240xf32> to vector<10240xf32>
    %add3A = arith.addf %squeeze3A, %squeeze3A_3 : vector<10240xf32>
    %add3A_4 = arith.constant 1.000000e+00 : f32
    %add3A_5 = vector.broadcast %add3A_4 : f32 to vector<10240xf32>
    %add3A_6 = arith.addf %add3A, %add3A_5 : vector<10240xf32>
    %rsqrt3A = math.rsqrt %add3A_6 : vector<10240xf32>
    %get3A_7 = arith.constant 0 : index
    %get3A_8 = arith.constant 0 : index
    %get3A_9 = vector.load %arg1[%get3A_7, %get3A_8] : memref<10240x128xf32, #tpu.memory_space<vmem>>, vector<10240x128xf32>
    %get3A_10 = arith.constant 0 : index
    %get3A_11 = arith.constant 0 : index
    %get3A_12 = vector.load %arg2[%get3A_10, %get3A_11] : memref<128x128xf32, #tpu.memory_space<vmem>>, vector<128x128xf32>
    %dot_general3A = arith.constant dense<0.000000e+00> : vector<10240x128xf32>
    %dot_general3A_13 = tpu.matmul %get3A_9, %get3A_12, %dot_general3A {dimension_numbers = #tpu.dot_dimension_numbers<[1], [0], [0], [1], [0, 0, 1, 1], [], []>, transpose_lhs_hint = false} : vector<10240x128xf32>, vector<128x128xf32>, vector<10240x128xf32> -> vector<10240x128xf32>
    %broadcast_in_dim3A = vector.shape_cast %rsqrt3A : vector<10240xf32> to vector<10240x1xf32>
    %mul3A = vector.broadcast %broadcast_in_dim3A : vector<10240x1xf32> to vector<10240x128xf32>
    %mul3A_14 = arith.mulf %dot_general3A_13, %mul3A : vector<10240x128xf32>
    %swap3A = arith.constant 0 : index
    %swap3A_15 = arith.constant 0 : index
    %swap3A_16 = vector.load %arg3[%swap3A, %swap3A_15] : memref<10240x128xf32, #tpu.memory_space<vmem>>, vector<10240x128xf32>
    tpu.vector_store %arg3[%swap3A, %swap3A_15], %mul3A_14 {strides = array<i32>} : memref<10240x128xf32, #tpu.memory_space<vmem>>, vector<10240x128xf32>,
    return
  }
}

module attributes {stable_mosaic.version = 14 : i64} {
  func.func @_tc3_body(%arg0: memref<2x10240x128xf32, #tpu.memory_space<vmem>>, %arg1: memref<2x10240xf32, #tpu.memory_space<vmem>>, %arg2: memref<1x128xf32, #tpu.memory_space<vmem>>, %arg3: memref<10240x128xf32, #tpu.memory_space<vmem>>) attributes {dimension_semantics = [], scalar_prefetch = 0 : i64, scratch_operands = 0 : i64, tpu.core_type = #tpu.core_type<tc>} {
    %get3A = arith.constant 0 : index
    %get3A_0 = arith.constant 0 : index
    %get3A_1 = vector.load %arg1[%get3A, %get3A_0] : memref<2x10240xf32, #tpu.memory_space<vmem>>, vector<2x10240xf32>
    %slice3A = vector.extract_strided_slice %get3A_1 {offsets = [0, 0], sizes = [1, 10240], strides = [1, 1]} : vector<2x10240xf32> to vector<1x10240xf32>
    %squeeze3A = vector.shape_cast %slice3A : vector<1x10240xf32> to vector<10240xf32>
    %slice3A_2 = vector.extract_strided_slice %get3A_1 {offsets = [1, 0], sizes = [1, 10240], strides = [1, 1]} : vector<2x10240xf32> to vector<1x10240xf32>
    %squeeze3A_3 = vector.shape_cast %slice3A_2 : vector<1x10240xf32> to vector<10240xf32>
    %add3A = arith.addf %squeeze3A, %squeeze3A_3 : vector<10240xf32>
    %add3A_4 = arith.constant 1.000000e+00 : f32
    %add3A_5 = vector.broadcast %add3A_4 : f32 to vector<10240xf32>
    %add3A_6 = arith.addf %add3A, %add3A_5 : vector<10240xf32>
    %rsqrt3A = math.rsqrt %add3A_6 : vector<10240xf32>
    %get3A_7 = arith.constant 0 : index
    %get3A_8 = arith.constant 0 : index
    %get3A_9 = arith.constant 0 : index
    %get3A_10 = vector.load %arg0[%get3A_7, %get3A_8, %get3A_9] : memref<2x10240x128xf32, #tpu.memory_space<vmem>>, vector<1x10240x128xf32>
    %get3A_11 = vector.shape_cast %get3A_10 : vector<1x10240x128xf32> to vector<10240x128xf32>
    %get3A_12 = arith.constant 1 : index
    %get3A_13 = arith.constant 0 : index
    %get3A_14 = arith.constant 0 : index
    %get3A_15 = vector.load %arg0[%get3A_12, %get3A_13, %get3A_14] : memref<2x10240x128xf32, #tpu.memory_space<vmem>>, vector<1x10240x128xf32>
    %get3A_16 = vector.shape_cast %get3A_15 : vector<1x10240x128xf32> to vector<10240x128xf32>
    %add3A_17 = arith.addf %get3A_11, %get3A_16 : vector<10240x128xf32>
    %broadcast_in_dim3A = vector.shape_cast %rsqrt3A : vector<10240xf32> to vector<10240x1xf32>
    %mul3A = vector.broadcast %broadcast_in_dim3A : vector<10240x1xf32> to vector<10240x128xf32>
    %mul3A_18 = arith.mulf %add3A_17, %mul3A : vector<10240x128xf32>
    %get3A_19 = arith.constant 0 : index
    %get3A_20 = arith.constant 0 : index
    %get3A_21 = vector.load %arg2[%get3A_19, %get3A_20] : memref<1x128xf32, #tpu.memory_space<vmem>>, vector<1x128xf32>
    %add3A_22 = vector.broadcast %get3A_21 : vector<1x128xf32> to vector<10240x128xf32>
    %add3A_23 = arith.addf %mul3A_18, %add3A_22 : vector<10240x128xf32>
    %reduce_max3A = arith.constant dense<0xFF800000> : vector<10240xf32>
    %reduce_max3A_24 = vector.multi_reduction <maximumf>, %add3A_23, %reduce_max3A [1] : vector<10240x128xf32> to vector<10240xf32>
    %broadcast_in_dim3A_25 = vector.shape_cast %reduce_max3A_24 : vector<10240xf32> to vector<10240x1xf32>
    %sub3A = vector.broadcast %broadcast_in_dim3A_25 : vector<10240x1xf32> to vector<10240x128xf32>
    %sub3A_26 = arith.subf %add3A_23, %sub3A : vector<10240x128xf32>
    %exp3A = math.exp %sub3A_26 : vector<10240x128xf32>
    %reduce_sum3A = arith.constant dense<0.000000e+00> : vector<10240xf32>
    %reduce_sum3A_27 = vector.multi_reduction <add>, %exp3A, %reduce_sum3A [1] : vector<10240x128xf32> to vector<10240xf32>
    %broadcast_in_dim3A_28 = vector.shape_cast %reduce_sum3A_27 : vector<10240xf32> to vector<10240x1xf32>
    %log3A = math.log %broadcast_in_dim3A_28 : vector<10240x1xf32>
    %sub3A_29 = vector.broadcast %log3A : vector<10240x1xf32> to vector<10240x128xf32>
    %sub3A_30 = arith.subf %sub3A_26, %sub3A_29 : vector<10240x128xf32>
    %swap3A = arith.constant 0 : index
    %swap3A_31 = arith.constant 0 : index
    %swap3A_32 = vector.load %arg3[%swap3A, %swap3A_31] : memref<10240x128xf32, #tpu.memory_space<vmem>>, vector<10240x128xf32>
    tpu.vector_store %arg3[%swap3A, %swap3A_31], %sub3A_30 {strides = array<i32>} : memref<10240x128xf32, #tpu.memory_space<vmem>>, vector<10240x128xf32>,
    return
  }
}

module attributes {stable_mosaic.version = 14 : i64} {
  func.func @_tc2_body(%arg0: memref<2x10240x128xf32, #tpu.memory_space<vmem>>, %arg1: memref<2x10240xf32, #tpu.memory_space<vmem>>, %arg2: memref<1x128xf32, #tpu.memory_space<vmem>>, %arg3: memref<128x128xf32, #tpu.memory_space<vmem>>, %arg4: memref<10240x128xf32, #tpu.memory_space<vmem>>) attributes {dimension_semantics = [], scalar_prefetch = 0 : i64, scratch_operands = 0 : i64, tpu.core_type = #tpu.core_type<tc>} {
    %get3A = arith.constant 0 : index
    %get3A_0 = arith.constant 0 : index
    %get3A_1 = vector.load %arg1[%get3A, %get3A_0] : memref<2x10240xf32, #tpu.memory_space<vmem>>, vector<2x10240xf32>
    %slice3A = vector.extract_strided_slice %get3A_1 {offsets = [0, 0], sizes = [1, 10240], strides = [1, 1]} : vector<2x10240xf32> to vector<1x10240xf32>
    %squeeze3A = vector.shape_cast %slice3A : vector<1x10240xf32> to vector<10240xf32>
    %slice3A_2 = vector.extract_strided_slice %get3A_1 {offsets = [1, 0], sizes = [1, 10240], strides = [1, 1]} : vector<2x10240xf32> to vector<1x10240xf32>
    %squeeze3A_3 = vector.shape_cast %slice3A_2 : vector<1x10240xf32> to vector<10240xf32>
    %add3A = arith.addf %squeeze3A, %squeeze3A_3 : vector<10240xf32>
    %add3A_4 = arith.constant 1.000000e+00 : f32
    %add3A_5 = vector.broadcast %add3A_4 : f32 to vector<10240xf32>
    %add3A_6 = arith.addf %add3A, %add3A_5 : vector<10240xf32>
    %rsqrt3A = math.rsqrt %add3A_6 : vector<10240xf32>
    %get3A_7 = arith.constant 0 : index
    %get3A_8 = arith.constant 0 : index
    %get3A_9 = arith.constant 0 : index
    %get3A_10 = vector.load %arg0[%get3A_7, %get3A_8, %get3A_9] : memref<2x10240x128xf32, #tpu.memory_space<vmem>>, vector<1x10240x128xf32>
    %get3A_11 = vector.shape_cast %get3A_10 : vector<1x10240x128xf32> to vector<10240x128xf32>
    %get3A_12 = arith.constant 1 : index
    %get3A_13 = arith.constant 0 : index
    %get3A_14 = arith.constant 0 : index
    %get3A_15 = vector.load %arg0[%get3A_12, %get3A_13, %get3A_14] : memref<2x10240x128xf32, #tpu.memory_space<vmem>>, vector<1x10240x128xf32>
    %get3A_16 = vector.shape_cast %get3A_15 : vector<1x10240x128xf32> to vector<10240x128xf32>
    %add3A_17 = arith.addf %get3A_11, %get3A_16 : vector<10240x128xf32>
    %broadcast_in_dim3A = vector.shape_cast %rsqrt3A : vector<10240xf32> to vector<10240x1xf32>
    %mul3A = vector.broadcast %broadcast_in_dim3A : vector<10240x1xf32> to vector<10240x128xf32>
    %mul3A_18 = arith.mulf %add3A_17, %mul3A : vector<10240x128xf32>
    %get3A_19 = arith.constant 0 : index
    %get3A_20 = arith.constant 0 : index
    %get3A_21 = vector.load %arg2[%get3A_19, %get3A_20] : memref<1x128xf32, #tpu.memory_space<vmem>>, vector<1x128xf32>
    %add3A_22 = vector.broadcast %get3A_21 : vector<1x128xf32> to vector<10240x128xf32>
    %add3A_23 = arith.addf %mul3A_18, %add3A_22 : vector<10240x128xf32>
    %max3A = arith.constant 0.000000e+00 : f32
    %max3A_24 = vector.broadcast %max3A : f32 to vector<10240x128xf32>
    %max3A_25 = arith.maximumf %add3A_23, %max3A_24 : vector<10240x128xf32>
    %get3A_26 = arith.constant 0 : index
    %get3A_27 = arith.constant 0 : index
    %get3A_28 = vector.load %arg3[%get3A_26, %get3A_27] : memref<128x128xf32, #tpu.memory_space<vmem>>, vector<128x128xf32>
    %dot_general3A = arith.constant dense<0.000000e+00> : vector<10240x128xf32>
    %dot_general3A_29 = tpu.matmul %max3A_25, %get3A_28, %dot_general3A {dimension_numbers = #tpu.dot_dimension_numbers<[1], [0], [0], [1], [0, 0, 1, 1], [], []>, transpose_lhs_hint = false} : vector<10240x128xf32>, vector<128x128xf32>, vector<10240x128xf32> -> vector<10240x128xf32>
    %broadcast_in_dim3A_30 = vector.shape_cast %rsqrt3A : vector<10240xf32> to vector<10240x1xf32>
    %mul3A_31 = vector.broadcast %broadcast_in_dim3A_30 : vector<10240x1xf32> to vector<10240x128xf32>
    %mul3A_32 = arith.mulf %dot_general3A_29, %mul3A_31 : vector<10240x128xf32>
    %swap3A = arith.constant 0 : index
    %swap3A_33 = arith.constant 0 : index
    %swap3A_34 = vector.load %arg4[%swap3A, %swap3A_33] : memref<10240x128xf32, #tpu.memory_space<vmem>>, vector<10240x128xf32>
    tpu.vector_store %arg4[%swap3A, %swap3A_33], %mul3A_32 {strides = array<i32>} : memref<10240x128xf32, #tpu.memory_space<vmem>>, vector<10240x128xf32>,
    return
  }
}

</mosaic_0001>

<sc_bundles>
// kernel: kernel.11.cloned.1.call-start
scs
__scs_entry_jumppad:
0x0: {  	(pc) =	sbr.rel $0x88, $3  }
0x1: {  	(tag) =	ssettag $0x0;
	lr =	simm.s32 $0x1  }
0x2: {  	[smem:$0x3F9B] =	sst lr;
	_ =	strace $0xD0000000  }
0x3: {  	_ = 	snop  }
0x4: {  	_ = 	snop  }
0x5: {  	_ = 	snop  }
0x6: {  	_ = 	snop  }
0x7: {  	_ = 	snop  }
__scs_overlays_trampoline_lowered:
0x8: {  	[smem:$0x3FAA] =	sst s0  }
0x9: {  	[smem:$0x3FAB] =	sst s1  }
0xa: {  	[smem:$0x3FAC] =	sst s2  }
0xb: {  	[smem:$0x3FAD] =	sst s3  }
0xc: {  	[smem:$0x3FAE] =	sst s4  }
0xd: {  	[smem:$0x3FAF] =	sst s5  }
0xe: {  	[smem:$0x3FB0] =	sst s6  }
0xf: {  	[smem:$0x3FB1] =	sst s7  }
0x10: {  	[smem:$0x3FB2] =	sst s8  }
0x11: {  	[smem:$0x3FB3] =	sst s9;
	s0 =	simm.s32 @!p0 $0x0  }
0x12: {  	s1 =	sld [smem:$0x3F99];
	s0 =	simm.s32 @p0 $0x1  }
0x13: {  	[smem:$0x3FB4] =	sst s0;
	s0 =	simm.s32 @!p1 $0x0  }
0x14: {  	s2 =	sld [smem:$0x3F98];
	s0 =	simm.s32 @p1 $0x1  }
0x15: {  	[smem:$0x3FB5] =	sst s0;
	s0 =	simm.s32 @!p2 $0x0  }
0x16: {  	s3 =	sld [smem:$0x3FDB];
	s0 =	simm.s32 @p2 $0x1  }
0x17: {  	s4 =	simm.s32 $0x1BF5;
	[smem:$0x3FB7] =	sst s0  }
0x18: {  	s0 =	sld [smem:$0x3F9A];
	_ =	swait.ge [sflag:s4], $0x0  }
0x19: {  	s7 =	sld [smem:$0x3F9B]  }
0x1a: {  	s8 =	sadd.s32 $0xFFFFE003, lr  }
0x1b: {  	s9 =	sadd.s32 $0xFFFFFEF7, lr;
	s5 =	simm.s32 $0xFFFFFFFF;
	p2 =	slt.u32 s8, $0xFFFFF086  }
0x1c: {  	p1 =	slt.u32 s9, $0xF7A;
	s5 =	simm.s32 @!p2 $0x0  }
0x1d: {  	s5 =	simm.s32 @p1 $0x1;
	p0 =	seq.s32 s7, s2  }
0x1e: {  	s7 =	smul.u32 @!p0 $0xF7A, s2;
	p2 =	seq.s32 @!p0 s5, $0x0  }
0x1f: {  	s9 =	smul.u32 $0xF7A, s1;
	s8 =	simm.s32 @!p0 $0x1BF5;
	p2 =	por !p2, p0  }
0x20: {  	[sflag:s8] =	ssyncset.s32 @!p0 $0xFFFFF086;
	s6 =	sadd.s32 @!p0 s3, s7;
	s7 =	simm.s32 @!p0 $0x108  }
0x21: {  	s3 =	sadd.s32 s3, s9;
	s6 =	sadd.s32 @!p0 $0x88, s6;
	s7 =	simm.s32 @p2 $0x1082  }
0x22: {  	[simem:s7], [sflag:s8] =	dma.local @!p0 [hbm:s6], $0xF7A  }
0x23: {  	s9 =	sor.u32 $0xD0000000, s2;
	s6 =	simm.s32 $0x108;
	_ =	swait.ge @!p0 [sflag:s8], $0x0  }
0x24: {  	s3 =	sadd.s32 $0x88, s3;
	s6 =	simm.s32 @!p1 $0x1082;
	[sflag:s4] =	ssyncset.s32 $0xFFFFF086  }
0x25: {  	[simem:s6], [sflag:s4] =	dma.local [hbm:s3], $0xF7A  }
0x26: {  	[smem:$0x3F9B] =	sst s1;
	(tag) =	ssettag s2;
	_ =	strace s9  }
0x27: {  	s1 =	sld [smem:$0x3FAB]  }
0x28: {  	s2 =	sld [smem:$0x3FAC]  }
0x29: {  	s4 =	sld [smem:$0x3FAE]  }
0x2a: {  	p0 =	seq.s32 s5, $0x0;
	s5 =	sld [smem:$0x3FAF]  }
0x2b: {  	s6 =	sld [smem:$0x3FB0]  }
0x2c: {  	s7 =	sld [smem:$0x3FB1]  }
0x2d: {  	s3 =	simm.s32 $0x108;
	s8 =	sld [smem:$0x3FB2]  }
0x2e: {  	s3 =	simm.s32 @!p0 $0x1082;
	s9 =	sld [smem:$0x3FB3]  }
0x2f: {  	lr =	sadd.s32 s0, s3;
	s0 =	sld [smem:$0x3FAA]  }
0x30: {  	s3 =	sld [smem:$0x3FAD]  }
0x31: {  	[smem:$0x3FB6] =	sst s10  }
0x32: {  	s10 =	sld [smem:$0x3FB4];
	_ =	sdelay $0x3  }
0x33: {  	p0 =	seq.s32 s10, $0x1;
	s10 =	sld [smem:$0x3FB6];
	_ =	sdelay $0x3  }
0x34: {  	[smem:$0x3FB6] =	sst s10  }
0x35: {  	s10 =	sld [smem:$0x3FB5];
	_ =	sdelay $0x3  }
0x36: {  	p1 =	seq.s32 s10, $0x1;
	s10 =	sld [smem:$0x3FB6];
	_ =	sdelay $0x3  }
0x37: {  	[smem:$0x3FB6] =	sst s10  }
0x38: {  	s10 =	sld [smem:$0x3FB7]  }
0x39: {  	_ = 	snop;
	(pc) =	sbr.ind lr, $3  }
0x3a: {  	_ = 	snop  }
0x3b: {  	_ = 	snop  }
0x3c: {  	p2 =	seq.s32 s10, $0x1;
	s10 =	sld [smem:$0x3FB6]  }
0x3d: {  	_ =	shalt  }
0x3e: {  	_ =	shalt  }
0x3f: {  	_ =	shalt  }
0x40: {  	_ =	shalt  }
0x41: {  	_ =	shalt  }
0x42: {  	_ =	shalt  }
0x43: {  	_ =	shalt  }
0x44: {  	_ =	shalt  }
0x45: {  	_ =	shalt  }
0x46: {  	_ =	shalt  }
0x47: {  	_ =	shalt  }
0x48: {  	_ =	shalt  }
0x49: {  	_ =	shalt  }
0x4a: {  	_ =	shalt  }
0x4b: {  	_ =	shalt  }
0x4c: {  	_ =	shalt  }
0x4d: {  	_ =	shalt  }
0x4e: {  	_ =	shalt  }
0x4f: {  	_ =	shalt  }
0x50: {  	_ =	shalt  }
0x51: {  	_ =	shalt  }
0x52: {  	_ =	shalt  }
0x53: {  	_ =	shalt  }
0x54: {  	_ =	shalt  }
0x55: {  	_ =	shalt  }
0x56: {  	_ =	shalt  }
0x57: {  	_ =	shalt  }
0x58: {  	_ =	shalt  }
0x59: {  	_ =	shalt  }
0x5a: {  	_ =	shalt  }
0x5b: {  	_ =	shalt  }
0x5c: {  	_ =	shalt  }
0x5d: {  	_ =	shalt  }
0x5e: {  	_ =	shalt  }
0x5f: {  	_ =	shalt  }
0x60: {  	_ =	shalt  }
0x61: {  	_ =	shalt  }
0x62: {  	_ =	shalt  }
0x63: {  	_ =	shalt  }
0x64: {  	_ =	shalt  }
0x65: {  	_ =	shalt  }
0x66: {  	_ =	shalt  }
0x67: {  	_ =	shalt  }
0x68: {  	_ =	shalt  }
0x69: {  	_ =	shalt  }
0x6a: {  	_ =	shalt  }
0x6b: {  	_ =	shalt  }
0x6c: {  	_ =	shalt  }
0x6d: {  	_ =	shalt  }
0x6e: {  	_ =	shalt  }
0x6f: {  	_ =	shalt  }
0x70: {  	_ =	shalt  }
0x71: {  	_ =	shalt  }
0x72: {  	_ =	shalt  }
0x73: {  	_ =	shalt  }
0x74: {  	_ =	shalt  }
0x75: {  	_ =	shalt  }
0x76: {  	_ =	shalt  }
0x77: {  	_ =	shalt  }
0x78: {  	_ =	shalt  }
0x79: {  	_ =	shalt  }
0x7a: {  	_ =	shalt  }
0x7b: {  	_ =	shalt  }
0x7c: {  	_ =	shalt  }
0x7d: {  	_ =	shalt  }
0x7e: {  	_ =	shalt  }
0x7f: {  	_ =	shalt  }
0x80: {  	_ =	shalt  }
0x81: {  	_ =	shalt  }
0x82: {  	_ =	shalt  }
0x83: {  	_ =	shalt  }
0x84: {  	_ =	shalt  }
0x85: {  	_ =	shalt  }
0x86: {  	_ =	shalt  }
0x87: {  	_ =	shalt  }
.Lfunc_end0:
.L_simem_size_0:
called_computation.1_lowered:
.L_overlay_start_0:
0x88: {  	s2 =	sld [smem:$0x3FD9]  }
0x89: {  	s3 =	sld [smem:$0x3FFE];
	_ =	sdelay $0x1  }
0x8a: {  	s1 =	srdreg.scid  }
0x8b: {  	s0 =	sand.u32 $0x1, s1  }
0x8c: {  	s17 =	sshll.u32 s0, $0xA;
	s2 =	sadd.s32 s3, s2  }
0x8d: {  	s2 =	sadd.s32 s2, s17  }
0x8e: {  	[smem:$0x3FC2] =	sst s2  }
0x8f: {  	_ = 	snop  }
0x90: {  	s2 =	sld [smem:$0x3FD0];
	(tm) =	ssettm $0x1  }
0x91: {  	s18 =	sld [smem:$0x3FFB];
	_ =	sdelay $0x3  }
0x92: {  	_ =	strace s18  }
0x93: {  	s3 =	sld [smem:$0x3FFC];
	_ =	sdelay $0x3  }
0x94: {  	_ =	strace s3  }
0x95: {  	s3 =	sld [smem:$0x3FFD];
	_ =	sdelay $0x3  }
0x96: {  	_ =	strace s3  }
0x97: {  	_ =	strace $0x8FFFFFFF  }
0x98: {  	s19 =	sld [smem:$0x3FDB];
	_ =	sdelay $0x1  }
0x99: {  	s4 =	simm.s32 $_scs_section_size  }
0x9a: {  	s5 =	simm.s32 $_size__tile_overlayer_lowered;
	s6 =	simm.s32 $_tile_overlayer_lowered  }
0x9b: {  	s22 =	simm.s32 $0x1BFF;
	s21 =	sshll.u32 s6, $0x1;
	s3 =	sadd.s32 s4, s19  }
0x9c: {  	s7 =	simm.s32 $0x0;
	s20 =	sshll.u32 s5, $0x1;
	s5 =	sadd.s32 s21, s3  }
0x9d: {  	[timem:s7], [sflag:s22] =	dma.local [hbm:s5], s20  }
0x9e: {  	_ =	swait.ge [sflag:s22], s20  }
0x9f: {  	s4 =	ssub.s32 $0x0, s20;
	[sflag:s22] =	ssyncset.done $0x0  }
0xa0: {  	[sflag:s22] =	ssyncadd.s32 s4;
	_ =	sdelay $0x1  }
0xa1: {  	s23 =	simm.s32 $0x1B8B  }
0xa2: {  	_ =	swait.ge [sflag:s23], $0x1  }
0xa3: {  	[sflag:s23] =	ssyncset.done $0x0  }
0xa4: {  	s25 =	simm.s32 $0x1B8E;
	s24 =	sld [smem:$0x3FFE];
	[sflag:s23] =	ssyncadd.s32 $0xFFFFFFFF  }
0xa5: {  	s26 =	simm.s32 $execute0_lowered;
	[smem:$0x3FD2] =	sst s25  }
0xa6: {  	s5 =	sshll.u32 s26, $0x1;
	_ =	strace $0x80000049;
	[dreg:$0x1] =	wrdreg $0xFFFFFFFF  }
0xa7: {  	s28 =	simm.s32 $_size_execute0_lowered;
	s3 =	sadd.s32 s3, s5;
	[dreg:$0x0] =	wrdreg $0x0  }
0xa8: {  	s5 =	sshll.u32 s28, $0x1;
	[dreg:$0x2] =	wrdreg s3  }
0xa9: {  	[dreg:$0x3] =	wrdreg s5  }
0xaa: {  	[dreg:$0x4] =	wrdreg $0xC0  }
0xab: {  	_ =	task [dreg:s7], $0x5FFFF  }
0xac: {  	[dreg:$0x1] =	wrdreg $0xFFFFFFFF  }
0xad: {  	[dreg:$0x0] =	wrdreg $0x60  }
0xae: {  	[dreg:$0x2] =	wrdreg s24  }
0xaf: {  	[dreg:$0x3] =	wrdreg s2  }
0xb0: {  	[dreg:$0x4] =	wrdreg $0x0  }
0xb1: {  	[dreg:$0x5] =	wrdreg $0x9  }
0xb2: {  	_ =	task.clear_ibuf [dreg:s7], $0x6FFFF;
	_ =	strace $0x90000049  }
0xb3: {  	s29 =	simm.s32 $0x9;
	_ =	strace $0x8000004B  }
0xb4: {  	_ =	swait.ge [sflag:s29], $0x1  }
0xb5: {  	[sflag:s29] =	ssyncadd.s32 $0xFFFFFFFF  }
0xb6: {  	_ =	strace $0x9000004B  }
0xb7: {  	_ =	sfence  }
0xb8: {  	s30 =	sld [smem:$0x0];
	_ =	sdelay $0x2  }
0xb9: {  	s31 =	sshll.u32 s1, $0xD;
	s1 =	sshrl.u32 s1, $0x2  }
0xba: {  	s3 =	sand.u32 $0x4000, s31;
	s1 =	sadd.s32 s1, s30  }
0xbb: {  	s0 =	sor.u32 s3, s0;
	s1 =	sshll.u32 s1, $0x11  }
0xbc: {  	s0 =	sor.u32 s1, s0  }
0xbd: {  	s0 =	sadd.s32 $0x8F2B, s0  }
0xbe: {  	[sflag:s0] =	ssyncadd.remote.s32 $0x1  }
0xbf: {  	_ =	sfence.sel $0xFFFF  }
0xc0: {  	[dreg:$0x0] =	wrdreg $0xFFFFFFFF;
	(pc) =	sbr.abs _section_cstart, $3  }
0xc1: {  	[dreg:$0x1] =	wrdreg $0xFFFFFFFF  }
0xc2: {  	_ =	task.clear_ibuf [dreg:s7], $0x2FFFF;
	_ =	strace $0x9FFFFFFF  }
0xc3: {  	(tm) =	ssettm $0x7FFFFFFF  }
tec
execute0_lowered:
.L_overlay_start_1:
0x0: {  	(tag) =	ssettag $0x1  }
0x1: {  	s0 =	rddreg [dreg:$0x0]  }
0x2: {  	s2 =	rddreg [dreg:$0x1]  }
0x3: {  	s1 =	rddreg [dreg:$0x2];
	s3 =	srdreg.scid  }
0x4: {  	s10 =	stileid.u32;
	s17 =	simm.s32 $0x14000;
	s18 =	simm.s32 $0x15400  }
0x5: {  	s28 =	simm.s32 $0x15380;
	s29 =	simm.s32 $0x16700;
	s6 =	smul.u32 $0x14000, s10  }
0x6: {  	s30 =	simm.s32 $0x16780;
	s31 =	simm.s32 $0x0;
	s9 =	smul.u32 $0x50000, s10  }
0x7: {  	s8 =	sand.u32 $0x1, s3;
	s3 =	simm.s32 $0x0;
	s13 =	smul.u32 $0x2800, s10  }
0x8: {  	s14 =	sadd.s32 $0x2000, s0;
	s26 =	sshll.u32 s10, $0x6;
	s5 =	smul.u32 $0x140000, s8  }
0x9: {  	[smem:$0x7FF] =	sst s3;
	s4 =	sshll.u32 s8, $0x4;
	s20 =	ssub.s32 $0x2, s8  }
0xa: {  	p0 =	sne.s32 s8, $0x0;
	_ =	strace $0x8000004A;
	s7 =	sor.u32 s10, s4  }
0xb: {  	s4 =	sadd.s32 $0xC000, s0;
	s21 =	sshrl.u32 s20, $0x1;
	s22 =	sshrl.u32 s9, $0x2  }
0xc: {  	s5 =	sadd.s32 s6, s5;
	s19 =	smul.u32 $0x2800, s7;
	s16 =	ssub.s32 s20, s21  }
0xd: {  	s7 =	sadd.s32 s22, s1;
	s21 =	simm.s32 $0x3;
	s22 =	simm.s32 $0x1  }
0xe: {  	s5 =	sshrl.u32 s5, $0x3;
	s23 =	sadd.s32 $0x4000, s7;
	s24 =	sadd.s32 $0x8000, s7  }
0xf: {  	s25 =	sadd.s32 $0xC000, s7;
	s11 =	sadd.s32 $0x10000, s7;
	[dreg:$0x4] =	wrdreg s23  }
0x10: {  	s16 =	smax.u32 s16, $0x1;
	s20 =	sshrl.u32 s7, $0x3;
	[dreg:$0x5] =	wrdreg s24  }
0x11: {  	s0 =	sadd.s32 s5, s0;
	s12 =	sshrl.u32 s19, $0x3;
	[dreg:$0x6] =	wrdreg s25  }
0x12: {  	s19 =	sor.u32 $0x1C03, s26;
	s23 =	simm.s32 $0x2;
	s24 =	simm.s32 $0x80  }
0x13: {  	s25 =	simm.s32 $0x16800;
	s26 =	simm.s32 $0x1A800;
	s5 =	sadd.s32 s2, s12  }
0x14: {  	s6 =	sadd.s32 s14, s12;
	s15 =	sadd.s32 $0x280, s12;
	s12 =	sadd.s32 s4, s13  }
0x15: {  	v0 =	vimm.f32 $0.0e+00;
	s13 =	sadd.s32 s2, s15;
	s14 =	sadd.s32 s14, s15;
	s15 =	sadd.s32 $0x34000, s0  }
.LBB2_1:
.Ltmp0:
0x16: {  	(pc) =	sbr.rel @p0 .LBB2_3-.Ltmp0, $4  }
0x17: {  	_ = 	snop  }
0x18: {  	[tilespmem:s17], [sflag:$0x1] =	stream.linear.gather [hbm4b:s5+s3], $0x1400, $0x38;
	[tilespmem:$0x1E800] =	vst v63  }
0x19: {  	_ = 	snop  }
0x1a: {  	[tilespmem:s18], [sflag:$0x2] =	stream.linear.gather [hbm4b:s6+s3], $0x1400, $0x38;
	[tilespmem:$0x1E800] =	vst v63  }
.Ltmp1:
0x1b: {  	(pc) =	sbr.rel .LBB2_6-.Ltmp1, $4  }
0x1c: {  	[spmem:s20], [sflag:s19] =	dma.local [hbm:s12], $0x2800  }
0x1d: {  	_ =	swait.ge [sflag:s21], $0x2800  }
0x1e: {  	[sflag:s21] =	ssyncset.done $0x0  }
0x1f: {  	[sflag:s21] =	ssyncadd.s32 $0xFFFFD800  }
.LBB2_3:
0x20: {  	s0 =	sand.u32 $0xFE00, s3  }
0x21: {  	s2 =	sand.u32 $0x70, s3;
	s8 =	sshrl.u32 s0, $0x2  }
0x22: {  	s0 =	simm.s32 $0x40;
	s8 =	sor.u32 s2, s8;
	s2 =	simm.s32 $0x0  }
.LBB2_4:
0x23: {  	p1 =	sne.s32 s0, $0xFFC0  }
0x24: {  	[tilespmem:s8+$0x16800] =	vst v0;
	s2 =	sadd.s32 $0x10, s2;
	s8 =	smov.u32 s0;
	s0 =	sadd.s32 $0x40, s0  }
.Ltmp2:
0x25: {  	(pc) =	sbr.rel @p1 .LBB2_4-.Ltmp2, $4  }
0x26: {  	_ = 	snop  }
0x27: {  	s8 =	sand.u32 $0xFE00, s8  }
0x28: {  	s9 =	sand.u32 $0x70, s2;
	s8 =	sshrl.u32 s8, $0x2  }
0x29: {  	s8 =	sor.u32 s9, s8  }
0x2a: {  	[tilespmem:s8+$0x16800] =	vst v0  }
0x2b: {  	[spmem:s7] =	stream.linear.scatter [tilespmem:s25], [sflag:$0x3], $0x4000, $0x38;
	[tilespmem:$0x1E800] =	vst v63  }
0x2c: {  	_ =	swait.ge [sflag:s21], $0x4000  }
0x2d: {  	[sflag:s21] =	ssyncset.done $0x0  }
0x2e: {  	s0 =	rddreg [dreg:$0x4];
	[sflag:s21] =	ssyncadd.s32 $0xFFFFC000  }
0x2f: {  	[spmem:s0] =	stream.linear.scatter [tilespmem:s25], [sflag:$0x3], $0x4000, $0x38;
	[tilespmem:$0x1E800] =	vst v63  }
0x30: {  	_ =	swait.ge [sflag:s21], $0x4000  }
0x31: {  	[sflag:s21] =	ssyncset.done $0x0  }
0x32: {  	s9 =	rddreg [dreg:$0x5];
	[sflag:s21] =	ssyncadd.s32 $0xFFFFC000  }
0x33: {  	[spmem:s9] =	stream.linear.scatter [tilespmem:s25], [sflag:$0x3], $0x4000, $0x38;
	[tilespmem:$0x1E800] =	vst v63  }
0x34: {  	_ =	swait.ge [sflag:s21], $0x4000  }
0x35: {  	[sflag:s21] =	ssyncset.done $0x0  }
0x36: {  	s10 =	rddreg [dreg:$0x6];
	[sflag:s21] =	ssyncadd.s32 $0xFFFFC000  }
0x37: {  	[spmem:s10] =	stream.linear.scatter [tilespmem:s25], [sflag:$0x3], $0x4000, $0x38;
	[tilespmem:$0x1E800] =	vst v63  }
0x38: {  	_ =	swait.ge [sflag:s21], $0x4000  }
0x39: {  	[sflag:s21] =	ssyncset.done $0x0  }
0x3a: {  	[sflag:s21] =	ssyncadd.s32 $0xFFFFC000  }
0x3b: {  	[spmem:s11] =	stream.linear.scatter [tilespmem:s25], [sflag:$0x3], $0x4000, $0x38;
	[tilespmem:$0x1E800] =	vst v63  }
0x3c: {  	_ =	swait.ge [sflag:s21], $0x4000  }
0x3d: {  	[sflag:s21] =	ssyncset.done $0x0  }
0x3e: {  	[sflag:s21] =	ssyncadd.s32 $0xFFFFC000  }
.LBB2_6:
0x3f: {  	_ =	swait.ge [sflag:s22], $0x1400  }
0x40: {  	[sflag:s22] =	ssyncset.done $0x0  }
0x41: {  	[sflag:s22] =	ssyncadd.s32 $0xFFFFEC00  }
0x42: {  	_ =	swait.ge [sflag:s23], $0x1400  }
0x43: {  	[sflag:s23] =	ssyncset.done $0x0  }
0x44: {  	[sflag:s23] =	ssyncadd.s32 $0xFFFFEC00  }
0x45: {  	[bflag:$0x0] =	sbarrier.arrive $0xFFFF  }
0x46: {  	[tilespmem:s25], [sflag:$0x1] =	stream.indirect.gather [hbm4b:s4+s24], $0x80, s17, s24, $0xb8;
	[tilespmem:$0x1E800] =	vst v63  }
0x47: {  	s0 =	simm.s32 $0x14080  }
0x48: {  	[tilespmem:s26], [sflag:$0x2] =	stream.indirect.gather [hbm4b:s4+s24], $0x80, s0, s24, $0xb8;
	[tilespmem:$0x1E800] =	vst v63  }
0x49: {  	_ =	swait.ge [sflag:s22], $0x4000  }
0x4a: {  	[sflag:s22] =	ssyncset.done $0x0  }
0x4b: {  	s8 =	simm.s32 $0x15400;
	[sflag:s22] =	ssyncadd.s32 $0xFFFFC000  }
0x4c: {  	[spmem:s1] =	stream.indirect.scatter.add.f32 [tilespmem:s25], [sflag:$0x3], $0x80, s8, s24, $0xb8;
	[tilespmem:$0x1E800] =	vst v63  }
0x4d: {  	_ =	swait.ge [sflag:s21], $0x4000  }
0x4e: {  	[sflag:s21] =	ssyncset.done $0x0  }
0x4f: {  	s9 =	simm.s32 $0x14100;
	[sflag:s21] =	ssyncadd.s32 $0xFFFFC000  }
0x50: {  	[tilespmem:s25], [sflag:$0x1] =	stream.indirect.gather [hbm4b:s4+s24], $0x80, s9, s24, $0xb8;
	[tilespmem:$0x1E800] =	vst v63  }
0x51: {  	_ =	swait.ge [sflag:s23], $0x4000  }
0x52: {  	[sflag:s23] =	ssyncset.done $0x0  }
0x53: {  	s10 =	simm.s32 $0x15480;
	[sflag:s23] =	ssyncadd.s32 $0xFFFFC000  }
0x54: {  	[spmem:s1] =	stream.indirect.scatter.add.f32 [tilespmem:s26], [sflag:$0x3], $0x80, s10, s24, $0xb8;
	[tilespmem:$0x1E800] =	vst v63  }
0x55: {  	_ =	swait.ge [sflag:s21], $0x4000  }
0x56: {  	s2 =	simm.s32 $0x800;
	s0 =	simm.s32 $0x100;
	[sflag:s21] =	ssyncset.done $0x0  }
.LBB2_7:
0x57: {  	s8 =	sadd.s32 $0x14080, s0  }
0x58: {  	[sflag:s21] =	ssyncadd.s32 $0xFFFFC000;
	s9 =	smov.u32 s2;
	s10 =	sadd.s32 $0x400, s2  }
0x59: {  	[tilespmem:s26], [sflag:$0x2] =	stream.indirect.gather [hbm4b:s4+s24], $0x80, s8, s24, $0xb8;
	[tilespmem:$0x1E800] =	vst v63  }
0x5a: {  	p1 =	sne.s32 s2, $0x4800;
	_ =	swait.ge [sflag:s22], $0x4000  }
0x5b: {  	[sflag:s22] =	ssyncset.done $0x0  }
0x5c: {  	s2 =	sadd.s32 $0x15400, s0;
	[sflag:s22] =	ssyncadd.s32 $0xFFFFC000  }
0x5d: {  	[spmem:s1] =	stream.indirect.scatter.add.f32 [tilespmem:s25], [sflag:$0x3], $0x80, s2, s24, $0xb8;
	[tilespmem:$0x1E800] =	vst v63  }
0x5e: {  	_ =	swait.ge [sflag:s21], $0x4000  }
0x5f: {  	[sflag:s21] =	ssyncset.done $0x0  }
0x60: {  	s2 =	sadd.s32 $0x14100, s0;
	[sflag:s21] =	ssyncadd.s32 $0xFFFFC000  }
0x61: {  	[tilespmem:s25], [sflag:$0x1] =	stream.indirect.gather [hbm4b:s4+s24], $0x80, s2, s24, $0xb8;
	[tilespmem:$0x1E800] =	vst v63  }
0x62: {  	_ =	swait.ge [sflag:s23], $0x4000  }
.Ltmp3:
0x63: {  	[sflag:s23] =	ssyncset.done $0x0;
	(pc) =	sbr.rel @p1 .LBB2_7-.Ltmp3, $4  }
0x64: {  	s0 =	sadd.s32 $0x15480, s0;
	[sflag:s23] =	ssyncadd.s32 $0xFFFFC000  }
0x65: {  	[spmem:s1] =	stream.indirect.scatter.add.f32 [tilespmem:s26], [sflag:$0x3], $0x80, s0, s24, $0xb8;
	[tilespmem:$0x1E800] =	vst v63  }
0x66: {  	_ =	swait.ge [sflag:s21], $0x4000  }
0x67: {  	s2 =	smov.u32 s10;
	s0 =	sshra.s32 s9, $0x2;
	[sflag:s21] =	ssyncset.done $0x0  }
0x68: {  	s2 =	sadd.s32 $0x14080, s0;
	[sflag:s21] =	ssyncadd.s32 $0xFFFFC000  }
0x69: {  	[tilespmem:s26], [sflag:$0x2] =	stream.indirect.gather [hbm4b:s4+s24], $0x80, s2, s24, $0xb8;
	[tilespmem:$0x1E800] =	vst v63  }
0x6a: {  	_ =	swait.ge [sflag:s22], $0x4000  }
0x6b: {  	[sflag:s22] =	ssyncset.done $0x0  }
0x6c: {  	s10 =	sadd.s32 $0x15400, s0;
	[sflag:s22] =	ssyncadd.s32 $0xFFFFC000  }
0x6d: {  	[spmem:s1] =	stream.indirect.scatter.add.f32 [tilespmem:s25], [sflag:$0x3], $0x80, s10, s24, $0xb8;
	[tilespmem:$0x1E800] =	vst v63  }
0x6e: {  	_ =	swait.ge [sflag:s21], $0x4000  }
0x6f: {  	[sflag:s21] =	ssyncset.done $0x0  }
0x70: {  	s8 =	sadd.s32 $0x14100, s0;
	[sflag:s21] =	ssyncadd.s32 $0xFFFFC000  }
0x71: {  	[tilespmem:s25], [sflag:$0x1] =	stream.indirect.gather [hbm4b:s4+s24], $0x80, s8, s24, $0xb8;
	[tilespmem:$0x1E800] =	vst v63  }
0x72: {  	_ =	swait.ge [sflag:s23], $0x4000  }
0x73: {  	[sflag:s23] =	ssyncset.done $0x0  }
0x74: {  	s9 =	sadd.s32 $0x15480, s0;
	[sflag:s23] =	ssyncadd.s32 $0xFFFFC000  }
0x75: {  	[spmem:s1] =	stream.indirect.scatter.add.f32 [tilespmem:s26], [sflag:$0x3], $0x80, s9, s24, $0xb8;
	[tilespmem:$0x1E800] =	vst v63  }
0x76: {  	_ =	swait.ge [sflag:s21], $0x4000  }
0x77: {  	[sflag:s21] =	ssyncset.done $0x0  }
0x78: {  	[sflag:s21] =	ssyncadd.s32 $0xFFFFC000  }
0x79: {  	[tilespmem:s26], [sflag:$0x2] =	stream.indirect.gather [hbm4b:s4+s24], $0x80, s28, s24, $0xb8;
	[tilespmem:$0x1E800] =	vst v63  }
0x7a: {  	_ =	swait.ge [sflag:s22], $0x4000  }
0x7b: {  	[sflag:s22] =	ssyncset.done $0x0  }
0x7c: {  	[sflag:s22] =	ssyncadd.s32 $0xFFFFC000  }
0x7d: {  	[spmem:s1] =	stream.indirect.scatter.add.f32 [tilespmem:s25], [sflag:$0x3], $0x80, s29, s24, $0xb8;
	[tilespmem:$0x1E800] =	vst v63  }
0x7e: {  	_ =	swait.ge [sflag:s21], $0x4000  }
0x7f: {  	[sflag:s21] =	ssyncset.done $0x0  }
0x80: {  	[sflag:s21] =	ssyncadd.s32 $0xFFFFC000  }
0x81: {  	_ =	swait.ge [sflag:s23], $0x4000  }
0x82: {  	[sflag:s23] =	ssyncset.done $0x0  }
0x83: {  	[sflag:s23] =	ssyncadd.s32 $0xFFFFC000  }
0x84: {  	[spmem:s1] =	stream.indirect.scatter.add.f32 [tilespmem:s26], [sflag:$0x3], $0x80, s30, s24, $0xb8;
	[tilespmem:$0x1E800] =	vst v63  }
0x85: {  	_ =	swait.ge [sflag:s21], $0x4000  }
0x86: {  	[sflag:s21] =	ssyncset.done $0x0  }
0x87: {  	s10 =	simm.s32 $0x0;
	[sflag:s21] =	ssyncadd.s32 $0xFFFFC000  }
0x88: {  	[tilespmem:s17], [sflag:$0x3] =	stream.linear.gather [hbm4b:s13+s10], $0x1400, $0x38;
	[tilespmem:$0x1E800] =	vst v63  }
0x89: {  	_ =	swait.ge [sflag:s21], $0x1400  }
0x8a: {  	[sflag:s21] =	ssyncset.done $0x0  }
0x8b: {  	[sflag:s21] =	ssyncadd.s32 $0xFFFFEC00  }
0x8c: {  	[tilespmem:s18], [sflag:$0x3] =	stream.linear.gather [hbm4b:s14+s10], $0x1400, $0x38;
	[tilespmem:$0x1E800] =	vst v63  }
0x8d: {  	_ =	swait.ge [sflag:s21], $0x1400  }
0x8e: {  	[sflag:s21] =	ssyncset.done $0x0  }
0x8f: {  	[sflag:s21] =	ssyncadd.s32 $0xFFFFEC00  }
0x90: {  	[tilespmem:s25], [sflag:$0x1] =	stream.indirect.gather [hbm4b:s4+s24], $0x80, s17, s24, $0xb8;
	[tilespmem:$0x1E800] =	vst v63  }
0x91: {  	s2 =	simm.s32 $0x14080  }
0x92: {  	[tilespmem:s26], [sflag:$0x2] =	stream.indirect.gather [hbm4b:s4+s24], $0x80, s2, s24, $0xb8;
	[tilespmem:$0x1E800] =	vst v63  }
0x93: {  	_ =	swait.ge [sflag:s22], $0x4000  }
0x94: {  	[sflag:s22] =	ssyncset.done $0x0  }
0x95: {  	s8 =	simm.s32 $0x15400;
	[sflag:s22] =	ssyncadd.s32 $0xFFFFC000  }
0x96: {  	[spmem:s1] =	stream.indirect.scatter.add.f32 [tilespmem:s25], [sflag:$0x3], $0x80, s8, s24, $0xb8;
	[tilespmem:$0x1E800] =	vst v63  }
0x97: {  	_ =	swait.ge [sflag:s21], $0x4000  }
0x98: {  	[sflag:s21] =	ssyncset.done $0x0  }
0x99: {  	s9 =	simm.s32 $0x14100;
	[sflag:s21] =	ssyncadd.s32 $0xFFFFC000  }
0x9a: {  	[tilespmem:s25], [sflag:$0x1] =	stream.indirect.gather [hbm4b:s4+s24], $0x80, s9, s24, $0xb8;
	[tilespmem:$0x1E800] =	vst v63  }
0x9b: {  	_ =	swait.ge [sflag:s23], $0x4000  }
0x9c: {  	[sflag:s23] =	ssyncset.done $0x0  }
0x9d: {  	s10 =	simm.s32 $0x15480;
	[sflag:s23] =	ssyncadd.s32 $0xFFFFC000  }
0x9e: {  	[spmem:s1] =	stream.indirect.scatter.add.f32 [tilespmem:s26], [sflag:$0x3], $0x80, s10, s24, $0xb8;
	[tilespmem:$0x1E800] =	vst v63  }
0x9f: {  	_ =	swait.ge [sflag:s21], $0x4000  }
0xa0: {  	s0 =	simm.s32 $0x100;
	s2 =	simm.s32 $0x800;
	[sflag:s21] =	ssyncset.done $0x0  }
.LBB2_9:
0xa1: {  	s8 =	sadd.s32 $0x14080, s0  }
0xa2: {  	[sflag:s21] =	ssyncadd.s32 $0xFFFFC000;
	s9 =	smov.u32 s2;
	s10 =	sadd.s32 $0x400, s2  }
0xa3: {  	[tilespmem:s26], [sflag:$0x2] =	stream.indirect.gather [hbm4b:s4+s24], $0x80, s8, s24, $0xb8;
	[tilespmem:$0x1E800] =	vst v63  }
0xa4: {  	p1 =	sne.s32 s2, $0x4800;
	_ =	swait.ge [sflag:s22], $0x4000  }
0xa5: {  	[sflag:s22] =	ssyncset.done $0x0  }
0xa6: {  	s2 =	sadd.s32 $0x15400, s0;
	[sflag:s22] =	ssyncadd.s32 $0xFFFFC000  }
0xa7: {  	[spmem:s1] =	stream.indirect.scatter.add.f32 [tilespmem:s25], [sflag:$0x3], $0x80, s2, s24, $0xb8;
	[tilespmem:$0x1E800] =	vst v63  }
0xa8: {  	_ =	swait.ge [sflag:s21], $0x4000  }
0xa9: {  	[sflag:s21] =	ssyncset.done $0x0  }
0xaa: {  	s2 =	sadd.s32 $0x14100, s0;
	[sflag:s21] =	ssyncadd.s32 $0xFFFFC000  }
0xab: {  	[tilespmem:s25], [sflag:$0x1] =	stream.indirect.gather [hbm4b:s4+s24], $0x80, s2, s24, $0xb8;
	[tilespmem:$0x1E800] =	vst v63  }
0xac: {  	_ =	swait.ge [sflag:s23], $0x4000  }
.Ltmp4:
0xad: {  	[sflag:s23] =	ssyncset.done $0x0;
	(pc) =	sbr.rel @p1 .LBB2_9-.Ltmp4, $4  }
0xae: {  	s0 =	sadd.s32 $0x15480, s0;
	[sflag:s23] =	ssyncadd.s32 $0xFFFFC000  }
0xaf: {  	[spmem:s1] =	stream.indirect.scatter.add.f32 [tilespmem:s26], [sflag:$0x3], $0x80, s0, s24, $0xb8;
	[tilespmem:$0x1E800] =	vst v63  }
0xb0: {  	_ =	swait.ge [sflag:s21], $0x4000  }
0xb1: {  	s2 =	smov.u32 s10;
	s0 =	sshra.s32 s9, $0x2;
	[sflag:s21] =	ssyncset.done $0x0  }
0xb2: {  	s2 =	sadd.s32 $0x14080, s0;
	[sflag:s21] =	ssyncadd.s32 $0xFFFFC000  }
0xb3: {  	[tilespmem:s26], [sflag:$0x2] =	stream.indirect.gather [hbm4b:s4+s24], $0x80, s2, s24, $0xb8;
	[tilespmem:$0x1E800] =	vst v63  }
0xb4: {  	_ =	swait.ge [sflag:s22], $0x4000  }
0xb5: {  	[sflag:s22] =	ssyncset.done $0x0  }
0xb6: {  	s8 =	sadd.s32 $0x15400, s0;
	[sflag:s22] =	ssyncadd.s32 $0xFFFFC000  }
0xb7: {  	[spmem:s1] =	stream.indirect.scatter.add.f32 [tilespmem:s25], [sflag:$0x3], $0x80, s8, s24, $0xb8;
	[tilespmem:$0x1E800] =	vst v63  }
0xb8: {  	_ =	swait.ge [sflag:s21], $0x4000  }
0xb9: {  	[sflag:s21] =	ssyncset.done $0x0  }
0xba: {  	s9 =	sadd.s32 $0x14100, s0;
	[sflag:s21] =	ssyncadd.s32 $0xFFFFC000  }
0xbb: {  	[tilespmem:s25], [sflag:$0x1] =	stream.indirect.gather [hbm4b:s4+s24], $0x80, s9, s24, $0xb8;
	[tilespmem:$0x1E800] =	vst v63  }
0xbc: {  	_ =	swait.ge [sflag:s23], $0x4000  }
0xbd: {  	[sflag:s23] =	ssyncset.done $0x0  }
0xbe: {  	s10 =	sadd.s32 $0x15480, s0;
	[sflag:s23] =	ssyncadd.s32 $0xFFFFC000  }
0xbf: {  	[spmem:s1] =	stream.indirect.scatter.add.f32 [tilespmem:s26], [sflag:$0x3], $0x80, s10, s24, $0xb8;
	[tilespmem:$0x1E800] =	vst v63  }
0xc0: {  	_ =	swait.ge [sflag:s21], $0x4000  }
0xc1: {  	[sflag:s21] =	ssyncset.done $0x0  }
0xc2: {  	[sflag:s21] =	ssyncadd.s32 $0xFFFFC000  }
0xc3: {  	[tilespmem:s26], [sflag:$0x2] =	stream.indirect.gather [hbm4b:s4+s24], $0x80, s28, s24, $0xb8;
	[tilespmem:$0x1E800] =	vst v63  }
0xc4: {  	_ =	swait.ge [sflag:s22], $0x4000  }
0xc5: {  	[sflag:s22] =	ssyncset.done $0x0  }
0xc6: {  	[sflag:s22] =	ssyncadd.s32 $0xFFFFC000  }
0xc7: {  	[spmem:s1] =	stream.indirect.scatter.add.f32 [tilespmem:s25], [sflag:$0x3], $0x80, s29, s24, $0xb8;
	[tilespmem:$0x1E800] =	vst v63  }
0xc8: {  	_ =	swait.ge [sflag:s21], $0x4000  }
0xc9: {  	[sflag:s21] =	ssyncset.done $0x0  }
0xca: {  	[sflag:s21] =	ssyncadd.s32 $0xFFFFC000  }
0xcb: {  	_ =	swait.ge [sflag:s23], $0x4000  }
0xcc: {  	[sflag:s23] =	ssyncset.done $0x0  }
0xcd: {  	[sflag:s23] =	ssyncadd.s32 $0xFFFFC000  }
0xce: {  	[spmem:s1] =	stream.indirect.scatter.add.f32 [tilespmem:s26], [sflag:$0x3], $0x80, s30, s24, $0xb8;
	[tilespmem:$0x1E800] =	vst v63  }
0xcf: {  	_ =	swait.ge [sflag:s21], $0x4000  }
0xd0: {  	s31 =	sadd.s32 $0x1, s31;
	[sflag:s21] =	ssyncset.done $0x0  }
0xd1: {  	p1 =	sne.s32 s31, s16;
	[sflag:s21] =	ssyncadd.s32 $0xFFFFC000  }
.Ltmp5:
0xd2: {  	[bflag:$0x0] =	sbarrier.arrive $0xFFFF;
	(pc) =	sbr.rel @p1 .LBB2_1-.Ltmp5, $4  }
0xd3: {  	[hbm:s15], [sflag:s19] =	dma.local [spmem:s20], $0x2800  }
0xd4: {  	_ =	swait.ge [sflag:s21], $0x2800  }
0xd5: {  	[sflag:s21] =	ssyncset.done $0x0  }
0xd6: {  	[sflag:s21] =	ssyncadd.s32 $0xFFFFD800  }
0xd7: {  	_ =	sfence.sel $0x180000  }
0xd8: {  	[bflag:$0x0] =	sbarrier.arrive $0xFFFF  }
0xd9: {  	_ =	strace $0x9000004A  }
0xda: {  	s0 =	stileid.u32;
	[bflag:$0x2] =	sbarrier.arrive $0xFFFF  }
0xdb: {  	p0 =	sne.s32 s0, $0x0;
	s0 =	rddreg [dreg:$0x3]  }
0xdc: {  	s0 =	sadd.s32 @!p0 $0x100000, s0  }
0xdd: {  	[sflag:s0] =	ssyncadd.tile.s32 @!p0 $0x1;
	_ =	shalt  }
.Lfunc_end2:
_tile_overlayer_lowered:
.L_overlay_start_2:
0xde: {  	(tag) =	ssettag $0x2  }
0xdf: {  	s0 =	rddreg [dreg:$0x0];
	s2 =	stileid.u32  }
0xe0: {  	s1 =	rddreg [dreg:$0x1];
	p0 =	sne.s32 s2, $0x0  }
0xe1: {  	s3 =	rddreg [dreg:$0x2];
	[bflag:$0x3] =	sbarrier.arrive $0xFFFF;
	s2 =	simm.s32 @!p0 $0x1C03  }
0xe2: {  	[timem:s3], [sflag:s2] =	dma.local @!p0 [hbm:s0], s1  }
0xe3: {  	s0 =	simm.s32 @!p0 $0x3  }
0xe4: {  	_ =	swait.ge @!p0 [sflag:s0], s1  }
0xe5: {  	s1 =	ssub.s32 @!p0 $0x0, s1;
	[sflag:s0] =	ssyncset.done @!p0 $0x0  }
0xe6: {  	[sflag:s0] =	ssyncadd.s32 @!p0 s1  }
0xe7: {  	[bflag:$0x3] =	sbarrier.arrive $0xFFFF  }
0xe8: {  	_ =	shalt  }

// kernel: kernel.14.cloned.1.call-start
scs
__scs_entry_jumppad:
0x0: {  	(pc) =	sbr.rel $0x88, $3  }
0x1: {  	(tag) =	ssettag $0x0;
	lr =	simm.s32 $0x1  }
0x2: {  	[smem:$0x3F9B] =	sst lr;
	_ =	strace $0xD0000000  }
0x3: {  	_ = 	snop  }
0x4: {  	_ = 	snop  }
0x5: {  	_ = 	snop  }
0x6: {  	_ = 	snop  }
0x7: {  	_ = 	snop  }
__scs_overlays_trampoline_lowered:
0x8: {  	[smem:$0x3FAA] =	sst s0  }
0x9: {  	[smem:$0x3FAB] =	sst s1  }
0xa: {  	[smem:$0x3FAC] =	sst s2  }
0xb: {  	[smem:$0x3FAD] =	sst s3  }
0xc: {  	[smem:$0x3FAE] =	sst s4  }
0xd: {  	[smem:$0x3FAF] =	sst s5  }
0xe: {  	[smem:$0x3FB0] =	sst s6  }
0xf: {  	[smem:$0x3FB1] =	sst s7  }
0x10: {  	[smem:$0x3FB2] =	sst s8  }
0x11: {  	[smem:$0x3FB3] =	sst s9;
	s0 =	simm.s32 @!p0 $0x0  }
0x12: {  	s1 =	sld [smem:$0x3F99];
	s0 =	simm.s32 @p0 $0x1  }
0x13: {  	[smem:$0x3FB4] =	sst s0;
	s0 =	simm.s32 @!p1 $0x0  }
0x14: {  	s2 =	sld [smem:$0x3F98];
	s0 =	simm.s32 @p1 $0x1  }
0x15: {  	[smem:$0x3FB5] =	sst s0;
	s0 =	simm.s32 @!p2 $0x0  }
0x16: {  	s3 =	sld [smem:$0x3FDB];
	s0 =	simm.s32 @p2 $0x1  }
0x17: {  	s4 =	simm.s32 $0x1BF5;
	[smem:$0x3FB7] =	sst s0  }
0x18: {  	s0 =	sld [smem:$0x3F9A];
	_ =	swait.ge [sflag:s4], $0x0  }
0x19: {  	s7 =	sld [smem:$0x3F9B]  }
0x1a: {  	s8 =	sadd.s32 $0xFFFFE003, lr  }
0x1b: {  	s9 =	sadd.s32 $0xFFFFFEF7, lr;
	s5 =	simm.s32 $0xFFFFFFFF;
	p2 =	slt.u32 s8, $0xFFFFF086  }
0x1c: {  	p1 =	slt.u32 s9, $0xF7A;
	s5 =	simm.s32 @!p2 $0x0  }
0x1d: {  	s5 =	simm.s32 @p1 $0x1;
	p0 =	seq.s32 s7, s2  }
0x1e: {  	s7 =	smul.u32 @!p0 $0xF7A, s2;
	p2 =	seq.s32 @!p0 s5, $0x0  }
0x1f: {  	s9 =	smul.u32 $0xF7A, s1;
	s8 =	simm.s32 @!p0 $0x1BF5;
	p2 =	por !p2, p0  }
0x20: {  	[sflag:s8] =	ssyncset.s32 @!p0 $0xFFFFF086;
	s6 =	sadd.s32 @!p0 s3, s7;
	s7 =	simm.s32 @!p0 $0x108  }
0x21: {  	s3 =	sadd.s32 s3, s9;
	s6 =	sadd.s32 @!p0 $0x88, s6;
	s7 =	simm.s32 @p2 $0x1082  }
0x22: {  	[simem:s7], [sflag:s8] =	dma.local @!p0 [hbm:s6], $0xF7A  }
0x23: {  	s9 =	sor.u32 $0xD0000000, s2;
	s6 =	simm.s32 $0x108;
	_ =	swait.ge @!p0 [sflag:s8], $0x0  }
0x24: {  	s3 =	sadd.s32 $0x88, s3;
	s6 =	simm.s32 @!p1 $0x1082;
	[sflag:s4] =	ssyncset.s32 $0xFFFFF086  }
0x25: {  	[simem:s6], [sflag:s4] =	dma.local [hbm:s3], $0xF7A  }
0x26: {  	[smem:$0x3F9B] =	sst s1;
	(tag) =	ssettag s2;
	_ =	strace s9  }
0x27: {  	s1 =	sld [smem:$0x3FAB]  }
0x28: {  	s2 =	sld [smem:$0x3FAC]  }
0x29: {  	s4 =	sld [smem:$0x3FAE]  }
0x2a: {  	p0 =	seq.s32 s5, $0x0;
	s5 =	sld [smem:$0x3FAF]  }
0x2b: {  	s6 =	sld [smem:$0x3FB0]  }
0x2c: {  	s7 =	sld [smem:$0x3FB1]  }
0x2d: {  	s3 =	simm.s32 $0x108;
	s8 =	sld [smem:$0x3FB2]  }
0x2e: {  	s3 =	simm.s32 @!p0 $0x1082;
	s9 =	sld [smem:$0x3FB3]  }
0x2f: {  	lr =	sadd.s32 s0, s3;
	s0 =	sld [smem:$0x3FAA]  }
0x30: {  	s3 =	sld [smem:$0x3FAD]  }
0x31: {  	[smem:$0x3FB6] =	sst s10  }
0x32: {  	s10 =	sld [smem:$0x3FB4];
	_ =	sdelay $0x3  }
0x33: {  	p0 =	seq.s32 s10, $0x1;
	s10 =	sld [smem:$0x3FB6];
	_ =	sdelay $0x3  }
0x34: {  	[smem:$0x3FB6] =	sst s10  }
0x35: {  	s10 =	sld [smem:$0x3FB5];
	_ =	sdelay $0x3  }
0x36: {  	p1 =	seq.s32 s10, $0x1;
	s10 =	sld [smem:$0x3FB6];
	_ =	sdelay $0x3  }
0x37: {  	[smem:$0x3FB6] =	sst s10  }
0x38: {  	s10 =	sld [smem:$0x3FB7]  }
0x39: {  	_ = 	snop;
	(pc) =	sbr.ind lr, $3  }
0x3a: {  	_ = 	snop  }
0x3b: {  	_ = 	snop  }
0x3c: {  	p2 =	seq.s32 s10, $0x1;
	s10 =	sld [smem:$0x3FB6]  }
0x3d: {  	_ =	shalt  }
0x3e: {  	_ =	shalt  }
0x3f: {  	_ =	shalt  }
0x40: {  	_ =	shalt  }
0x41: {  	_ =	shalt  }
0x42: {  	_ =	shalt  }
0x43: {  	_ =	shalt  }
0x44: {  	_ =	shalt  }
0x45: {  	_ =	shalt  }
0x46: {  	_ =	shalt  }
0x47: {  	_ =	shalt  }
0x48: {  	_ =	shalt  }
0x49: {  	_ =	shalt  }
0x4a: {  	_ =	shalt  }
0x4b: {  	_ =	shalt  }
0x4c: {  	_ =	shalt  }
0x4d: {  	_ =	shalt  }
0x4e: {  	_ =	shalt  }
0x4f: {  	_ =	shalt  }
0x50: {  	_ =	shalt  }
0x51: {  	_ =	shalt  }
0x52: {  	_ =	shalt  }
0x53: {  	_ =	shalt  }
0x54: {  	_ =	shalt  }
0x55: {  	_ =	shalt  }
0x56: {  	_ =	shalt  }
0x57: {  	_ =	shalt  }
0x58: {  	_ =	shalt  }
0x59: {  	_ =	shalt  }
0x5a: {  	_ =	shalt  }
0x5b: {  	_ =	shalt  }
0x5c: {  	_ =	shalt  }
0x5d: {  	_ =	shalt  }
0x5e: {  	_ =	shalt  }
0x5f: {  	_ =	shalt  }
0x60: {  	_ =	shalt  }
0x61: {  	_ =	shalt  }
0x62: {  	_ =	shalt  }
0x63: {  	_ =	shalt  }
0x64: {  	_ =	shalt  }
0x65: {  	_ =	shalt  }
0x66: {  	_ =	shalt  }
0x67: {  	_ =	shalt  }
0x68: {  	_ =	shalt  }
0x69: {  	_ =	shalt  }
0x6a: {  	_ =	shalt  }
0x6b: {  	_ =	shalt  }
0x6c: {  	_ =	shalt  }
0x6d: {  	_ =	shalt  }
0x6e: {  	_ =	shalt  }
0x6f: {  	_ =	shalt  }
0x70: {  	_ =	shalt  }
0x71: {  	_ =	shalt  }
0x72: {  	_ =	shalt  }
0x73: {  	_ =	shalt  }
0x74: {  	_ =	shalt  }
0x75: {  	_ =	shalt  }
0x76: {  	_ =	shalt  }
0x77: {  	_ =	shalt  }
0x78: {  	_ =	shalt  }
0x79: {  	_ =	shalt  }
0x7a: {  	_ =	shalt  }
0x7b: {  	_ =	shalt  }
0x7c: {  	_ =	shalt  }
0x7d: {  	_ =	shalt  }
0x7e: {  	_ =	shalt  }
0x7f: {  	_ =	shalt  }
0x80: {  	_ =	shalt  }
0x81: {  	_ =	shalt  }
0x82: {  	_ =	shalt  }
0x83: {  	_ =	shalt  }
0x84: {  	_ =	shalt  }
0x85: {  	_ =	shalt  }
0x86: {  	_ =	shalt  }
0x87: {  	_ =	shalt  }
.Lfunc_end0:
.L_simem_size_0:
called_computation.2_lowered:
.L_overlay_start_0:
0x88: {  	s2 =	sld [smem:$0x3FD9]  }
0x89: {  	s3 =	sld [smem:$0x3FFE];
	_ =	sdelay $0x1  }
0x8a: {  	s1 =	srdreg.scid  }
0x8b: {  	s0 =	sand.u32 $0x1, s1  }
0x8c: {  	s17 =	sshll.u32 s0, $0xA;
	s2 =	sadd.s32 s3, s2  }
0x8d: {  	s2 =	sadd.s32 s2, s17  }
0x8e: {  	[smem:$0x3FC2] =	sst s2  }
0x8f: {  	_ = 	snop  }
0x90: {  	s2 =	sld [smem:$0x3FD0];
	(tm) =	ssettm $0x1  }
0x91: {  	s18 =	sld [smem:$0x3FFB];
	_ =	sdelay $0x3  }
0x92: {  	_ =	strace s18  }
0x93: {  	s3 =	sld [smem:$0x3FFC];
	_ =	sdelay $0x3  }
0x94: {  	_ =	strace s3  }
0x95: {  	s3 =	sld [smem:$0x3FFD];
	_ =	sdelay $0x3  }
0x96: {  	_ =	strace s3  }
0x97: {  	_ =	strace $0x8FFFFFFF  }
0x98: {  	s19 =	sld [smem:$0x3FDB];
	_ =	sdelay $0x1  }
0x99: {  	s4 =	simm.s32 $_scs_section_size  }
0x9a: {  	s5 =	simm.s32 $_size__tile_overlayer_lowered;
	s6 =	simm.s32 $_tile_overlayer_lowered  }
0x9b: {  	s22 =	simm.s32 $0x1BFF;
	s21 =	sshll.u32 s6, $0x1;
	s3 =	sadd.s32 s4, s19  }
0x9c: {  	s7 =	simm.s32 $0x0;
	s20 =	sshll.u32 s5, $0x1;
	s5 =	sadd.s32 s21, s3  }
0x9d: {  	[timem:s7], [sflag:s22] =	dma.local [hbm:s5], s20  }
0x9e: {  	_ =	swait.ge [sflag:s22], s20  }
0x9f: {  	s4 =	ssub.s32 $0x0, s20;
	[sflag:s22] =	ssyncset.done $0x0  }
0xa0: {  	[sflag:s22] =	ssyncadd.s32 s4;
	_ =	sdelay $0x1  }
0xa1: {  	s23 =	simm.s32 $0x1B8B  }
0xa2: {  	_ =	swait.ge [sflag:s23], $0x1  }
0xa3: {  	[sflag:s23] =	ssyncset.done $0x0  }
0xa4: {  	s25 =	simm.s32 $0x1B8E;
	s24 =	sld [smem:$0x3FFE];
	[sflag:s23] =	ssyncadd.s32 $0xFFFFFFFF  }
0xa5: {  	s26 =	simm.s32 $execute0_lowered;
	[smem:$0x3FD2] =	sst s25  }
0xa6: {  	s5 =	sshll.u32 s26, $0x1;
	_ =	strace $0x8000004C;
	[dreg:$0x1] =	wrdreg $0xFFFFFFFF  }
0xa7: {  	s28 =	simm.s32 $_size_execute0_lowered;
	s3 =	sadd.s32 s3, s5;
	[dreg:$0x0] =	wrdreg $0x0  }
0xa8: {  	s5 =	sshll.u32 s28, $0x1;
	[dreg:$0x2] =	wrdreg s3  }
0xa9: {  	[dreg:$0x3] =	wrdreg s5  }
0xaa: {  	[dreg:$0x4] =	wrdreg $0xC0  }
0xab: {  	_ =	task [dreg:s7], $0x5FFFF  }
0xac: {  	[dreg:$0x1] =	wrdreg $0xFFFFFFFF  }
0xad: {  	[dreg:$0x0] =	wrdreg $0x60  }
0xae: {  	[dreg:$0x2] =	wrdreg s24  }
0xaf: {  	[dreg:$0x3] =	wrdreg s2  }
0xb0: {  	[dreg:$0x4] =	wrdreg $0x0  }
0xb1: {  	[dreg:$0x5] =	wrdreg $0x9  }
0xb2: {  	_ =	task.clear_ibuf [dreg:s7], $0x6FFFF;
	_ =	strace $0x9000004C  }
0xb3: {  	s29 =	simm.s32 $0x9;
	_ =	strace $0x8000004E  }
0xb4: {  	_ =	swait.ge [sflag:s29], $0x1  }
0xb5: {  	[sflag:s29] =	ssyncadd.s32 $0xFFFFFFFF  }
0xb6: {  	_ =	strace $0x9000004E  }
0xb7: {  	_ =	sfence  }
0xb8: {  	s30 =	sld [smem:$0x0];
	_ =	sdelay $0x2  }
0xb9: {  	s31 =	sshll.u32 s1, $0xD;
	s1 =	sshrl.u32 s1, $0x2  }
0xba: {  	s3 =	sand.u32 $0x4000, s31;
	s1 =	sadd.s32 s1, s30  }
0xbb: {  	s0 =	sor.u32 s3, s0;
	s1 =	sshll.u32 s1, $0x11  }
0xbc: {  	s0 =	sor.u32 s1, s0  }
0xbd: {  	s0 =	sadd.s32 $0x8F2B, s0  }
0xbe: {  	[sflag:s0] =	ssyncadd.remote.s32 $0x1  }
0xbf: {  	_ =	sfence.sel $0xFFFF  }
0xc0: {  	[dreg:$0x0] =	wrdreg $0xFFFFFFFF;
	(pc) =	sbr.abs _section_cstart, $3  }
0xc1: {  	[dreg:$0x1] =	wrdreg $0xFFFFFFFF  }
0xc2: {  	_ =	task.clear_ibuf [dreg:s7], $0x2FFFF;
	_ =	strace $0x9FFFFFFF  }
0xc3: {  	(tm) =	ssettm $0x7FFFFFFF  }
tec
execute0_lowered:
.L_overlay_start_1:
0x0: {  	(tag) =	ssettag $0x1  }
0x1: {  	s0 =	rddreg [dreg:$0x0]  }
0x2: {  	s2 =	rddreg [dreg:$0x1]  }
0x3: {  	s1 =	rddreg [dreg:$0x2];
	s3 =	srdreg.scid  }
0x4: {  	s10 =	stileid.u32;
	s17 =	simm.s32 $0x14000;
	s18 =	simm.s32 $0x15400  }
0x5: {  	s28 =	simm.s32 $0x15380;
	s29 =	simm.s32 $0x16700;
	s6 =	smul.u32 $0x14000, s10  }
0x6: {  	s30 =	simm.s32 $0x16780;
	s31 =	simm.s32 $0x0;
	s9 =	smul.u32 $0x50000, s10  }
0x7: {  	s8 =	sand.u32 $0x1, s3;
	s3 =	simm.s32 $0x0;
	s13 =	smul.u32 $0x2800, s10  }
0x8: {  	s14 =	sadd.s32 $0x2000, s0;
	s26 =	sshll.u32 s10, $0x6;
	s5 =	smul.u32 $0x140000, s8  }
0x9: {  	[smem:$0x7FF] =	sst s3;
	s4 =	sshll.u32 s8, $0x4;
	s20 =	ssub.s32 $0x2, s8  }
0xa: {  	p0 =	sne.s32 s8, $0x0;
	_ =	strace $0x8000004D;
	s7 =	sor.u32 s10, s4  }
0xb: {  	s4 =	sadd.s32 $0xC000, s0;
	s21 =	sshrl.u32 s20, $0x1;
	s22 =	sshrl.u32 s9, $0x2  }
0xc: {  	s5 =	sadd.s32 s6, s5;
	s19 =	smul.u32 $0x2800, s7;
	s16 =	ssub.s32 s20, s21  }
0xd: {  	s7 =	sadd.s32 s22, s1;
	s21 =	simm.s32 $0x3;
	s22 =	simm.s32 $0x1  }
0xe: {  	s5 =	sshrl.u32 s5, $0x3;
	s23 =	sadd.s32 $0x4000, s7;
	s24 =	sadd.s32 $0x8000, s7  }
0xf: {  	s25 =	sadd.s32 $0xC000, s7;
	s11 =	sadd.s32 $0x10000, s7;
	[dreg:$0x4] =	wrdreg s23  }
0x10: {  	s16 =	smax.u32 s16, $0x1;
	s20 =	sshrl.u32 s7, $0x3;
	[dreg:$0x5] =	wrdreg s24  }
0x11: {  	s0 =	sadd.s32 s5, s0;
	s12 =	sshrl.u32 s19, $0x3;
	[dreg:$0x6] =	wrdreg s25  }
0x12: {  	s19 =	sor.u32 $0x1C03, s26;
	s23 =	simm.s32 $0x2;
	s24 =	simm.s32 $0x80  }
0x13: {  	s25 =	simm.s32 $0x16800;
	s26 =	simm.s32 $0x1A800;
	s5 =	sadd.s32 s2, s12  }
0x14: {  	s6 =	sadd.s32 s14, s12;
	s15 =	sadd.s32 $0x280, s12;
	s12 =	sadd.s32 s4, s13  }
0x15: {  	v0 =	vimm.f32 $0.0e+00;
	s13 =	sadd.s32 s2, s15;
	s14 =	sadd.s32 s14, s15;
	s15 =	sadd.s32 $0x34000, s0  }
.LBB2_1:
.Ltmp0:
0x16: {  	(pc) =	sbr.rel @p0 .LBB2_3-.Ltmp0, $4  }
0x17: {  	_ = 	snop  }
0x18: {  	[tilespmem:s17], [sflag:$0x1] =	stream.linear.gather [hbm4b:s5+s3], $0x1400, $0x38;
	[tilespmem:$0x1E800] =	vst v63  }
0x19: {  	_ = 	snop  }
0x1a: {  	[tilespmem:s18], [sflag:$0x2] =	stream.linear.gather [hbm4b:s6+s3], $0x1400, $0x38;
	[tilespmem:$0x1E800] =	vst v63  }
.Ltmp1:
0x1b: {  	(pc) =	sbr.rel .LBB2_6-.Ltmp1, $4  }
0x1c: {  	[spmem:s20], [sflag:s19] =	dma.local [hbm:s12], $0x2800  }
0x1d: {  	_ =	swait.ge [sflag:s21], $0x2800  }
0x1e: {  	[sflag:s21] =	ssyncset.done $0x0  }
0x1f: {  	[sflag:s21] =	ssyncadd.s32 $0xFFFFD800  }
.LBB2_3:
0x20: {  	s0 =	sand.u32 $0xFE00, s3  }
0x21: {  	s2 =	sand.u32 $0x70, s3;
	s8 =	sshrl.u32 s0, $0x2  }
0x22: {  	s0 =	simm.s32 $0x40;
	s8 =	sor.u32 s2, s8;
	s2 =	simm.s32 $0x0  }
.LBB2_4:
0x23: {  	p1 =	sne.s32 s0, $0xFFC0  }
0x24: {  	[tilespmem:s8+$0x16800] =	vst v0;
	s2 =	sadd.s32 $0x10, s2;
	s8 =	smov.u32 s0;
	s0 =	sadd.s32 $0x40, s0  }
.Ltmp2:
0x25: {  	(pc) =	sbr.rel @p1 .LBB2_4-.Ltmp2, $4  }
0x26: {  	_ = 	snop  }
0x27: {  	s8 =	sand.u32 $0xFE00, s8  }
0x28: {  	s9 =	sand.u32 $0x70, s2;
	s8 =	sshrl.u32 s8, $0x2  }
0x29: {  	s8 =	sor.u32 s9, s8  }
0x2a: {  	[tilespmem:s8+$0x16800] =	vst v0  }
0x2b: {  	[spmem:s7] =	stream.linear.scatter [tilespmem:s25], [sflag:$0x3], $0x4000, $0x38;
	[tilespmem:$0x1E800] =	vst v63  }
0x2c: {  	_ =	swait.ge [sflag:s21], $0x4000  }
0x2d: {  	[sflag:s21] =	ssyncset.done $0x0  }
0x2e: {  	s0 =	rddreg [dreg:$0x4];
	[sflag:s21] =	ssyncadd.s32 $0xFFFFC000  }
0x2f: {  	[spmem:s0] =	stream.linear.scatter [tilespmem:s25], [sflag:$0x3], $0x4000, $0x38;
	[tilespmem:$0x1E800] =	vst v63  }
0x30: {  	_ =	swait.ge [sflag:s21], $0x4000  }
0x31: {  	[sflag:s21] =	ssyncset.done $0x0  }
0x32: {  	s9 =	rddreg [dreg:$0x5];
	[sflag:s21] =	ssyncadd.s32 $0xFFFFC000  }
0x33: {  	[spmem:s9] =	stream.linear.scatter [tilespmem:s25], [sflag:$0x3], $0x4000, $0x38;
	[tilespmem:$0x1E800] =	vst v63  }
0x34: {  	_ =	swait.ge [sflag:s21], $0x4000  }
0x35: {  	[sflag:s21] =	ssyncset.done $0x0  }
0x36: {  	s10 =	rddreg [dreg:$0x6];
	[sflag:s21] =	ssyncadd.s32 $0xFFFFC000  }
0x37: {  	[spmem:s10] =	stream.linear.scatter [tilespmem:s25], [sflag:$0x3], $0x4000, $0x38;
	[tilespmem:$0x1E800] =	vst v63  }
0x38: {  	_ =	swait.ge [sflag:s21], $0x4000  }
0x39: {  	[sflag:s21] =	ssyncset.done $0x0  }
0x3a: {  	[sflag:s21] =	ssyncadd.s32 $0xFFFFC000  }
0x3b: {  	[spmem:s11] =	stream.linear.scatter [tilespmem:s25], [sflag:$0x3], $0x4000, $0x38;
	[tilespmem:$0x1E800] =	vst v63  }
0x3c: {  	_ =	swait.ge [sflag:s21], $0x4000  }
0x3d: {  	[sflag:s21] =	ssyncset.done $0x0  }
0x3e: {  	[sflag:s21] =	ssyncadd.s32 $0xFFFFC000  }
.LBB2_6:
0x3f: {  	_ =	swait.ge [sflag:s22], $0x1400  }
0x40: {  	[sflag:s22] =	ssyncset.done $0x0  }
0x41: {  	[sflag:s22] =	ssyncadd.s32 $0xFFFFEC00  }
0x42: {  	_ =	swait.ge [sflag:s23], $0x1400  }
0x43: {  	[sflag:s23] =	ssyncset.done $0x0  }
0x44: {  	[sflag:s23] =	ssyncadd.s32 $0xFFFFEC00  }
0x45: {  	[bflag:$0x0] =	sbarrier.arrive $0xFFFF  }
0x46: {  	[tilespmem:s25], [sflag:$0x1] =	stream.indirect.gather [hbm4b:s4+s24], $0x80, s17, s24, $0xb8;
	[tilespmem:$0x1E800] =	vst v63  }
0x47: {  	s0 =	simm.s32 $0x14080  }
0x48: {  	[tilespmem:s26], [sflag:$0x2] =	stream.indirect.gather [hbm4b:s4+s24], $0x80, s0, s24, $0xb8;
	[tilespmem:$0x1E800] =	vst v63  }
0x49: {  	_ =	swait.ge [sflag:s22], $0x4000  }
0x4a: {  	[sflag:s22] =	ssyncset.done $0x0  }
0x4b: {  	s8 =	simm.s32 $0x15400;
	[sflag:s22] =	ssyncadd.s32 $0xFFFFC000  }
0x4c: {  	[spmem:s1] =	stream.indirect.scatter.add.f32 [tilespmem:s25], [sflag:$0x3], $0x80, s8, s24, $0xb8;
	[tilespmem:$0x1E800] =	vst v63  }
0x4d: {  	_ =	swait.ge [sflag:s21], $0x4000  }
0x4e: {  	[sflag:s21] =	ssyncset.done $0x0  }
0x4f: {  	s9 =	simm.s32 $0x14100;
	[sflag:s21] =	ssyncadd.s32 $0xFFFFC000  }
0x50: {  	[tilespmem:s25], [sflag:$0x1] =	stream.indirect.gather [hbm4b:s4+s24], $0x80, s9, s24, $0xb8;
	[tilespmem:$0x1E800] =	vst v63  }
0x51: {  	_ =	swait.ge [sflag:s23], $0x4000  }
0x52: {  	[sflag:s23] =	ssyncset.done $0x0  }
0x53: {  	s10 =	simm.s32 $0x15480;
	[sflag:s23] =	ssyncadd.s32 $0xFFFFC000  }
0x54: {  	[spmem:s1] =	stream.indirect.scatter.add.f32 [tilespmem:s26], [sflag:$0x3], $0x80, s10, s24, $0xb8;
	[tilespmem:$0x1E800] =	vst v63  }
0x55: {  	_ =	swait.ge [sflag:s21], $0x4000  }
0x56: {  	s2 =	simm.s32 $0x800;
	s0 =	simm.s32 $0x100;
	[sflag:s21] =	ssyncset.done $0x0  }
.LBB2_7:
0x57: {  	s8 =	sadd.s32 $0x14080, s0  }
0x58: {  	[sflag:s21] =	ssyncadd.s32 $0xFFFFC000;
	s9 =	smov.u32 s2;
	s10 =	sadd.s32 $0x400, s2  }
0x59: {  	[tilespmem:s26], [sflag:$0x2] =	stream.indirect.gather [hbm4b:s4+s24], $0x80, s8, s24, $0xb8;
	[tilespmem:$0x1E800] =	vst v63  }
0x5a: {  	p1 =	sne.s32 s2, $0x4800;
	_ =	swait.ge [sflag:s22], $0x4000  }
0x5b: {  	[sflag:s22] =	ssyncset.done $0x0  }
0x5c: {  	s2 =	sadd.s32 $0x15400, s0;
	[sflag:s22] =	ssyncadd.s32 $0xFFFFC000  }
0x5d: {  	[spmem:s1] =	stream.indirect.scatter.add.f32 [tilespmem:s25], [sflag:$0x3], $0x80, s2, s24, $0xb8;
	[tilespmem:$0x1E800] =	vst v63  }
0x5e: {  	_ =	swait.ge [sflag:s21], $0x4000  }
0x5f: {  	[sflag:s21] =	ssyncset.done $0x0  }
0x60: {  	s2 =	sadd.s32 $0x14100, s0;
	[sflag:s21] =	ssyncadd.s32 $0xFFFFC000  }
0x61: {  	[tilespmem:s25], [sflag:$0x1] =	stream.indirect.gather [hbm4b:s4+s24], $0x80, s2, s24, $0xb8;
	[tilespmem:$0x1E800] =	vst v63  }
0x62: {  	_ =	swait.ge [sflag:s23], $0x4000  }
.Ltmp3:
0x63: {  	[sflag:s23] =	ssyncset.done $0x0;
	(pc) =	sbr.rel @p1 .LBB2_7-.Ltmp3, $4  }
0x64: {  	s0 =	sadd.s32 $0x15480, s0;
	[sflag:s23] =	ssyncadd.s32 $0xFFFFC000  }
0x65: {  	[spmem:s1] =	stream.indirect.scatter.add.f32 [tilespmem:s26], [sflag:$0x3], $0x80, s0, s24, $0xb8;
	[tilespmem:$0x1E800] =	vst v63  }
0x66: {  	_ =	swait.ge [sflag:s21], $0x4000  }
0x67: {  	s2 =	smov.u32 s10;
	s0 =	sshra.s32 s9, $0x2;
	[sflag:s21] =	ssyncset.done $0x0  }
0x68: {  	s2 =	sadd.s32 $0x14080, s0;
	[sflag:s21] =	ssyncadd.s32 $0xFFFFC000  }
0x69: {  	[tilespmem:s26], [sflag:$0x2] =	stream.indirect.gather [hbm4b:s4+s24], $0x80, s2, s24, $0xb8;
	[tilespmem:$0x1E800] =	vst v63  }
0x6a: {  	_ =	swait.ge [sflag:s22], $0x4000  }
0x6b: {  	[sflag:s22] =	ssyncset.done $0x0  }
0x6c: {  	s10 =	sadd.s32 $0x15400, s0;
	[sflag:s22] =	ssyncadd.s32 $0xFFFFC000  }
0x6d: {  	[spmem:s1] =	stream.indirect.scatter.add.f32 [tilespmem:s25], [sflag:$0x3], $0x80, s10, s24, $0xb8;
	[tilespmem:$0x1E800] =	vst v63  }
0x6e: {  	_ =	swait.ge [sflag:s21], $0x4000  }
0x6f: {  	[sflag:s21] =	ssyncset.done $0x0  }
0x70: {  	s8 =	sadd.s32 $0x14100, s0;
	[sflag:s21] =	ssyncadd.s32 $0xFFFFC000  }
0x71: {  	[tilespmem:s25], [sflag:$0x1] =	stream.indirect.gather [hbm4b:s4+s24], $0x80, s8, s24, $0xb8;
	[tilespmem:$0x1E800] =	vst v63  }
0x72: {  	_ =	swait.ge [sflag:s23], $0x4000  }
0x73: {  	[sflag:s23] =	ssyncset.done $0x0  }
0x74: {  	s9 =	sadd.s32 $0x15480, s0;
	[sflag:s23] =	ssyncadd.s32 $0xFFFFC000  }
0x75: {  	[spmem:s1] =	stream.indirect.scatter.add.f32 [tilespmem:s26], [sflag:$0x3], $0x80, s9, s24, $0xb8;
	[tilespmem:$0x1E800] =	vst v63  }
0x76: {  	_ =	swait.ge [sflag:s21], $0x4000  }
0x77: {  	[sflag:s21] =	ssyncset.done $0x0  }
0x78: {  	[sflag:s21] =	ssyncadd.s32 $0xFFFFC000  }
0x79: {  	[tilespmem:s26], [sflag:$0x2] =	stream.indirect.gather [hbm4b:s4+s24], $0x80, s28, s24, $0xb8;
	[tilespmem:$0x1E800] =	vst v63  }
0x7a: {  	_ =	swait.ge [sflag:s22], $0x4000  }
0x7b: {  	[sflag:s22] =	ssyncset.done $0x0  }
0x7c: {  	[sflag:s22] =	ssyncadd.s32 $0xFFFFC000  }
0x7d: {  	[spmem:s1] =	stream.indirect.scatter.add.f32 [tilespmem:s25], [sflag:$0x3], $0x80, s29, s24, $0xb8;
	[tilespmem:$0x1E800] =	vst v63  }
0x7e: {  	_ =	swait.ge [sflag:s21], $0x4000  }
0x7f: {  	[sflag:s21] =	ssyncset.done $0x0  }
0x80: {  	[sflag:s21] =	ssyncadd.s32 $0xFFFFC000  }
0x81: {  	_ =	swait.ge [sflag:s23], $0x4000  }
0x82: {  	[sflag:s23] =	ssyncset.done $0x0  }
0x83: {  	[sflag:s23] =	ssyncadd.s32 $0xFFFFC000  }
0x84: {  	[spmem:s1] =	stream.indirect.scatter.add.f32 [tilespmem:s26], [sflag:$0x3], $0x80, s30, s24, $0xb8;
	[tilespmem:$0x1E800] =	vst v63  }
0x85: {  	_ =	swait.ge [sflag:s21], $0x4000  }
0x86: {  	[sflag:s21] =	ssyncset.done $0x0  }
0x87: {  	s10 =	simm.s32 $0x0;
	[sflag:s21] =	ssyncadd.s32 $0xFFFFC000  }
0x88: {  	[tilespmem:s17], [sflag:$0x3] =	stream.linear.gather [hbm4b:s13+s10], $0x1400, $0x38;
	[tilespmem:$0x1E800] =	vst v63  }
0x89: {  	_ =	swait.ge [sflag:s21], $0x1400  }
0x8a: {  	[sflag:s21] =	ssyncset.done $0x0  }
0x8b: {  	[sflag:s21] =	ssyncadd.s32 $0xFFFFEC00  }
0x8c: {  	[tilespmem:s18], [sflag:$0x3] =	stream.linear.gather [hbm4b:s14+s10], $0x1400, $0x38;
	[tilespmem:$0x1E800] =	vst v63  }
0x8d: {  	_ =	swait.ge [sflag:s21], $0x1400  }
0x8e: {  	[sflag:s21] =	ssyncset.done $0x0  }
0x8f: {  	[sflag:s21] =	ssyncadd.s32 $0xFFFFEC00  }
0x90: {  	[tilespmem:s25], [sflag:$0x1] =	stream.indirect.gather [hbm4b:s4+s24], $0x80, s17, s24, $0xb8;
	[tilespmem:$0x1E800] =	vst v63  }
0x91: {  	s2 =	simm.s32 $0x14080  }
0x92: {  	[tilespmem:s26], [sflag:$0x2] =	stream.indirect.gather [hbm4b:s4+s24], $0x80, s2, s24, $0xb8;
	[tilespmem:$0x1E800] =	vst v63  }
0x93: {  	_ =	swait.ge [sflag:s22], $0x4000  }
0x94: {  	[sflag:s22] =	ssyncset.done $0x0  }
0x95: {  	s8 =	simm.s32 $0x15400;
	[sflag:s22] =	ssyncadd.s32 $0xFFFFC000  }
0x96: {  	[spmem:s1] =	stream.indirect.scatter.add.f32 [tilespmem:s25], [sflag:$0x3], $0x80, s8, s24, $0xb8;
	[tilespmem:$0x1E800] =	vst v63  }
0x97: {  	_ =	swait.ge [sflag:s21], $0x4000  }
0x98: {  	[sflag:s21] =	ssyncset.done $0x0  }
0x99: {  	s9 =	simm.s32 $0x14100;
	[sflag:s21] =	ssyncadd.s32 $0xFFFFC000  }
0x9a: {  	[tilespmem:s25], [sflag:$0x1] =	stream.indirect.gather [hbm4b:s4+s24], $0x80, s9, s24, $0xb8;
	[tilespmem:$0x1E800] =	vst v63  }
0x9b: {  	_ =	swait.ge [sflag:s23], $0x4000  }
0x9c: {  	[sflag:s23] =	ssyncset.done $0x0  }
0x9d: {  	s10 =	simm.s32 $0x15480;
	[sflag:s23] =	ssyncadd.s32 $0xFFFFC000  }
0x9e: {  	[spmem:s1] =	stream.indirect.scatter.add.f32 [tilespmem:s26], [sflag:$0x3], $0x80, s10, s24, $0xb8;
	[tilespmem:$0x1E800] =	vst v63  }
0x9f: {  	_ =	swait.ge [sflag:s21], $0x4000  }
0xa0: {  	s0 =	simm.s32 $0x100;
	s2 =	simm.s32 $0x800;
	[sflag:s21] =	ssyncset.done $0x0  }
.LBB2_9:
0xa1: {  	s8 =	sadd.s32 $0x14080, s0  }
0xa2: {  	[sflag:s21] =	ssyncadd.s32 $0xFFFFC000;
	s9 =	smov.u32 s2;
	s10 =	sadd.s32 $0x400, s2  }
0xa3: {  	[tilespmem:s26], [sflag:$0x2] =	stream.indirect.gather [hbm4b:s4+s24], $0x80, s8, s24, $0xb8;
	[tilespmem:$0x1E800] =	vst v63  }
0xa4: {  	p1 =	sne.s32 s2, $0x4800;
	_ =	swait.ge [sflag:s22], $0x4000  }
0xa5: {  	[sflag:s22] =	ssyncset.done $0x0  }
0xa6: {  	s2 =	sadd.s32 $0x15400, s0;
	[sflag:s22] =	ssyncadd.s32 $0xFFFFC000  }
0xa7: {  	[spmem:s1] =	stream.indirect.scatter.add.f32 [tilespmem:s25], [sflag:$0x3], $0x80, s2, s24, $0xb8;
	[tilespmem:$0x1E800] =	vst v63  }
0xa8: {  	_ =	swait.ge [sflag:s21], $0x4000  }
0xa9: {  	[sflag:s21] =	ssyncset.done $0x0  }
0xaa: {  	s2 =	sadd.s32 $0x14100, s0;
	[sflag:s21] =	ssyncadd.s32 $0xFFFFC000  }
0xab: {  	[tilespmem:s25], [sflag:$0x1] =	stream.indirect.gather [hbm4b:s4+s24], $0x80, s2, s24, $0xb8;
	[tilespmem:$0x1E800] =	vst v63  }
0xac: {  	_ =	swait.ge [sflag:s23], $0x4000  }
.Ltmp4:
0xad: {  	[sflag:s23] =	ssyncset.done $0x0;
	(pc) =	sbr.rel @p1 .LBB2_9-.Ltmp4, $4  }
0xae: {  	s0 =	sadd.s32 $0x15480, s0;
	[sflag:s23] =	ssyncadd.s32 $0xFFFFC000  }
0xaf: {  	[spmem:s1] =	stream.indirect.scatter.add.f32 [tilespmem:s26], [sflag:$0x3], $0x80, s0, s24, $0xb8;
	[tilespmem:$0x1E800] =	vst v63  }
0xb0: {  	_ =	swait.ge [sflag:s21], $0x4000  }
0xb1: {  	s2 =	smov.u32 s10;
	s0 =	sshra.s32 s9, $0x2;
	[sflag:s21] =	ssyncset.done $0x0  }
0xb2: {  	s2 =	sadd.s32 $0x14080, s0;
	[sflag:s21] =	ssyncadd.s32 $0xFFFFC000  }
0xb3: {  	[tilespmem:s26], [sflag:$0x2] =	stream.indirect.gather [hbm4b:s4+s24], $0x80, s2, s24, $0xb8;
	[tilespmem:$0x1E800] =	vst v63  }
0xb4: {  	_ =	swait.ge [sflag:s22], $0x4000  }
0xb5: {  	[sflag:s22] =	ssyncset.done $0x0  }
0xb6: {  	s8 =	sadd.s32 $0x15400, s0;
	[sflag:s22] =	ssyncadd.s32 $0xFFFFC000  }
0xb7: {  	[spmem:s1] =	stream.indirect.scatter.add.f32 [tilespmem:s25], [sflag:$0x3], $0x80, s8, s24, $0xb8;
	[tilespmem:$0x1E800] =	vst v63  }
0xb8: {  	_ =	swait.ge [sflag:s21], $0x4000  }
0xb9: {  	[sflag:s21] =	ssyncset.done $0x0  }
0xba: {  	s9 =	sadd.s32 $0x14100, s0;
	[sflag:s21] =	ssyncadd.s32 $0xFFFFC000  }
0xbb: {  	[tilespmem:s25], [sflag:$0x1] =	stream.indirect.gather [hbm4b:s4+s24], $0x80, s9, s24, $0xb8;
	[tilespmem:$0x1E800] =	vst v63  }
0xbc: {  	_ =	swait.ge [sflag:s23], $0x4000  }
0xbd: {  	[sflag:s23] =	ssyncset.done $0x0  }
0xbe: {  	s10 =	sadd.s32 $0x15480, s0;
	[sflag:s23] =	ssyncadd.s32 $0xFFFFC000  }
0xbf: {  	[spmem:s1] =	stream.indirect.scatter.add.f32 [tilespmem:s26], [sflag:$0x3], $0x80, s10, s24, $0xb8;
	[tilespmem:$0x1E800] =	vst v63  }
0xc0: {  	_ =	swait.ge [sflag:s21], $0x4000  }
0xc1: {  	[sflag:s21] =	ssyncset.done $0x0  }
0xc2: {  	[sflag:s21] =	ssyncadd.s32 $0xFFFFC000  }
0xc3: {  	[tilespmem:s26], [sflag:$0x2] =	stream.indirect.gather [hbm4b:s4+s24], $0x80, s28, s24, $0xb8;
	[tilespmem:$0x1E800] =	vst v63  }
0xc4: {  	_ =	swait.ge [sflag:s22], $0x4000  }
0xc5: {  	[sflag:s22] =	ssyncset.done $0x0  }
0xc6: {  	[sflag:s22] =	ssyncadd.s32 $0xFFFFC000  }
0xc7: {  	[spmem:s1] =	stream.indirect.scatter.add.f32 [tilespmem:s25], [sflag:$0x3], $0x80, s29, s24, $0xb8;
	[tilespmem:$0x1E800] =	vst v63  }
0xc8: {  	_ =	swait.ge [sflag:s21], $0x4000  }
0xc9: {  	[sflag:s21] =	ssyncset.done $0x0  }
0xca: {  	[sflag:s21] =	ssyncadd.s32 $0xFFFFC000  }
0xcb: {  	_ =	swait.ge [sflag:s23], $0x4000  }
0xcc: {  	[sflag:s23] =	ssyncset.done $0x0  }
0xcd: {  	[sflag:s23] =	ssyncadd.s32 $0xFFFFC000  }
0xce: {  	[spmem:s1] =	stream.indirect.scatter.add.f32 [tilespmem:s26], [sflag:$0x3], $0x80, s30, s24, $0xb8;
	[tilespmem:$0x1E800] =	vst v63  }
0xcf: {  	_ =	swait.ge [sflag:s21], $0x4000  }
0xd0: {  	s31 =	sadd.s32 $0x1, s31;
	[sflag:s21] =	ssyncset.done $0x0  }
0xd1: {  	p1 =	sne.s32 s31, s16;
	[sflag:s21] =	ssyncadd.s32 $0xFFFFC000  }
.Ltmp5:
0xd2: {  	[bflag:$0x0] =	sbarrier.arrive $0xFFFF;
	(pc) =	sbr.rel @p1 .LBB2_1-.Ltmp5, $4  }
0xd3: {  	[hbm:s15], [sflag:s19] =	dma.local [spmem:s20], $0x2800  }
0xd4: {  	_ =	swait.ge [sflag:s21], $0x2800  }
0xd5: {  	[sflag:s21] =	ssyncset.done $0x0  }
0xd6: {  	[sflag:s21] =	ssyncadd.s32 $0xFFFFD800  }
0xd7: {  	_ =	sfence.sel $0x180000  }
0xd8: {  	[bflag:$0x0] =	sbarrier.arrive $0xFFFF  }
0xd9: {  	_ =	strace $0x9000004D  }
0xda: {  	s0 =	stileid.u32;
	[bflag:$0x2] =	sbarrier.arrive $0xFFFF  }
0xdb: {  	p0 =	sne.s32 s0, $0x0;
	s0 =	rddreg [dreg:$0x3]  }
0xdc: {  	s0 =	sadd.s32 @!p0 $0x100000, s0  }
0xdd: {  	[sflag:s0] =	ssyncadd.tile.s32 @!p0 $0x1;
	_ =	shalt  }
.Lfunc_end2:
_tile_overlayer_lowered:
.L_overlay_start_2:
0xde: {  	(tag) =	ssettag $0x2  }
0xdf: {  	s0 =	rddreg [dreg:$0x0];
	s2 =	stileid.u32  }
0xe0: {  	s1 =	rddreg [dreg:$0x1];
	p0 =	sne.s32 s2, $0x0  }
0xe1: {  	s3 =	rddreg [dreg:$0x2];
	[bflag:$0x3] =	sbarrier.arrive $0xFFFF;
	s2 =	simm.s32 @!p0 $0x1C03  }
0xe2: {  	[timem:s3], [sflag:s2] =	dma.local @!p0 [hbm:s0], s1  }
0xe3: {  	s0 =	simm.s32 @!p0 $0x3  }
0xe4: {  	_ =	swait.ge @!p0 [sflag:s0], s1  }
0xe5: {  	s1 =	ssub.s32 @!p0 $0x0, s1;
	[sflag:s0] =	ssyncset.done @!p0 $0x0  }
0xe6: {  	[sflag:s0] =	ssyncadd.s32 @!p0 s1  }
0xe7: {  	[bflag:$0x3] =	sbarrier.arrive $0xFFFF  }
0xe8: {  	_ =	shalt  }

// kernel: kernel.8.cloned.1.call-start
scs
__scs_entry_jumppad:
0x0: {  	(pc) =	sbr.rel $0x88, $3  }
0x1: {  	(tag) =	ssettag $0x0;
	lr =	simm.s32 $0x1  }
0x2: {  	[smem:$0x3F9B] =	sst lr;
	_ =	strace $0xD0000000  }
0x3: {  	_ = 	snop  }
0x4: {  	_ = 	snop  }
0x5: {  	_ = 	snop  }
0x6: {  	_ = 	snop  }
0x7: {  	_ = 	snop  }
__scs_overlays_trampoline_lowered:
0x8: {  	[smem:$0x3FAA] =	sst s0  }
0x9: {  	[smem:$0x3FAB] =	sst s1  }
0xa: {  	[smem:$0x3FAC] =	sst s2  }
0xb: {  	[smem:$0x3FAD] =	sst s3  }
0xc: {  	[smem:$0x3FAE] =	sst s4  }
0xd: {  	[smem:$0x3FAF] =	sst s5  }
0xe: {  	[smem:$0x3FB0] =	sst s6  }
0xf: {  	[smem:$0x3FB1] =	sst s7  }
0x10: {  	[smem:$0x3FB2] =	sst s8  }
0x11: {  	[smem:$0x3FB3] =	sst s9;
	s0 =	simm.s32 @!p0 $0x0  }
0x12: {  	s1 =	sld [smem:$0x3F99];
	s0 =	simm.s32 @p0 $0x1  }
0x13: {  	[smem:$0x3FB4] =	sst s0;
	s0 =	simm.s32 @!p1 $0x0  }
0x14: {  	s2 =	sld [smem:$0x3F98];
	s0 =	simm.s32 @p1 $0x1  }
0x15: {  	[smem:$0x3FB5] =	sst s0;
	s0 =	simm.s32 @!p2 $0x0  }
0x16: {  	s3 =	sld [smem:$0x3FDB];
	s0 =	simm.s32 @p2 $0x1  }
0x17: {  	s4 =	simm.s32 $0x1BF5;
	[smem:$0x3FB7] =	sst s0  }
0x18: {  	s0 =	sld [smem:$0x3F9A];
	_ =	swait.ge [sflag:s4], $0x0  }
0x19: {  	s7 =	sld [smem:$0x3F9B]  }
0x1a: {  	s8 =	sadd.s32 $0xFFFFE003, lr  }
0x1b: {  	s9 =	sadd.s32 $0xFFFFFEF7, lr;
	s5 =	simm.s32 $0xFFFFFFFF;
	p2 =	slt.u32 s8, $0xFFFFF086  }
0x1c: {  	p1 =	slt.u32 s9, $0xF7A;
	s5 =	simm.s32 @!p2 $0x0  }
0x1d: {  	s5 =	simm.s32 @p1 $0x1;
	p0 =	seq.s32 s7, s2  }
0x1e: {  	s7 =	smul.u32 @!p0 $0xF7A, s2;
	p2 =	seq.s32 @!p0 s5, $0x0  }
0x1f: {  	s9 =	smul.u32 $0xF7A, s1;
	s8 =	simm.s32 @!p0 $0x1BF5;
	p2 =	por !p2, p0  }
0x20: {  	[sflag:s8] =	ssyncset.s32 @!p0 $0xFFFFF086;
	s6 =	sadd.s32 @!p0 s3, s7;
	s7 =	simm.s32 @!p0 $0x108  }
0x21: {  	s3 =	sadd.s32 s3, s9;
	s6 =	sadd.s32 @!p0 $0x88, s6;
	s7 =	simm.s32 @p2 $0x1082  }
0x22: {  	[simem:s7], [sflag:s8] =	dma.local @!p0 [hbm:s6], $0xF7A  }
0x23: {  	s9 =	sor.u32 $0xD0000000, s2;
	s6 =	simm.s32 $0x108;
	_ =	swait.ge @!p0 [sflag:s8], $0x0  }
0x24: {  	s3 =	sadd.s32 $0x88, s3;
	s6 =	simm.s32 @!p1 $0x1082;
	[sflag:s4] =	ssyncset.s32 $0xFFFFF086  }
0x25: {  	[simem:s6], [sflag:s4] =	dma.local [hbm:s3], $0xF7A  }
0x26: {  	[smem:$0x3F9B] =	sst s1;
	(tag) =	ssettag s2;
	_ =	strace s9  }
0x27: {  	s1 =	sld [smem:$0x3FAB]  }
0x28: {  	s2 =	sld [smem:$0x3FAC]  }
0x29: {  	s4 =	sld [smem:$0x3FAE]  }
0x2a: {  	p0 =	seq.s32 s5, $0x0;
	s5 =	sld [smem:$0x3FAF]  }
0x2b: {  	s6 =	sld [smem:$0x3FB0]  }
0x2c: {  	s7 =	sld [smem:$0x3FB1]  }
0x2d: {  	s3 =	simm.s32 $0x108;
	s8 =	sld [smem:$0x3FB2]  }
0x2e: {  	s3 =	simm.s32 @!p0 $0x1082;
	s9 =	sld [smem:$0x3FB3]  }
0x2f: {  	lr =	sadd.s32 s0, s3;
	s0 =	sld [smem:$0x3FAA]  }
0x30: {  	s3 =	sld [smem:$0x3FAD]  }
0x31: {  	[smem:$0x3FB6] =	sst s10  }
0x32: {  	s10 =	sld [smem:$0x3FB4];
	_ =	sdelay $0x3  }
0x33: {  	p0 =	seq.s32 s10, $0x1;
	s10 =	sld [smem:$0x3FB6];
	_ =	sdelay $0x3  }
0x34: {  	[smem:$0x3FB6] =	sst s10  }
0x35: {  	s10 =	sld [smem:$0x3FB5];
	_ =	sdelay $0x3  }
0x36: {  	p1 =	seq.s32 s10, $0x1;
	s10 =	sld [smem:$0x3FB6];
	_ =	sdelay $0x3  }
0x37: {  	[smem:$0x3FB6] =	sst s10  }
0x38: {  	s10 =	sld [smem:$0x3FB7]  }
0x39: {  	_ = 	snop;
	(pc) =	sbr.ind lr, $3  }
0x3a: {  	_ = 	snop  }
0x3b: {  	_ = 	snop  }
0x3c: {  	p2 =	seq.s32 s10, $0x1;
	s10 =	sld [smem:$0x3FB6]  }
0x3d: {  	_ =	shalt  }
0x3e: {  	_ =	shalt  }
0x3f: {  	_ =	shalt  }
0x40: {  	_ =	shalt  }
0x41: {  	_ =	shalt  }
0x42: {  	_ =	shalt  }
0x43: {  	_ =	shalt  }
0x44: {  	_ =	shalt  }
0x45: {  	_ =	shalt  }
0x46: {  	_ =	shalt  }
0x47: {  	_ =	shalt  }
0x48: {  	_ =	shalt  }
0x49: {  	_ =	shalt  }
0x4a: {  	_ =	shalt  }
0x4b: {  	_ =	shalt  }
0x4c: {  	_ =	shalt  }
0x4d: {  	_ =	shalt  }
0x4e: {  	_ =	shalt  }
0x4f: {  	_ =	shalt  }
0x50: {  	_ =	shalt  }
0x51: {  	_ =	shalt  }
0x52: {  	_ =	shalt  }
0x53: {  	_ =	shalt  }
0x54: {  	_ =	shalt  }
0x55: {  	_ =	shalt  }
0x56: {  	_ =	shalt  }
0x57: {  	_ =	shalt  }
0x58: {  	_ =	shalt  }
0x59: {  	_ =	shalt  }
0x5a: {  	_ =	shalt  }
0x5b: {  	_ =	shalt  }
0x5c: {  	_ =	shalt  }
0x5d: {  	_ =	shalt  }
0x5e: {  	_ =	shalt  }
0x5f: {  	_ =	shalt  }
0x60: {  	_ =	shalt  }
0x61: {  	_ =	shalt  }
0x62: {  	_ =	shalt  }
0x63: {  	_ =	shalt  }
0x64: {  	_ =	shalt  }
0x65: {  	_ =	shalt  }
0x66: {  	_ =	shalt  }
0x67: {  	_ =	shalt  }
0x68: {  	_ =	shalt  }
0x69: {  	_ =	shalt  }
0x6a: {  	_ =	shalt  }
0x6b: {  	_ =	shalt  }
0x6c: {  	_ =	shalt  }
0x6d: {  	_ =	shalt  }
0x6e: {  	_ =	shalt  }
0x6f: {  	_ =	shalt  }
0x70: {  	_ =	shalt  }
0x71: {  	_ =	shalt  }
0x72: {  	_ =	shalt  }
0x73: {  	_ =	shalt  }
0x74: {  	_ =	shalt  }
0x75: {  	_ =	shalt  }
0x76: {  	_ =	shalt  }
0x77: {  	_ =	shalt  }
0x78: {  	_ =	shalt  }
0x79: {  	_ =	shalt  }
0x7a: {  	_ =	shalt  }
0x7b: {  	_ =	shalt  }
0x7c: {  	_ =	shalt  }
0x7d: {  	_ =	shalt  }
0x7e: {  	_ =	shalt  }
0x7f: {  	_ =	shalt  }
0x80: {  	_ =	shalt  }
0x81: {  	_ =	shalt  }
0x82: {  	_ =	shalt  }
0x83: {  	_ =	shalt  }
0x84: {  	_ =	shalt  }
0x85: {  	_ =	shalt  }
0x86: {  	_ =	shalt  }
0x87: {  	_ =	shalt  }
.Lfunc_end0:
.L_simem_size_0:
called_computation_lowered:
.L_overlay_start_0:
0x88: {  	s2 =	sld [smem:$0x3FD9]  }
0x89: {  	s3 =	sld [smem:$0x3FFE];
	_ =	sdelay $0x1  }
0x8a: {  	s1 =	srdreg.scid  }
0x8b: {  	s0 =	sand.u32 $0x1, s1  }
0x8c: {  	s16 =	sshll.u32 s0, $0xA;
	s2 =	sadd.s32 s3, s2  }
0x8d: {  	s2 =	sadd.s32 s2, s16  }
0x8e: {  	[smem:$0x3FC2] =	sst s2  }
0x8f: {  	_ = 	snop  }
0x90: {  	(tm) =	ssettm $0x1  }
0x91: {  	s17 =	sld [smem:$0x3FFB];
	_ =	sdelay $0x3  }
0x92: {  	_ =	strace s17  }
0x93: {  	s2 =	sld [smem:$0x3FFC];
	_ =	sdelay $0x3  }
0x94: {  	_ =	strace s2  }
0x95: {  	s2 =	sld [smem:$0x3FFD];
	_ =	sdelay $0x3  }
0x96: {  	_ =	strace s2  }
0x97: {  	_ =	strace $0x8FFFFFFF  }
0x98: {  	s18 =	sld [smem:$0x3FDB];
	_ =	sdelay $0x1  }
0x99: {  	s19 =	simm.s32 $_scs_section_size  }
0x9a: {  	s4 =	simm.s32 $_size__tile_overlayer_lowered;
	s5 =	simm.s32 $_tile_overlayer_lowered  }
0x9b: {  	s22 =	simm.s32 $0x1BFF;
	s21 =	sshll.u32 s5, $0x1;
	s2 =	sadd.s32 s19, s18  }
0x9c: {  	s6 =	simm.s32 $0x0;
	s20 =	sshll.u32 s4, $0x1;
	s4 =	sadd.s32 s21, s2  }
0x9d: {  	[timem:s6], [sflag:s22] =	dma.local [hbm:s4], s20  }
0x9e: {  	_ =	swait.ge [sflag:s22], s20  }
0x9f: {  	s3 =	ssub.s32 $0x0, s20;
	[sflag:s22] =	ssyncset.done $0x0  }
0xa0: {  	[sflag:s22] =	ssyncadd.s32 s3;
	_ =	sdelay $0x1  }
0xa1: {  	s23 =	simm.s32 $0x1B8B  }
0xa2: {  	_ =	swait.ge [sflag:s23], $0x1  }
0xa3: {  	[sflag:s23] =	ssyncset.done $0x0  }
0xa4: {  	s25 =	simm.s32 $0x1B8E;
	s24 =	sld [smem:$0x3FFE];
	[sflag:s23] =	ssyncadd.s32 $0xFFFFFFFF  }
0xa5: {  	s26 =	simm.s32 $execute0_lowered;
	[smem:$0x3FD2] =	sst s25  }
0xa6: {  	s4 =	sshll.u32 s26, $0x1;
	_ =	strace $0x80000046;
	[dreg:$0x1] =	wrdreg $0xFFFFFFFF  }
0xa7: {  	s28 =	simm.s32 $_size_execute0_lowered;
	s2 =	sadd.s32 s2, s4;
	[dreg:$0x0] =	wrdreg $0x0  }
0xa8: {  	s4 =	sshll.u32 s28, $0x1;
	[dreg:$0x2] =	wrdreg s2  }
0xa9: {  	[dreg:$0x3] =	wrdreg s4  }
0xaa: {  	[dreg:$0x4] =	wrdreg $0xC0  }
0xab: {  	_ =	task [dreg:s6], $0x5FFFF  }
0xac: {  	[dreg:$0x1] =	wrdreg $0xFFFFFFFF  }
0xad: {  	[dreg:$0x0] =	wrdreg $0x60  }
0xae: {  	[dreg:$0x2] =	wrdreg s24  }
0xaf: {  	[dreg:$0x3] =	wrdreg $0x0  }
0xb0: {  	[dreg:$0x4] =	wrdreg $0x9  }
0xb1: {  	_ =	task.clear_ibuf [dreg:s6], $0x5FFFF;
	_ =	strace $0x90000046  }
0xb2: {  	s29 =	simm.s32 $0x9;
	_ =	strace $0x80000048  }
0xb3: {  	_ =	swait.ge [sflag:s29], $0x1  }
0xb4: {  	[sflag:s29] =	ssyncadd.s32 $0xFFFFFFFF  }
0xb5: {  	_ =	strace $0x90000048  }
0xb6: {  	_ =	sfence  }
0xb7: {  	s30 =	sld [smem:$0x0];
	_ =	sdelay $0x2  }
0xb8: {  	s31 =	sshll.u32 s1, $0xD;
	s1 =	sshrl.u32 s1, $0x2  }
0xb9: {  	s3 =	sand.u32 $0x4000, s31;
	s1 =	sadd.s32 s1, s30  }
0xba: {  	s0 =	sor.u32 s3, s0;
	s1 =	sshll.u32 s1, $0x11  }
0xbb: {  	s0 =	sor.u32 s1, s0  }
0xbc: {  	s0 =	sadd.s32 $0x8F2B, s0  }
0xbd: {  	[sflag:s0] =	ssyncadd.remote.s32 $0x1  }
0xbe: {  	_ =	sfence.sel $0xFFFF  }
0xbf: {  	[dreg:$0x0] =	wrdreg $0xFFFFFFFF;
	(pc) =	sbr.abs _section_cstart, $3  }
0xc0: {  	[dreg:$0x1] =	wrdreg $0xFFFFFFFF  }
0xc1: {  	_ =	task.clear_ibuf [dreg:s6], $0x2FFFF;
	_ =	strace $0x9FFFFFFF  }
0xc2: {  	(tm) =	ssettm $0x7FFFFFFF  }
0xc3: {  	_ =	shalt  }
tec
execute0_lowered:
.L_overlay_start_1:
0x0: {  	(tag) =	ssettag $0x1  }
0x1: {  	s7 =	rddreg [dreg:$0x0]  }
0x2: {  	s0 =	srdreg.scid;
	s2 =	rddreg [dreg:$0x1];
	s3 =	simm.s32 $0x0  }
0x3: {  	s13 =	simm.s32 $0x280;
	s14 =	simm.s32 $0x80;
	s15 =	simm.s32 $0x1  }
0x4: {  	s16 =	simm.s32 $0x20;
	s17 =	simm.s32 $0x10;
	s18 =	simm.s32 $0x0  }
0x5: {  	s6 =	sand.u32 $0x1, s0;
	s0 =	stileid.u32;
	[smem:$0x7FF] =	sst s3  }
0x6: {  	s1 =	sshll.u32 s6, $0x4;
	s5 =	smul.u32 $0x500, s0;
	s8 =	sshll.u32 s6, $0x7  }
0x7: {  	s10 =	smul.u32 $0xA00, s0;
	s6 =	ssub.s32 $0x2, s6;
	s1 =	sor.u32 s0, s1  }
0x8: {  	s11 =	sshll.u32 s0, $0x6;
	s31 =	sshrl.u32 s6, $0x1;
	s4 =	smul.u32 $0x500, s1  }
0x9: {  	s1 =	rddreg [dreg:$0x2];
	_ =	strace $0x80000047;
	s5 =	sor.u32 s8, s5  }
0xa: {  	s10 =	sshrl.u32 s10, $0x2;
	s12 =	ssub.s32 s6, s31;
	s6 =	sor.u32 $0x1C02, s11  }
0xb: {  	s11 =	simm.s32 $0x2;
	s8 =	sshrl.u32 s5, $0x3;
	s5 =	sadd.s32 $0xC000, s7  }
0xc: {  	s10 =	sadd.s32 s10, s2;
	s9 =	sadd.s32 s4, s7;
	s4 =	sadd.s32 $0xC200, s7  }
0xd: {  	s8 =	sadd.s32 s8, s7;
	s10 =	sshrl.u32 s10, $0x3;
	s7 =	sadd.s32 $0x2000, s9  }
0xe: {  	s8 =	sadd.s32 $0xC400, s8;
	s9 =	smax.u32 s12, $0x1;
	s12 =	simm.s32 $0x2A80  }
.LBB2_1:
0xf: {  	[spmem:s10], [sflag:s6] =	dma.local [hbm:s4], $0x50  }
0x10: {  	_ =	swait.ge [sflag:s11], $0x50  }
0x11: {  	[sflag:s11] =	ssyncset.done $0x0  }
0x12: {  	[sflag:s11] =	ssyncadd.s32 $0xFFFFFFB0  }
0x13: {  	[tilespmem:s12], [sflag:$0x2] =	stream.linear.gather [hbm4b:s5+s3], $0x80, $0x38;
	[tilespmem:$0x2B00] =	vst v63  }
0x14: {  	_ =	swait.ge [sflag:s11], $0x80  }
0x15: {  	[sflag:s11] =	ssyncset.done $0x0  }
0x16: {  	[sflag:s11] =	ssyncadd.s32 $0xFFFFFF80  }
0x17: {  	[tilespmem:s13], [sflag:$0x2] =	stream.linear.gather [hbm4b:s7+s3], $0x2800, $0x38;
	[tilespmem:$0x2B00] =	vst v63  }
0x18: {  	_ =	swait.ge [sflag:s11], $0x2800  }
0x19: {  	[sflag:s11] =	ssyncset.done $0x0  }
0x1a: {  	[sflag:s11] =	ssyncadd.s32 $0xFFFFD800  }
0x1b: {  	s19 =	simm.s32 $0x280;
	[bflag:$0x0] =	sbarrier.arrive $0xFFFF  }
0x1c: {  	[spmem:s2] =	stream.indirect.scatter.add.f32 [tilespmem:s12], [sflag:$0x1], $0x1, s19, s14, $0xb8;
	[tilespmem:$0x2B00] =	vst v63  }
0x1d: {  	s23 =	simm.s32 $0x300  }
0x1e: {  	[spmem:s2] =	stream.indirect.scatter.add.f32 [tilespmem:s12], [sflag:$0x1], $0x1, s23, s14, $0xb8;
	[tilespmem:$0x2B00] =	vst v63  }
0x1f: {  	s24 =	simm.s32 $0x380  }
0x20: {  	[spmem:s2] =	stream.indirect.scatter.add.f32 [tilespmem:s12], [sflag:$0x1], $0x1, s24, s14, $0xb8;
	[tilespmem:$0x2B00] =	vst v63  }
0x21: {  	s25 =	simm.s32 $0x400  }
0x22: {  	[spmem:s2] =	stream.indirect.scatter.add.f32 [tilespmem:s12], [sflag:$0x1], $0x1, s25, s14, $0xb8;
	[tilespmem:$0x2B00] =	vst v63  }
0x23: {  	s26 =	simm.s32 $0x480  }
0x24: {  	[spmem:s2] =	stream.indirect.scatter.add.f32 [tilespmem:s12], [sflag:$0x1], $0x1, s26, s14, $0xb8;
	[tilespmem:$0x2B00] =	vst v63  }
0x25: {  	s28 =	simm.s32 $0x500  }
0x26: {  	[spmem:s2] =	stream.indirect.scatter.add.f32 [tilespmem:s12], [sflag:$0x1], $0x1, s28, s14, $0xb8;
	[tilespmem:$0x2B00] =	vst v63  }
0x27: {  	s29 =	simm.s32 $0x580  }
0x28: {  	[spmem:s2] =	stream.indirect.scatter.add.f32 [tilespmem:s12], [sflag:$0x1], $0x1, s29, s14, $0xb8;
	[tilespmem:$0x2B00] =	vst v63  }
0x29: {  	s30 =	simm.s32 $0x600  }
0x2a: {  	[spmem:s2] =	stream.indirect.scatter.add.f32 [tilespmem:s12], [sflag:$0x1], $0x1, s30, s14, $0xb8;
	[tilespmem:$0x2B00] =	vst v63  }
0x2b: {  	s31 =	simm.s32 $0x680  }
0x2c: {  	[spmem:s2] =	stream.indirect.scatter.add.f32 [tilespmem:s12], [sflag:$0x1], $0x1, s31, s14, $0xb8;
	[tilespmem:$0x2B00] =	vst v63  }
0x2d: {  	s20 =	simm.s32 $0x700  }
0x2e: {  	[spmem:s2] =	stream.indirect.scatter.add.f32 [tilespmem:s12], [sflag:$0x1], $0x1, s20, s14, $0xb8;
	[tilespmem:$0x2B00] =	vst v63  }
0x2f: {  	s21 =	simm.s32 $0x780  }
0x30: {  	[spmem:s2] =	stream.indirect.scatter.add.f32 [tilespmem:s12], [sflag:$0x1], $0x1, s21, s14, $0xb8;
	[tilespmem:$0x2B00] =	vst v63  }
0x31: {  	s22 =	simm.s32 $0x800  }
0x32: {  	[spmem:s2] =	stream.indirect.scatter.add.f32 [tilespmem:s12], [sflag:$0x1], $0x1, s22, s14, $0xb8;
	[tilespmem:$0x2B00] =	vst v63  }
0x33: {  	s23 =	simm.s32 $0x880  }
0x34: {  	[spmem:s2] =	stream.indirect.scatter.add.f32 [tilespmem:s12], [sflag:$0x1], $0x1, s23, s14, $0xb8;
	[tilespmem:$0x2B00] =	vst v63  }
0x35: {  	s24 =	simm.s32 $0x900  }
0x36: {  	[spmem:s2] =	stream.indirect.scatter.add.f32 [tilespmem:s12], [sflag:$0x1], $0x1, s24, s14, $0xb8;
	[tilespmem:$0x2B00] =	vst v63  }
0x37: {  	s25 =	simm.s32 $0x980  }
0x38: {  	[spmem:s2] =	stream.indirect.scatter.add.f32 [tilespmem:s12], [sflag:$0x1], $0x1, s25, s14, $0xb8;
	[tilespmem:$0x2B00] =	vst v63  }
0x39: {  	s26 =	simm.s32 $0xA00  }
0x3a: {  	[spmem:s2] =	stream.indirect.scatter.add.f32 [tilespmem:s12], [sflag:$0x1], $0x1, s26, s14, $0xb8;
	[tilespmem:$0x2B00] =	vst v63  }
0x3b: {  	s28 =	simm.s32 $0xA80  }
0x3c: {  	[spmem:s2] =	stream.indirect.scatter.add.f32 [tilespmem:s12], [sflag:$0x1], $0x1, s28, s14, $0xb8;
	[tilespmem:$0x2B00] =	vst v63  }
0x3d: {  	s29 =	simm.s32 $0xB00  }
0x3e: {  	[spmem:s2] =	stream.indirect.scatter.add.f32 [tilespmem:s12], [sflag:$0x1], $0x1, s29, s14, $0xb8;
	[tilespmem:$0x2B00] =	vst v63  }
0x3f: {  	s30 =	simm.s32 $0xB80  }
0x40: {  	[spmem:s2] =	stream.indirect.scatter.add.f32 [tilespmem:s12], [sflag:$0x1], $0x1, s30, s14, $0xb8;
	[tilespmem:$0x2B00] =	vst v63  }
0x41: {  	s31 =	simm.s32 $0xC00  }
0x42: {  	[spmem:s2] =	stream.indirect.scatter.add.f32 [tilespmem:s12], [sflag:$0x1], $0x1, s31, s14, $0xb8;
	[tilespmem:$0x2B00] =	vst v63  }
0x43: {  	_ =	swait.ge [sflag:s15], $0x80  }
0x44: {  	[sflag:s15] =	ssyncset.done $0x0  }
0x45: {  	[sflag:s15] =	ssyncadd.s32 $0xFFFFFF80  }
0x46: {  	_ =	swait.ge [sflag:s15], $0x80  }
0x47: {  	[sflag:s15] =	ssyncset.done $0x0  }
0x48: {  	[sflag:s15] =	ssyncadd.s32 $0xFFFFFF80  }
0x49: {  	_ =	swait.ge [sflag:s15], $0x80  }
0x4a: {  	[sflag:s15] =	ssyncset.done $0x0  }
0x4b: {  	[sflag:s15] =	ssyncadd.s32 $0xFFFFFF80  }
0x4c: {  	_ =	swait.ge [sflag:s15], $0x80  }
0x4d: {  	[sflag:s15] =	ssyncset.done $0x0  }
0x4e: {  	[sflag:s15] =	ssyncadd.s32 $0xFFFFFF80  }
0x4f: {  	_ =	swait.ge [sflag:s15], $0x80  }
0x50: {  	[sflag:s15] =	ssyncset.done $0x0  }
0x51: {  	[sflag:s15] =	ssyncadd.s32 $0xFFFFFF80  }
0x52: {  	_ =	swait.ge [sflag:s15], $0x80  }
0x53: {  	[sflag:s15] =	ssyncset.done $0x0  }
0x54: {  	[sflag:s15] =	ssyncadd.s32 $0xFFFFFF80  }
0x55: {  	_ =	swait.ge [sflag:s15], $0x80  }
0x56: {  	[sflag:s15] =	ssyncset.done $0x0  }
0x57: {  	[sflag:s15] =	ssyncadd.s32 $0xFFFFFF80  }
0x58: {  	_ =	swait.ge [sflag:s15], $0x80  }
0x59: {  	[sflag:s15] =	ssyncset.done $0x0  }
0x5a: {  	[sflag:s15] =	ssyncadd.s32 $0xFFFFFF80  }
0x5b: {  	_ =	swait.ge [sflag:s15], $0x80  }
0x5c: {  	[sflag:s15] =	ssyncset.done $0x0  }
0x5d: {  	[sflag:s15] =	ssyncadd.s32 $0xFFFFFF80  }
0x5e: {  	_ =	swait.ge [sflag:s15], $0x80  }
0x5f: {  	[sflag:s15] =	ssyncset.done $0x0  }
0x60: {  	[sflag:s15] =	ssyncadd.s32 $0xFFFFFF80  }
0x61: {  	_ =	swait.ge [sflag:s15], $0x80  }
0x62: {  	[sflag:s15] =	ssyncset.done $0x0  }
0x63: {  	[sflag:s15] =	ssyncadd.s32 $0xFFFFFF80  }
0x64: {  	_ =	swait.ge [sflag:s15], $0x80  }
0x65: {  	[sflag:s15] =	ssyncset.done $0x0  }
0x66: {  	[sflag:s15] =	ssyncadd.s32 $0xFFFFFF80  }
0x67: {  	_ =	swait.ge [sflag:s15], $0x80  }
0x68: {  	[sflag:s15] =	ssyncset.done $0x0  }
0x69: {  	[sflag:s15] =	ssyncadd.s32 $0xFFFFFF80  }
0x6a: {  	_ =	swait.ge [sflag:s15], $0x80  }
0x6b: {  	[sflag:s15] =	ssyncset.done $0x0  }
0x6c: {  	[sflag:s15] =	ssyncadd.s32 $0xFFFFFF80  }
0x6d: {  	_ =	swait.ge [sflag:s15], $0x80  }
0x6e: {  	[sflag:s15] =	ssyncset.done $0x0  }
0x6f: {  	[sflag:s15] =	ssyncadd.s32 $0xFFFFFF80  }
0x70: {  	_ =	swait.ge [sflag:s15], $0x80  }
0x71: {  	[sflag:s15] =	ssyncset.done $0x0  }
0x72: {  	[sflag:s15] =	ssyncadd.s32 $0xFFFFFF80  }
0x73: {  	_ =	swait.ge [sflag:s15], $0x80  }
0x74: {  	[sflag:s15] =	ssyncset.done $0x0  }
0x75: {  	[sflag:s15] =	ssyncadd.s32 $0xFFFFFF80  }
0x76: {  	_ =	swait.ge [sflag:s15], $0x80  }
0x77: {  	[sflag:s15] =	ssyncset.done $0x0  }
0x78: {  	[sflag:s15] =	ssyncadd.s32 $0xFFFFFF80  }
0x79: {  	_ =	swait.ge [sflag:s15], $0x80  }
0x7a: {  	[sflag:s15] =	ssyncset.done $0x0  }
0x7b: {  	[sflag:s15] =	ssyncadd.s32 $0xFFFFFF80  }
0x7c: {  	_ =	swait.ge [sflag:s15], $0x80  }
0x7d: {  	s21 =	simm.s32 $0xA00;
	s22 =	simm.s32 $0x5000;
	[sflag:s15] =	ssyncset.done $0x0  }
.LBB2_2:
0x7e: {  	s23 =	sadd.s32 $0x280, s21  }
0x7f: {  	[sflag:s15] =	ssyncadd.s32 $0xFFFFFF80;
	s20 =	smov.u32 s22;
	s19 =	sadd.s32 $0x2800, s22  }
0x80: {  	[spmem:s2] =	stream.indirect.scatter.add.f32 [tilespmem:s12], [sflag:$0x1], $0x1, s23, s14, $0xb8;
	[tilespmem:$0x2B00] =	vst v63  }
0x81: {  	p0 =	sne.s32 s22, $0x7800;
	s22 =	sadd.s32 $0x300, s21  }
0x82: {  	[spmem:s2] =	stream.indirect.scatter.add.f32 [tilespmem:s12], [sflag:$0x1], $0x1, s22, s14, $0xb8;
	[tilespmem:$0x2B00] =	vst v63  }
0x83: {  	s22 =	sadd.s32 $0x380, s21  }
0x84: {  	[spmem:s2] =	stream.indirect.scatter.add.f32 [tilespmem:s12], [sflag:$0x1], $0x1, s22, s14, $0xb8;
	[tilespmem:$0x2B00] =	vst v63  }
0x85: {  	s22 =	sadd.s32 $0x400, s21  }
0x86: {  	[spmem:s2] =	stream.indirect.scatter.add.f32 [tilespmem:s12], [sflag:$0x1], $0x1, s22, s14, $0xb8;
	[tilespmem:$0x2B00] =	vst v63  }
0x87: {  	s22 =	sadd.s32 $0x480, s21  }
0x88: {  	[spmem:s2] =	stream.indirect.scatter.add.f32 [tilespmem:s12], [sflag:$0x1], $0x1, s22, s14, $0xb8;
	[tilespmem:$0x2B00] =	vst v63  }
0x89: {  	s22 =	sadd.s32 $0x500, s21  }
0x8a: {  	[spmem:s2] =	stream.indirect.scatter.add.f32 [tilespmem:s12], [sflag:$0x1], $0x1, s22, s14, $0xb8;
	[tilespmem:$0x2B00] =	vst v63  }
0x8b: {  	s22 =	sadd.s32 $0x580, s21  }
0x8c: {  	[spmem:s2] =	stream.indirect.scatter.add.f32 [tilespmem:s12], [sflag:$0x1], $0x1, s22, s14, $0xb8;
	[tilespmem:$0x2B00] =	vst v63  }
0x8d: {  	s22 =	sadd.s32 $0x600, s21  }
0x8e: {  	[spmem:s2] =	stream.indirect.scatter.add.f32 [tilespmem:s12], [sflag:$0x1], $0x1, s22, s14, $0xb8;
	[tilespmem:$0x2B00] =	vst v63  }
0x8f: {  	s22 =	sadd.s32 $0x680, s21  }
0x90: {  	[spmem:s2] =	stream.indirect.scatter.add.f32 [tilespmem:s12], [sflag:$0x1], $0x1, s22, s14, $0xb8;
	[tilespmem:$0x2B00] =	vst v63  }
0x91: {  	s22 =	sadd.s32 $0x700, s21  }
0x92: {  	[spmem:s2] =	stream.indirect.scatter.add.f32 [tilespmem:s12], [sflag:$0x1], $0x1, s22, s14, $0xb8;
	[tilespmem:$0x2B00] =	vst v63  }
0x93: {  	s22 =	sadd.s32 $0x780, s21  }
0x94: {  	[spmem:s2] =	stream.indirect.scatter.add.f32 [tilespmem:s12], [sflag:$0x1], $0x1, s22, s14, $0xb8;
	[tilespmem:$0x2B00] =	vst v63  }
0x95: {  	s22 =	sadd.s32 $0x800, s21  }
0x96: {  	[spmem:s2] =	stream.indirect.scatter.add.f32 [tilespmem:s12], [sflag:$0x1], $0x1, s22, s14, $0xb8;
	[tilespmem:$0x2B00] =	vst v63  }
0x97: {  	s22 =	sadd.s32 $0x880, s21  }
0x98: {  	[spmem:s2] =	stream.indirect.scatter.add.f32 [tilespmem:s12], [sflag:$0x1], $0x1, s22, s14, $0xb8;
	[tilespmem:$0x2B00] =	vst v63  }
0x99: {  	s22 =	sadd.s32 $0x900, s21  }
0x9a: {  	[spmem:s2] =	stream.indirect.scatter.add.f32 [tilespmem:s12], [sflag:$0x1], $0x1, s22, s14, $0xb8;
	[tilespmem:$0x2B00] =	vst v63  }
0x9b: {  	s22 =	sadd.s32 $0x980, s21  }
0x9c: {  	[spmem:s2] =	stream.indirect.scatter.add.f32 [tilespmem:s12], [sflag:$0x1], $0x1, s22, s14, $0xb8;
	[tilespmem:$0x2B00] =	vst v63  }
0x9d: {  	s22 =	sadd.s32 $0xA00, s21  }
0x9e: {  	[spmem:s2] =	stream.indirect.scatter.add.f32 [tilespmem:s12], [sflag:$0x1], $0x1, s22, s14, $0xb8;
	[tilespmem:$0x2B00] =	vst v63  }
0x9f: {  	s22 =	sadd.s32 $0xA80, s21  }
0xa0: {  	[spmem:s2] =	stream.indirect.scatter.add.f32 [tilespmem:s12], [sflag:$0x1], $0x1, s22, s14, $0xb8;
	[tilespmem:$0x2B00] =	vst v63  }
0xa1: {  	s22 =	sadd.s32 $0xB00, s21  }
0xa2: {  	[spmem:s2] =	stream.indirect.scatter.add.f32 [tilespmem:s12], [sflag:$0x1], $0x1, s22, s14, $0xb8;
	[tilespmem:$0x2B00] =	vst v63  }
0xa3: {  	s22 =	sadd.s32 $0xB80, s21  }
0xa4: {  	[spmem:s2] =	stream.indirect.scatter.add.f32 [tilespmem:s12], [sflag:$0x1], $0x1, s22, s14, $0xb8;
	[tilespmem:$0x2B00] =	vst v63  }
0xa5: {  	s21 =	sadd.s32 $0xC00, s21  }
0xa6: {  	[spmem:s2] =	stream.indirect.scatter.add.f32 [tilespmem:s12], [sflag:$0x1], $0x1, s21, s14, $0xb8;
	[tilespmem:$0x2B00] =	vst v63  }
0xa7: {  	_ =	swait.ge [sflag:s15], $0x80  }
0xa8: {  	[sflag:s15] =	ssyncset.done $0x0  }
0xa9: {  	[sflag:s15] =	ssyncadd.s32 $0xFFFFFF80  }
0xaa: {  	_ =	swait.ge [sflag:s15], $0x80  }
0xab: {  	[sflag:s15] =	ssyncset.done $0x0  }
0xac: {  	[sflag:s15] =	ssyncadd.s32 $0xFFFFFF80  }
0xad: {  	_ =	swait.ge [sflag:s15], $0x80  }
0xae: {  	[sflag:s15] =	ssyncset.done $0x0  }
0xaf: {  	[sflag:s15] =	ssyncadd.s32 $0xFFFFFF80  }
0xb0: {  	_ =	swait.ge [sflag:s15], $0x80  }
0xb1: {  	[sflag:s15] =	ssyncset.done $0x0  }
0xb2: {  	[sflag:s15] =	ssyncadd.s32 $0xFFFFFF80  }
0xb3: {  	_ =	swait.ge [sflag:s15], $0x80  }
0xb4: {  	[sflag:s15] =	ssyncset.done $0x0  }
0xb5: {  	[sflag:s15] =	ssyncadd.s32 $0xFFFFFF80  }
0xb6: {  	_ =	swait.ge [sflag:s15], $0x80  }
0xb7: {  	[sflag:s15] =	ssyncset.done $0x0  }
0xb8: {  	[sflag:s15] =	ssyncadd.s32 $0xFFFFFF80  }
0xb9: {  	_ =	swait.ge [sflag:s15], $0x80  }
0xba: {  	[sflag:s15] =	ssyncset.done $0x0  }
0xbb: {  	[sflag:s15] =	ssyncadd.s32 $0xFFFFFF80  }
0xbc: {  	_ =	swait.ge [sflag:s15], $0x80  }
0xbd: {  	[sflag:s15] =	ssyncset.done $0x0  }
0xbe: {  	[sflag:s15] =	ssyncadd.s32 $0xFFFFFF80  }
0xbf: {  	_ =	swait.ge [sflag:s15], $0x80  }
0xc0: {  	[sflag:s15] =	ssyncset.done $0x0  }
0xc1: {  	[sflag:s15] =	ssyncadd.s32 $0xFFFFFF80  }
0xc2: {  	_ =	swait.ge [sflag:s15], $0x80  }
0xc3: {  	[sflag:s15] =	ssyncset.done $0x0  }
0xc4: {  	[sflag:s15] =	ssyncadd.s32 $0xFFFFFF80  }
0xc5: {  	_ =	swait.ge [sflag:s15], $0x80  }
0xc6: {  	[sflag:s15] =	ssyncset.done $0x0  }
0xc7: {  	[sflag:s15] =	ssyncadd.s32 $0xFFFFFF80  }
0xc8: {  	_ =	swait.ge [sflag:s15], $0x80  }
0xc9: {  	[sflag:s15] =	ssyncset.done $0x0  }
0xca: {  	[sflag:s15] =	ssyncadd.s32 $0xFFFFFF80  }
0xcb: {  	_ =	swait.ge [sflag:s15], $0x80  }
0xcc: {  	[sflag:s15] =	ssyncset.done $0x0  }
0xcd: {  	[sflag:s15] =	ssyncadd.s32 $0xFFFFFF80  }
0xce: {  	_ =	swait.ge [sflag:s15], $0x80  }
0xcf: {  	[sflag:s15] =	ssyncset.done $0x0  }
0xd0: {  	[sflag:s15] =	ssyncadd.s32 $0xFFFFFF80  }
0xd1: {  	_ =	swait.ge [sflag:s15], $0x80  }
0xd2: {  	[sflag:s15] =	ssyncset.done $0x0  }
0xd3: {  	[sflag:s15] =	ssyncadd.s32 $0xFFFFFF80  }
0xd4: {  	_ =	swait.ge [sflag:s15], $0x80  }
0xd5: {  	[sflag:s15] =	ssyncset.done $0x0  }
0xd6: {  	[sflag:s15] =	ssyncadd.s32 $0xFFFFFF80  }
0xd7: {  	_ =	swait.ge [sflag:s15], $0x80  }
0xd8: {  	[sflag:s15] =	ssyncset.done $0x0  }
0xd9: {  	[sflag:s15] =	ssyncadd.s32 $0xFFFFFF80  }
0xda: {  	_ =	swait.ge [sflag:s15], $0x80  }
0xdb: {  	[sflag:s15] =	ssyncset.done $0x0  }
0xdc: {  	[sflag:s15] =	ssyncadd.s32 $0xFFFFFF80  }
.Ltmp0:
0xdd: {  	_ =	swait.ge [sflag:s15], $0x80;
	(pc) =	sbr.rel @p0 .LBB2_2-.Ltmp0, $4  }
0xde: {  	[sflag:s15] =	ssyncset.done $0x0  }
0xdf: {  	[sflag:s15] =	ssyncadd.s32 $0xFFFFFF80  }
0xe0: {  	_ =	swait.ge [sflag:s15], $0x80  }
0xe1: {  	s22 =	smov.u32 s19;
	s21 =	sshra.s32 s20, $0x2;
	[sflag:s15] =	ssyncset.done $0x0  }
0xe2: {  	s19 =	sadd.s32 $0x280, s21;
	[sflag:s15] =	ssyncadd.s32 $0xFFFFFF80  }
0xe3: {  	[spmem:s2] =	stream.indirect.scatter.add.f32 [tilespmem:s12], [sflag:$0x1], $0x1, s19, s14, $0xb8;
	[tilespmem:$0x2B00] =	vst v63  }
0xe4: {  	s22 =	sadd.s32 $0x300, s21  }
0xe5: {  	[spmem:s2] =	stream.indirect.scatter.add.f32 [tilespmem:s12], [sflag:$0x1], $0x1, s22, s14, $0xb8;
	[tilespmem:$0x2B00] =	vst v63  }
0xe6: {  	s23 =	sadd.s32 $0x380, s21  }
0xe7: {  	[spmem:s2] =	stream.indirect.scatter.add.f32 [tilespmem:s12], [sflag:$0x1], $0x1, s23, s14, $0xb8;
	[tilespmem:$0x2B00] =	vst v63  }
0xe8: {  	s24 =	sadd.s32 $0x400, s21  }
0xe9: {  	[spmem:s2] =	stream.indirect.scatter.add.f32 [tilespmem:s12], [sflag:$0x1], $0x1, s24, s14, $0xb8;
	[tilespmem:$0x2B00] =	vst v63  }
0xea: {  	s25 =	sadd.s32 $0x480, s21  }
0xeb: {  	[spmem:s2] =	stream.indirect.scatter.add.f32 [tilespmem:s12], [sflag:$0x1], $0x1, s25, s14, $0xb8;
	[tilespmem:$0x2B00] =	vst v63  }
0xec: {  	s26 =	sadd.s32 $0x500, s21  }
0xed: {  	[spmem:s2] =	stream.indirect.scatter.add.f32 [tilespmem:s12], [sflag:$0x1], $0x1, s26, s14, $0xb8;
	[tilespmem:$0x2B00] =	vst v63  }
0xee: {  	s28 =	sadd.s32 $0x580, s21  }
0xef: {  	[spmem:s2] =	stream.indirect.scatter.add.f32 [tilespmem:s12], [sflag:$0x1], $0x1, s28, s14, $0xb8;
	[tilespmem:$0x2B00] =	vst v63  }
0xf0: {  	s29 =	sadd.s32 $0x600, s21  }
0xf1: {  	[spmem:s2] =	stream.indirect.scatter.add.f32 [tilespmem:s12], [sflag:$0x1], $0x1, s29, s14, $0xb8;
	[tilespmem:$0x2B00] =	vst v63  }
0xf2: {  	s30 =	sadd.s32 $0x680, s21  }
0xf3: {  	[spmem:s2] =	stream.indirect.scatter.add.f32 [tilespmem:s12], [sflag:$0x1], $0x1, s30, s14, $0xb8;
	[tilespmem:$0x2B00] =	vst v63  }
0xf4: {  	s31 =	sadd.s32 $0x700, s21  }
0xf5: {  	[spmem:s2] =	stream.indirect.scatter.add.f32 [tilespmem:s12], [sflag:$0x1], $0x1, s31, s14, $0xb8;
	[tilespmem:$0x2B00] =	vst v63  }
0xf6: {  	s20 =	sadd.s32 $0x780, s21  }
0xf7: {  	[spmem:s2] =	stream.indirect.scatter.add.f32 [tilespmem:s12], [sflag:$0x1], $0x1, s20, s14, $0xb8;
	[tilespmem:$0x2B00] =	vst v63  }
0xf8: {  	s22 =	sadd.s32 $0x800, s21  }
0xf9: {  	[spmem:s2] =	stream.indirect.scatter.add.f32 [tilespmem:s12], [sflag:$0x1], $0x1, s22, s14, $0xb8;
	[tilespmem:$0x2B00] =	vst v63  }
0xfa: {  	s23 =	sadd.s32 $0x880, s21  }
0xfb: {  	[spmem:s2] =	stream.indirect.scatter.add.f32 [tilespmem:s12], [sflag:$0x1], $0x1, s23, s14, $0xb8;
	[tilespmem:$0x2B00] =	vst v63  }
0xfc: {  	s24 =	sadd.s32 $0x900, s21  }
0xfd: {  	[spmem:s2] =	stream.indirect.scatter.add.f32 [tilespmem:s12], [sflag:$0x1], $0x1, s24, s14, $0xb8;
	[tilespmem:$0x2B00] =	vst v63  }
0xfe: {  	s25 =	sadd.s32 $0x980, s21  }
0xff: {  	[spmem:s2] =	stream.indirect.scatter.add.f32 [tilespmem:s12], [sflag:$0x1], $0x1, s25, s14, $0xb8;
	[tilespmem:$0x2B00] =	vst v63  }
0x100: {  	s26 =	sadd.s32 $0xA00, s21  }
0x101: {  	[spmem:s2] =	stream.indirect.scatter.add.f32 [tilespmem:s12], [sflag:$0x1], $0x1, s26, s14, $0xb8;
	[tilespmem:$0x2B00] =	vst v63  }
0x102: {  	s28 =	sadd.s32 $0xA80, s21  }
0x103: {  	[spmem:s2] =	stream.indirect.scatter.add.f32 [tilespmem:s12], [sflag:$0x1], $0x1, s28, s14, $0xb8;
	[tilespmem:$0x2B00] =	vst v63  }
0x104: {  	s29 =	sadd.s32 $0xB00, s21  }
0x105: {  	[spmem:s2] =	stream.indirect.scatter.add.f32 [tilespmem:s12], [sflag:$0x1], $0x1, s29, s14, $0xb8;
	[tilespmem:$0x2B00] =	vst v63  }
0x106: {  	s30 =	sadd.s32 $0xB80, s21  }
0x107: {  	[spmem:s2] =	stream.indirect.scatter.add.f32 [tilespmem:s12], [sflag:$0x1], $0x1, s30, s14, $0xb8;
	[tilespmem:$0x2B00] =	vst v63  }
0x108: {  	s31 =	sadd.s32 $0xC00, s21  }
0x109: {  	[spmem:s2] =	stream.indirect.scatter.add.f32 [tilespmem:s12], [sflag:$0x1], $0x1, s31, s14, $0xb8;
	[tilespmem:$0x2B00] =	vst v63  }
0x10a: {  	_ =	swait.ge [sflag:s15], $0x80  }
0x10b: {  	[sflag:s15] =	ssyncset.done $0x0  }
0x10c: {  	[sflag:s15] =	ssyncadd.s32 $0xFFFFFF80  }
0x10d: {  	_ =	swait.ge [sflag:s15], $0x80  }
0x10e: {  	[sflag:s15] =	ssyncset.done $0x0  }
0x10f: {  	[sflag:s15] =	ssyncadd.s32 $0xFFFFFF80  }
0x110: {  	_ =	swait.ge [sflag:s15], $0x80  }
0x111: {  	[sflag:s15] =	ssyncset.done $0x0  }
0x112: {  	[sflag:s15] =	ssyncadd.s32 $0xFFFFFF80  }
0x113: {  	_ =	swait.ge [sflag:s15], $0x80  }
0x114: {  	[sflag:s15] =	ssyncset.done $0x0  }
0x115: {  	[sflag:s15] =	ssyncadd.s32 $0xFFFFFF80  }
0x116: {  	_ =	swait.ge [sflag:s15], $0x80  }
0x117: {  	[sflag:s15] =	ssyncset.done $0x0  }
0x118: {  	[sflag:s15] =	ssyncadd.s32 $0xFFFFFF80  }
0x119: {  	_ =	swait.ge [sflag:s15], $0x80  }
0x11a: {  	[sflag:s15] =	ssyncset.done $0x0  }
0x11b: {  	[sflag:s15] =	ssyncadd.s32 $0xFFFFFF80  }
0x11c: {  	_ =	swait.ge [sflag:s15], $0x80  }
0x11d: {  	[sflag:s15] =	ssyncset.done $0x0  }
0x11e: {  	[sflag:s15] =	ssyncadd.s32 $0xFFFFFF80  }
0x11f: {  	_ =	swait.ge [sflag:s15], $0x80  }
0x120: {  	[sflag:s15] =	ssyncset.done $0x0  }
0x121: {  	[sflag:s15] =	ssyncadd.s32 $0xFFFFFF80  }
0x122: {  	_ =	swait.ge [sflag:s15], $0x80  }
0x123: {  	[sflag:s15] =	ssyncset.done $0x0  }
0x124: {  	[sflag:s15] =	ssyncadd.s32 $0xFFFFFF80  }
0x125: {  	_ =	swait.ge [sflag:s15], $0x80  }
0x126: {  	[sflag:s15] =	ssyncset.done $0x0  }
0x127: {  	[sflag:s15] =	ssyncadd.s32 $0xFFFFFF80  }
0x128: {  	_ =	swait.ge [sflag:s15], $0x80  }
0x129: {  	[sflag:s15] =	ssyncset.done $0x0  }
0x12a: {  	[sflag:s15] =	ssyncadd.s32 $0xFFFFFF80  }
0x12b: {  	_ =	swait.ge [sflag:s15], $0x80  }
0x12c: {  	[sflag:s15] =	ssyncset.done $0x0  }
0x12d: {  	[sflag:s15] =	ssyncadd.s32 $0xFFFFFF80  }
0x12e: {  	_ =	swait.ge [sflag:s15], $0x80  }
0x12f: {  	[sflag:s15] =	ssyncset.done $0x0  }
0x130: {  	[sflag:s15] =	ssyncadd.s32 $0xFFFFFF80  }
0x131: {  	_ =	swait.ge [sflag:s15], $0x80  }
0x132: {  	[sflag:s15] =	ssyncset.done $0x0  }
0x133: {  	[sflag:s15] =	ssyncadd.s32 $0xFFFFFF80  }
0x134: {  	_ =	swait.ge [sflag:s15], $0x80  }
0x135: {  	[sflag:s15] =	ssyncset.done $0x0  }
0x136: {  	[sflag:s15] =	ssyncadd.s32 $0xFFFFFF80  }
0x137: {  	_ =	swait.ge [sflag:s15], $0x80  }
0x138: {  	[sflag:s15] =	ssyncset.done $0x0  }
0x139: {  	[sflag:s15] =	ssyncadd.s32 $0xFFFFFF80  }
0x13a: {  	_ =	swait.ge [sflag:s15], $0x80  }
0x13b: {  	[sflag:s15] =	ssyncset.done $0x0  }
0x13c: {  	[sflag:s15] =	ssyncadd.s32 $0xFFFFFF80  }
0x13d: {  	_ =	swait.ge [sflag:s15], $0x80  }
0x13e: {  	[sflag:s15] =	ssyncset.done $0x0  }
0x13f: {  	[sflag:s15] =	ssyncadd.s32 $0xFFFFFF80  }
0x140: {  	_ =	swait.ge [sflag:s15], $0x80  }
0x141: {  	[sflag:s15] =	ssyncset.done $0x0  }
0x142: {  	[sflag:s15] =	ssyncadd.s32 $0xFFFFFF80  }
0x143: {  	_ =	swait.ge [sflag:s15], $0x80  }
0x144: {  	s18 =	sadd.s32 $0x1, s18;
	[sflag:s15] =	ssyncset.done $0x0  }
0x145: {  	p0 =	sne.s32 s18, s9;
	[sflag:s15] =	ssyncadd.s32 $0xFFFFFF80  }
.Ltmp1:
0x146: {  	[bflag:$0x0] =	sbarrier.arrive $0xFFFF;
	(pc) =	sbr.rel @p0 .LBB2_1-.Ltmp1, $4  }
0x147: {  	[hbm:s8@s16], [sflag:s6] =	dma.strided [spmem:s10@s17], $0x50, s15, $0x10   }
0x148: {  	_ =	swait.ge [sflag:s11], $0x50  }
0x149: {  	[sflag:s11] =	ssyncset.done $0x0  }
0x14a: {  	[sflag:s11] =	ssyncadd.s32 $0xFFFFFFB0  }
0x14b: {  	_ =	sfence.sel $0x180000  }
0x14c: {  	[bflag:$0x0] =	sbarrier.arrive $0xFFFF  }
0x14d: {  	p0 =	sne.s32 s0, $0x0;
	_ =	strace $0x90000047  }
0x14e: {  	s0 =	sadd.s32 @!p0 $0x100000, s1;
	[bflag:$0x2] =	sbarrier.arrive $0xFFFF  }
0x14f: {  	[sflag:s0] =	ssyncadd.tile.s32 @!p0 $0x1;
	_ =	shalt  }
.Lfunc_end2:
_tile_overlayer_lowered:
.L_overlay_start_2:
0x150: {  	(tag) =	ssettag $0x2  }
0x151: {  	s0 =	rddreg [dreg:$0x0];
	s2 =	stileid.u32  }
0x152: {  	s1 =	rddreg [dreg:$0x1];
	p0 =	sne.s32 s2, $0x0  }
0x153: {  	s3 =	rddreg [dreg:$0x2];
	[bflag:$0x3] =	sbarrier.arrive $0xFFFF;
	s2 =	simm.s32 @!p0 $0x1C02  }
0x154: {  	[timem:s3], [sflag:s2] =	dma.local @!p0 [hbm:s0], s1  }
0x155: {  	s0 =	simm.s32 @!p0 $0x2  }
0x156: {  	_ =	swait.ge @!p0 [sflag:s0], s1  }
0x157: {  	s1 =	ssub.s32 @!p0 $0x0, s1;
	[sflag:s0] =	ssyncset.done @!p0 $0x0  }
0x158: {  	[sflag:s0] =	ssyncadd.s32 @!p0 s1  }
0x159: {  	[bflag:$0x3] =	sbarrier.arrive $0xFFFF  }
0x15a: {  	_ =	shalt  }

</sc_bundles>
